<compile_context>
chip_gen: v7x
topology: tpu7x:2x2x1
jax: 0.10.2.dev20260603
libtpu: 0.0.44.dev20260713+nightly
codegen_flags: <defaults>
</compile_context>

<pallas_src>
import functools

import jax
import jax.numpy as jnp
from jax import lax
from jax.experimental import pallas as pl
from jax.experimental.pallas import tpu as pltpu
from jax.experimental.pallas import tpu_sc as plsc

NC = 2
NS = 16
NW = NC * NS
LANES = 16

_sc_mesh = functools.partial(
    plsc.VectorSubcoreMesh,
    core_axis_name="c", subcore_axis_name="s", num_cores=NC, num_subcores=NS,
)


def _worker_id():
    return lax.axis_index("s") * NC + lax.axis_index("c")


DEG_DEPTH = 6


def _make_deg_kernel(N, E):
    K = 128
    epw = E // NW
    nit = 2 * ((epw + 2 * K - 1) // (2 * K))
    pad = nit * K - epw
    FD = 16
    Z = 200
    nch = N // Z
    rmax = (nch + NS - 1) // NS

    @functools.partial(
        pl.kernel,
        out_type=jax.ShapeDtypeStruct((NC, N, FD), jnp.float32),
        mesh=_sc_mesh(),
        compiler_params=pltpu.CompilerParams(use_tc_tiling_on_sc=False),
        scratch_types=[
            pltpu.VMEM((nit * K,), jnp.int32),
            pltpu.VMEM((K, FD), jnp.float32),
            pltpu.VMEM_SHARED((N + 128, FD), jnp.float32),
            pltpu.SemaphoreType.DMA,
            pltpu.SemaphoreType.DMA,
        ],
    )
    def deg_kernel(ei_hbm, z_hbm, out_hbm, didx, ones_v, acc, ss, sz):
        c = lax.axis_index("c")
        s = lax.axis_index("s")
        w = s * NC + c

        def zf_body(r, _):
            m = s + NS * r

            @pl.when(m < nch)
            def _do():
                pltpu.async_copy(z_hbm, acc.at[pl.ds(m * Z, Z)], sz)

            return _

        lax.fori_loop(0, rmax, zf_body, None)

        pltpu.sync_copy(ei_hbm.at[pl.ds(E + w * epw, epw)],
                        didx.at[pl.ds(0, epw)])
        tb = N + lax.iota(jnp.int32, LANES)
        for t in range(pad // LANES):
            didx[pl.ds(epw + t * LANES, LANES)] = tb + (t % 8) * LANES

        def fill_body(i, _):
            ones_v[i, :] = jnp.ones((FD,), jnp.float32)
            return _

        lax.fori_loop(0, K, fill_body, None)

        def zd_body(r, _):
            m = s + NS * r

            @pl.when(m < nch)
            def _do():
                pltpu.make_async_copy(z_hbm, acc.at[pl.ds(m * Z, Z)],
                                      sz).wait()

            return _

        lax.fori_loop(0, rmax, zd_body, None)
        plsc.subcore_barrier()

        def body(j, _):
            pltpu.async_copy(ones_v, acc.at[didx.at[pl.ds(j * K, K)]], ss,
                             add=True)

            @pl.when(j >= DEG_DEPTH)
            def _drain():
                pltpu.make_async_copy(ones_v,
                                      acc.at[didx.at[pl.ds(0, K)]],
                                      ss).wait()

            return _

        lax.fori_loop(0, nit, body, None)
        for _ in range(DEG_DEPTH):
            pltpu.make_async_copy(ones_v, acc.at[didx.at[pl.ds(0, K)]],
                                  ss).wait()
        plsc.subcore_barrier()

        def out_body(r, _):
            m = s + NS * r

            @pl.when(m < nch)
            def _do():
                pltpu.sync_copy(acc.at[pl.ds(m * Z, Z)],
                                out_hbm.at[c, pl.ds(m * Z, Z)])

            return _

        lax.fori_loop(0, rmax, out_body, None)

    return deg_kernel


AGG_K = 112


def _make_agg_kernel(N, E, F):
    epw = E // NW
    K = AGG_K if F > 64 else 128
    FO = 128
    nit = 2 * ((epw + 2 * K - 1) // (2 * K))
    pad = nit * K - epw
    Z = 200
    nch = N // Z
    rmax = (nch + NS - 1) // NS
    assert nit % 2 == 0 and pad % LANES == 0

    @functools.partial(
        pl.kernel,
        out_type=jax.ShapeDtypeStruct((NC, N, FO), jnp.float32),
        mesh=_sc_mesh(),
        compiler_params=pltpu.CompilerParams(use_tc_tiling_on_sc=False),
        scratch_types=[
            pltpu.VMEM((nit * K,), jnp.int32),
            pltpu.VMEM((nit * K,), jnp.int32),
            pltpu.VMEM((2, K, F), jnp.float32),
            pltpu.VMEM_SHARED((N + 128, F), jnp.float32),
            pltpu.SemaphoreType.DMA,
            pltpu.SemaphoreType.DMA,
            pltpu.SemaphoreType.DMA,
            pltpu.SemaphoreType.DMA,
            pltpu.SemaphoreType.DMA,
        ],
    )
    def agg_kernel(h_hbm, ei_hbm, z_hbm, out_hbm, sidx, didx, rows,
                   acc, sg0, sg1, ss0, ss1, sz):
        c = lax.axis_index("c")
        s = lax.axis_index("s")
        w = s * NC + c
        SG = (sg0, sg1)
        SS = (ss0, ss1)

        def zf_body(r, _):
            m = s + NS * r

            @pl.when(m < nch)
            def _do():
                pltpu.async_copy(z_hbm, acc.at[pl.ds(m * Z, Z)], sz)

            return _

        lax.fori_loop(0, rmax, zf_body, None)

        pltpu.sync_copy(ei_hbm.at[pl.ds(w * epw, epw)],
                        sidx.at[pl.ds(0, epw)])
        pltpu.sync_copy(ei_hbm.at[pl.ds(E + w * epw, epw)],
                        didx.at[pl.ds(0, epw)])
        tb = N + lax.iota(jnp.int32, LANES)
        for t in range(pad // LANES):
            sidx[pl.ds(epw + t * LANES, LANES)] = (tb - N) + (t % 8) * LANES
            didx[pl.ds(epw + t * LANES, LANES)] = tb + (t % 8) * LANES


        def zd_body(r, _):
            m = s + NS * r

            @pl.when(m < nch)
            def _do():
                pltpu.make_async_copy(z_hbm, acc.at[pl.ds(m * Z, Z)],
                                      sz).wait()

            return _

        lax.fori_loop(0, rmax, zd_body, None)
        plsc.subcore_barrier()

        pltpu.async_copy(h_hbm.at[sidx.at[pl.ds(0, K)]], rows.at[0], sg0)

        def body(g, _):
            for b in range(2):
                j = g * 2 + b
                nb = 1 - b

                @pl.when(j + 1 < nit)
                def _prefetch():
                    @pl.when(j >= 1)
                    def _drain():
                        pltpu.make_async_copy(
                            rows.at[nb],
                            acc.at[didx.at[pl.ds((j - 1) * K, K)]],
                            SS[nb]).wait()

                    pltpu.async_copy(h_hbm.at[sidx.at[pl.ds((j + 1) * K, K)]],
                                     rows.at[nb], SG[nb])

                pltpu.make_async_copy(h_hbm.at[sidx.at[pl.ds(j * K, K)]],
                                      rows.at[b], SG[b]).wait()
                pltpu.async_copy(rows.at[b], acc.at[didx.at[pl.ds(j * K, K)]],
                                 SS[b], add=True)
            return _

        lax.fori_loop(0, nit // 2, body, None)
        for b in range(2):
            pltpu.make_async_copy(rows.at[b], acc.at[didx.at[pl.ds(0, K)]],
                                  SS[b]).wait()
        plsc.subcore_barrier()

        def out_body(r, _):
            m = s + NS * r

            @pl.when(m < nch)
            def _do():
                pltpu.sync_copy(acc.at[pl.ds(m * Z, Z)],
                                out_hbm.at[c, pl.ds(m * Z, Z), pl.ds(0, F)])

            return _

        lax.fori_loop(0, rmax, out_body, None)

    return agg_kernel


def _dinv_from(degs_ref):
    deg = degs_ref[0, :, 0:1] + degs_ref[1, :, 0:1]
    return jnp.where(deg > 0, lax.rsqrt(jnp.maximum(deg, 1e-12)), 0.0)


def _mm_body(x_ref, w_ref, out_ref):
    out_ref[...] = jnp.dot(x_ref[...], w_ref[...],
                           preferred_element_type=jnp.float32)


def _scale_body(u_ref, degs_ref, out_ref):
    out_ref[...] = u_ref[...] * _dinv_from(degs_ref)


def _mid_body(p_ref, degs_ref, b_ref, w_ref, out_ref):
    dinv = _dinv_from(degs_ref)
    a = (p_ref[0] + p_ref[1]) * dinv + b_ref[...]
    z = jnp.maximum(a, 0.0)
    h = jnp.dot(z, w_ref[...], preferred_element_type=jnp.float32)
    out_ref[...] = h * dinv


def _out_body(p_ref, degs_ref, b_ref, out_ref):
    C = out_ref.shape[1]
    dinv = _dinv_from(degs_ref)
    o = (p_ref[0, :, :C] + p_ref[1, :, :C]) * dinv + b_ref[...]
    m = jnp.max(o, axis=1, keepdims=True)
    e = jnp.exp(o - m)
    ssum = jnp.sum(e, axis=1, keepdims=True)
    out_ref[...] = (o - m) - jnp.log(ssum)


def kernel(x, edge_index, W1, b1, W2, b2):
    N, F_IN = x.shape
    H = W1.shape[1]
    C = W2.shape[1]
    E = edge_index.shape[1]
    ei_flat = edge_index.reshape(2 * E)
    degs = _make_deg_kernel(N, E)(ei_flat,
                                  jnp.zeros((200, 16), jnp.float32))

    BN = 2000
    grid = (N // BN,)
    row_spec = lambda F: pl.BlockSpec((BN, F), lambda i: (i, 0))
    degs_spec = pl.BlockSpec((NC, BN, 16), lambda i: (0, i, 0))
    part_spec = lambda F: pl.BlockSpec((NC, BN, F), lambda i: (0, i, 0))
    full = lambda a, b: pl.BlockSpec((a, b), lambda i: (0, 0))

    u1 = pl.pallas_call(
        _mm_body,
        grid=grid,
        in_specs=[row_spec(F_IN), full(F_IN, H)],
        out_specs=row_spec(H),
        out_shape=jax.ShapeDtypeStruct((N, H), jnp.float32),
    )(x, W1)

    h1s = pl.pallas_call(
        _scale_body,
        grid=grid,
        in_specs=[row_spec(H), degs_spec],
        out_specs=row_spec(H),
        out_shape=jax.ShapeDtypeStruct((N, H), jnp.float32),
    )(u1, degs)

    p1 = _make_agg_kernel(N, E, H)(h1s, ei_flat, jnp.zeros((200, H), jnp.float32))

    h2s = pl.pallas_call(
        _mid_body,
        grid=grid,
        in_specs=[part_spec(H), degs_spec, full(1, H), full(H, C)],
        out_specs=row_spec(C),
        out_shape=jax.ShapeDtypeStruct((N, C), jnp.float32),
    )(p1, degs, b1.reshape(1, H), W2)

    p2 = _make_agg_kernel(N, E, C)(h2s, ei_flat, jnp.zeros((200, C), jnp.float32))

    out = pl.pallas_call(
        _out_body,
        grid=grid,
        in_specs=[part_spec(128), degs_spec, full(1, C)],
        out_specs=row_spec(C),
        out_shape=jax.ShapeDtypeStruct((N, C), jnp.float32),
    )(p2, degs, b2.reshape(1, C))

    return out

# --- scband reference (transcript-rebuilt; emitter-appended) ---
"""Pipeline reference for scband-gcn-11862699671726 (READ-ONLY COPY).

The authoritative reference and input builder live on the scoring server;
editing this copy changes nothing except your own understanding.
"""

import jax, jax.numpy as jnp
import numpy as np

N = 10000
E = 320000
F_IN = 128
H = 128
C = 64


def setup_inputs(seed: int = 0) -> dict:
    key = jax.random.key(seed)
    k1, k2, k3, k4, k5, k6 = jax.random.split(key, 6)
    x = jax.random.normal(k1, (N, F_IN), dtype=jnp.float32)
    edge_index = jax.random.randint(k2, (2, E), 0, N, dtype=jnp.int32)
    W1 = jax.random.normal(k3, (F_IN, H), dtype=jnp.float32) * (1.0 / np.sqrt(F_IN))
    b1 = jnp.zeros((H,), dtype=jnp.float32)
    W2 = jax.random.normal(k4, (H, C), dtype=jnp.float32) * (1.0 / np.sqrt(H))
    b2 = jnp.zeros((C,), dtype=jnp.float32)
    return {"x": x, "edge_index": edge_index, "W1": W1, "b1": b1, "W2": W2, "b2": b2}


def _gcn_conv(x, edge_index, W, b):
    # GCNConv with add_self_loops=False: out = D^{-1/2} A D^{-1/2} (x W) + b
    src = edge_index[0]
    dst = edge_index[1]
    h = x @ W
    ones = jnp.ones((edge_index.shape[1],), dtype=x.dtype)
    deg = jax.ops.segment_sum(ones, dst, num_segments=N)
    deg_inv_sqrt = jnp.where(deg > 0, jax.lax.rsqrt(jnp.maximum(deg, 1e-12)), 0.0)
    norm = deg_inv_sqrt[src] * deg_inv_sqrt[dst]
    msg = h[src] * norm[:, None]
    out = jax.ops.segment_sum(msg, dst, num_segments=N)
    return out + b


def reference(x, edge_index, W1, b1, W2, b2):
    h = _gcn_conv(x, edge_index, W1, b1)
    h = jax.nn.relu(h)
    # F.dropout(x, training=self.training): reference is run in eval mode -> identity
    out = _gcn_conv(h, edge_index, W2, b2)
    return jax.nn.log_softmax(out, axis=1)

if __name__ == "__main__":
    import jax
    _d = setup_inputs()
    print(jax.jit(kernel)(*tuple(_d.values())))

</pallas_src>

<mosaic_0001>
#map = affine_map<(d0, d1) -> (0, 0)>
#map1 = affine_map<(d0, d1) -> (0)>
#map2 = affine_map<(d0, d1) -> (0, 0, 0)>
module attributes {stable_mosaic.version = 14 : i64} {
  func.func @agg_kernel(%arg0: i32, %arg1: i32, %arg2: memref<10000x64xf32, #tpu.memory_space<hbm>>, %arg3: memref<640000xi32, #tpu.memory_space<hbm>>, %arg4: memref<200x64xf32, #tpu.memory_space<hbm>>, %arg5: memref<2x10000x128xf32, #tpu.memory_space<hbm>>, %arg6: memref<10240xi32, #tpu.memory_space<vmem>>, %arg7: memref<10240xi32, #tpu.memory_space<vmem>>, %arg8: memref<2x128x64xf32, #tpu.memory_space<vmem>>, %arg9: memref<10128x64xf32, #tpu.memory_space<vmem_shared>>, %arg10: memref<!tpu.dma_semaphore, #tpu.memory_space<semaphore_mem>>, %arg11: memref<!tpu.dma_semaphore, #tpu.memory_space<semaphore_mem>>, %arg12: memref<!tpu.dma_semaphore, #tpu.memory_space<semaphore_mem>>, %arg13: memref<!tpu.dma_semaphore, #tpu.memory_space<semaphore_mem>>, %arg14: memref<!tpu.dma_semaphore, #tpu.memory_space<semaphore_mem>>) attributes {dimension_semantics = [#tpu.dimension_semantics<core_parallel>, #tpu.dimension_semantics<subcore_parallel>], iteration_bounds = array<i64: 2, 16>, scalar_prefetch = 0 : i64, scratch_operands = 9 : i64, tpu.core_type = #tpu.core_type<sc_vector_subcore>, window_params = [{transform_indices = #map}, {transform_indices = #map1}, {transform_indices = #map}, {transform_indices = #map2}]} {
    %mul3A = arith.constant 2 : i32
    %mul3A_0 = arith.muli %arg1, %mul3A : i32
    %add3A = arith.addi %mul3A_0, %arg0 : i32
    %scan3A = arith.constant 0 : i32
    %scan3A_1 = arith.constant 4 : i32
    %scan3A_2 = arith.addi %scan3A, %scan3A_1 : i32
    %scan3A_3 = arith.constant 1 : i32
    scf.for %scan3A_311 = %scan3A to %scan3A_2 step %scan3A_3  : i32 {
      %mul3A_312 = arith.constant 16 : i32
      %mul3A_313 = arith.muli %mul3A_312, %scan3A_311 : i32
      %add3A_314 = arith.addi %arg1, %mul3A_313 : i32
      %lt3A = arith.constant 50 : i32
      %lt3A_315 = arith.cmpi slt, %add3A_314, %lt3A : i32
      %convert_element_type3A = arith.extui %lt3A_315 : i1 to i32
      %cond3A = arith.constant 0 : i32
      %cond3A_316 = arith.cmpi ne, %convert_element_type3A, %cond3A : i32
      scf.if %cond3A_316 {
        %mul3A_317 = arith.constant 200 : i32
        %mul3A_318 = arith.muli %add3A_314, %mul3A_317 : i32
        %dma_start3A_319 = arith.constant 0 : i32
        %dma_start3A_320 = tpu.memref_slice %arg9[%mul3A_318, %dma_start3A_319] : memref<10128x64xf32, #tpu.memory_space<vmem_shared>> -> memref<200x64xf32, #tpu.memory_space<vmem_shared>>
        tpu.enqueue_dma source(%arg4 : memref<200x64xf32, #tpu.memory_space<hbm>>) target(%dma_start3A_320 : memref<200x64xf32, #tpu.memory_space<vmem_shared>>) target_semaphore(%arg14 : memref<!tpu.dma_semaphore, #tpu.memory_space<semaphore_mem>>)
      } else {
      }
    }
    %scan3A_4 = arith.constant 4 : i32
    %mul3A_5 = arith.constant 10000 : i32
    %mul3A_6 = arith.muli %add3A, %mul3A_5 : i32
    "tpu.region"() ({
      %run_scoped3A = tpu.sem_alloc : memref<!tpu.dma_semaphore, #tpu.memory_space<semaphore_mem>>
      %dma_start3A_311 = arith.constant 0 : i32
      %dma_start3A_312 = tpu.memref_slice %arg6[%dma_start3A_311] : memref<10240xi32, #tpu.memory_space<vmem>> -> memref<10000xi32, #tpu.memory_space<vmem>>
      %dma_start3A_313 = tpu.memref_slice %arg3[%mul3A_6] : memref<640000xi32, #tpu.memory_space<hbm>> -> memref<10000xi32, #tpu.memory_space<hbm>>
      %dma_start3A_314 = arith.constant 0 : i32
      %dma_start3A_315 = tpu.memref_slice %arg6[%dma_start3A_314] : memref<10240xi32, #tpu.memory_space<vmem>> -> memref<10000xi32, #tpu.memory_space<vmem>>
      %dma_start3A_316 = tpu.memref_slice %arg3[%mul3A_6] : memref<640000xi32, #tpu.memory_space<hbm>> -> memref<10000xi32, #tpu.memory_space<hbm>>
      tpu.enqueue_dma source(%dma_start3A_316 : memref<10000xi32, #tpu.memory_space<hbm>>) target(%dma_start3A_315 : memref<10000xi32, #tpu.memory_space<vmem>>) target_semaphore(%run_scoped3A : memref<!tpu.dma_semaphore, #tpu.memory_space<semaphore_mem>>)
      %dma_wait3A_317 = arith.constant 0 : i32
      %dma_wait3A_318 = tpu.memref_slice %arg6[%dma_wait3A_317] : memref<10240xi32, #tpu.memory_space<vmem>> -> memref<10000xi32, #tpu.memory_space<vmem>>
      %dma_wait3A_319 = tpu.memref_slice %arg3[%mul3A_6] : memref<640000xi32, #tpu.memory_space<hbm>> -> memref<10000xi32, #tpu.memory_space<hbm>>
      %dma_wait3A_320 = arith.constant 0 : i32
      %dma_wait3A_321 = tpu.memref_slice %arg6[%dma_wait3A_320] : memref<10240xi32, #tpu.memory_space<vmem>> -> memref<10000xi32, #tpu.memory_space<vmem>>
      %dma_wait3A_322 = tpu.memref_slice %arg3[%mul3A_6] : memref<640000xi32, #tpu.memory_space<hbm>> -> memref<10000xi32, #tpu.memory_space<hbm>>
      tpu.wait_dma2 semaphore(%run_scoped3A : memref<!tpu.dma_semaphore, #tpu.memory_space<semaphore_mem>>) src(%dma_wait3A_322 : memref<10000xi32, #tpu.memory_space<hbm>>) dst(%dma_wait3A_321 : memref<10000xi32, #tpu.memory_space<vmem>>)
      tpu.yield
    }) : () -> ()
    %mul3A_7 = arith.constant 10000 : i32
    %mul3A_8 = arith.muli %add3A, %mul3A_7 : i32
    %add3A_9 = arith.constant 320000 : i32
    %add3A_10 = arith.addi %add3A_9, %mul3A_8 : i32
    "tpu.region"() ({
      %run_scoped3A = tpu.sem_alloc : memref<!tpu.dma_semaphore, #tpu.memory_space<semaphore_mem>>
      %dma_start3A_311 = arith.constant 0 : i32
      %dma_start3A_312 = tpu.memref_slice %arg7[%dma_start3A_311] : memref<10240xi32, #tpu.memory_space<vmem>> -> memref<10000xi32, #tpu.memory_space<vmem>>
      %dma_start3A_313 = tpu.memref_slice %arg3[%add3A_10] : memref<640000xi32, #tpu.memory_space<hbm>> -> memref<10000xi32, #tpu.memory_space<hbm>>
      %dma_start3A_314 = arith.constant 0 : i32
      %dma_start3A_315 = tpu.memref_slice %arg7[%dma_start3A_314] : memref<10240xi32, #tpu.memory_space<vmem>> -> memref<10000xi32, #tpu.memory_space<vmem>>
      %dma_start3A_316 = tpu.memref_slice %arg3[%add3A_10] : memref<640000xi32, #tpu.memory_space<hbm>> -> memref<10000xi32, #tpu.memory_space<hbm>>
      tpu.enqueue_dma source(%dma_start3A_316 : memref<10000xi32, #tpu.memory_space<hbm>>) target(%dma_start3A_315 : memref<10000xi32, #tpu.memory_space<vmem>>) target_semaphore(%run_scoped3A : memref<!tpu.dma_semaphore, #tpu.memory_space<semaphore_mem>>)
      %dma_wait3A_317 = arith.constant 0 : i32
      %dma_wait3A_318 = tpu.memref_slice %arg7[%dma_wait3A_317] : memref<10240xi32, #tpu.memory_space<vmem>> -> memref<10000xi32, #tpu.memory_space<vmem>>
      %dma_wait3A_319 = tpu.memref_slice %arg3[%add3A_10] : memref<640000xi32, #tpu.memory_space<hbm>> -> memref<10000xi32, #tpu.memory_space<hbm>>
      %dma_wait3A_320 = arith.constant 0 : i32
      %dma_wait3A_321 = tpu.memref_slice %arg7[%dma_wait3A_320] : memref<10240xi32, #tpu.memory_space<vmem>> -> memref<10000xi32, #tpu.memory_space<vmem>>
      %dma_wait3A_322 = tpu.memref_slice %arg3[%add3A_10] : memref<640000xi32, #tpu.memory_space<hbm>> -> memref<10000xi32, #tpu.memory_space<hbm>>
      tpu.wait_dma2 semaphore(%run_scoped3A : memref<!tpu.dma_semaphore, #tpu.memory_space<semaphore_mem>>) src(%dma_wait3A_322 : memref<10000xi32, #tpu.memory_space<hbm>>) dst(%dma_wait3A_321 : memref<10000xi32, #tpu.memory_space<vmem>>)
      tpu.yield
    }) : () -> ()
    %iota3A = tpu.iota {dimensions = array<i32: 0>} : vector<16xi32>
    %add3A_11 = arith.constant 10000 : i32
    %add3A_12 = vector.broadcast %add3A_11 : i32 to vector<16xi32>
    %add3A_13 = arith.addi %add3A_12, %iota3A : vector<16xi32>
    %sub3A = arith.constant 10000 : i32
    %sub3A_14 = vector.broadcast %sub3A : i32 to vector<16xi32>
    %sub3A_15 = arith.subi %add3A_13, %sub3A_14 : vector<16xi32>
    %add3A_16 = arith.constant 0 : i32
    %add3A_17 = vector.broadcast %add3A_16 : i32 to vector<16xi32>
    %add3A_18 = arith.addi %sub3A_15, %add3A_17 : vector<16xi32>
    %swap3A = arith.constant 10000 : index
    %swap3A_19 = tpu.vector_load %arg6[%swap3A] {strides = array<i32>} : memref<10240xi32, #tpu.memory_space<vmem>>, vector<16xi32>,
    %swap3A_20 = vector.shape_cast %swap3A_19 : vector<16xi32> to vector<16xi32>
    %swap3A_21 = vector.shape_cast %add3A_18 : vector<16xi32> to vector<16xi32>
    tpu.vector_store %arg6[%swap3A], %swap3A_21 {strides = array<i32>} : memref<10240xi32, #tpu.memory_space<vmem>>, vector<16xi32>,
    %add3A_22 = arith.constant 0 : i32
    %add3A_23 = vector.broadcast %add3A_22 : i32 to vector<16xi32>
    %add3A_24 = arith.addi %add3A_13, %add3A_23 : vector<16xi32>
    %swap3A_25 = arith.constant 10000 : index
    %swap3A_26 = tpu.vector_load %arg7[%swap3A_25] {strides = array<i32>} : memref<10240xi32, #tpu.memory_space<vmem>>, vector<16xi32>,
    %swap3A_27 = vector.shape_cast %swap3A_26 : vector<16xi32> to vector<16xi32>
    %swap3A_28 = vector.shape_cast %add3A_24 : vector<16xi32> to vector<16xi32>
    tpu.vector_store %arg7[%swap3A_25], %swap3A_28 {strides = array<i32>} : memref<10240xi32, #tpu.memory_space<vmem>>, vector<16xi32>,
    %sub3A_29 = arith.constant 10000 : i32
    %sub3A_30 = vector.broadcast %sub3A_29 : i32 to vector<16xi32>
    %sub3A_31 = arith.subi %add3A_13, %sub3A_30 : vector<16xi32>
    %add3A_32 = arith.constant 16 : i32
    %add3A_33 = vector.broadcast %add3A_32 : i32 to vector<16xi32>
    %add3A_34 = arith.addi %sub3A_31, %add3A_33 : vector<16xi32>
    %swap3A_35 = arith.constant 10016 : index
    %swap3A_36 = tpu.vector_load %arg6[%swap3A_35] {strides = array<i32>} : memref<10240xi32, #tpu.memory_space<vmem>>, vector<16xi32>,
    %swap3A_37 = vector.shape_cast %swap3A_36 : vector<16xi32> to vector<16xi32>
    %swap3A_38 = vector.shape_cast %add3A_34 : vector<16xi32> to vector<16xi32>
    tpu.vector_store %arg6[%swap3A_35], %swap3A_38 {strides = array<i32>} : memref<10240xi32, #tpu.memory_space<vmem>>, vector<16xi32>,
    %add3A_39 = arith.constant 16 : i32
    %add3A_40 = vector.broadcast %add3A_39 : i32 to vector<16xi32>
    %add3A_41 = arith.addi %add3A_13, %add3A_40 : vector<16xi32>
    %swap3A_42 = arith.constant 10016 : index
    %swap3A_43 = tpu.vector_load %arg7[%swap3A_42] {strides = array<i32>} : memref<10240xi32, #tpu.memory_space<vmem>>, vector<16xi32>,
    %swap3A_44 = vector.shape_cast %swap3A_43 : vector<16xi32> to vector<16xi32>
    %swap3A_45 = vector.shape_cast %add3A_41 : vector<16xi32> to vector<16xi32>
    tpu.vector_store %arg7[%swap3A_42], %swap3A_45 {strides = array<i32>} : memref<10240xi32, #tpu.memory_space<vmem>>, vector<16xi32>,
    %sub3A_46 = arith.constant 10000 : i32
    %sub3A_47 = vector.broadcast %sub3A_46 : i32 to vector<16xi32>
    %sub3A_48 = arith.subi %add3A_13, %sub3A_47 : vector<16xi32>
    %add3A_49 = arith.constant 32 : i32
    %add3A_50 = vector.broadcast %add3A_49 : i32 to vector<16xi32>
    %add3A_51 = arith.addi %sub3A_48, %add3A_50 : vector<16xi32>
    %swap3A_52 = arith.constant 10032 : index
    %swap3A_53 = tpu.vector_load %arg6[%swap3A_52] {strides = array<i32>} : memref<10240xi32, #tpu.memory_space<vmem>>, vector<16xi32>,
    %swap3A_54 = vector.shape_cast %swap3A_53 : vector<16xi32> to vector<16xi32>
    %swap3A_55 = vector.shape_cast %add3A_51 : vector<16xi32> to vector<16xi32>
    tpu.vector_store %arg6[%swap3A_52], %swap3A_55 {strides = array<i32>} : memref<10240xi32, #tpu.memory_space<vmem>>, vector<16xi32>,
    %add3A_56 = arith.constant 32 : i32
    %add3A_57 = vector.broadcast %add3A_56 : i32 to vector<16xi32>
    %add3A_58 = arith.addi %add3A_13, %add3A_57 : vector<16xi32>
    %swap3A_59 = arith.constant 10032 : index
    %swap3A_60 = tpu.vector_load %arg7[%swap3A_59] {strides = array<i32>} : memref<10240xi32, #tpu.memory_space<vmem>>, vector<16xi32>,
    %swap3A_61 = vector.shape_cast %swap3A_60 : vector<16xi32> to vector<16xi32>
    %swap3A_62 = vector.shape_cast %add3A_58 : vector<16xi32> to vector<16xi32>
    tpu.vector_store %arg7[%swap3A_59], %swap3A_62 {strides = array<i32>} : memref<10240xi32, #tpu.memory_space<vmem>>, vector<16xi32>,
    %sub3A_63 = arith.constant 10000 : i32
    %sub3A_64 = vector.broadcast %sub3A_63 : i32 to vector<16xi32>
    %sub3A_65 = arith.subi %add3A_13, %sub3A_64 : vector<16xi32>
    %add3A_66 = arith.constant 48 : i32
    %add3A_67 = vector.broadcast %add3A_66 : i32 to vector<16xi32>
    %add3A_68 = arith.addi %sub3A_65, %add3A_67 : vector<16xi32>
    %swap3A_69 = arith.constant 10048 : index
    %swap3A_70 = tpu.vector_load %arg6[%swap3A_69] {strides = array<i32>} : memref<10240xi32, #tpu.memory_space<vmem>>, vector<16xi32>,
    %swap3A_71 = vector.shape_cast %swap3A_70 : vector<16xi32> to vector<16xi32>
    %swap3A_72 = vector.shape_cast %add3A_68 : vector<16xi32> to vector<16xi32>
    tpu.vector_store %arg6[%swap3A_69], %swap3A_72 {strides = array<i32>} : memref<10240xi32, #tpu.memory_space<vmem>>, vector<16xi32>,
    %add3A_73 = arith.constant 48 : i32
    %add3A_74 = vector.broadcast %add3A_73 : i32 to vector<16xi32>
    %add3A_75 = arith.addi %add3A_13, %add3A_74 : vector<16xi32>
    %swap3A_76 = arith.constant 10048 : index
    %swap3A_77 = tpu.vector_load %arg7[%swap3A_76] {strides = array<i32>} : memref<10240xi32, #tpu.memory_space<vmem>>, vector<16xi32>,
    %swap3A_78 = vector.shape_cast %swap3A_77 : vector<16xi32> to vector<16xi32>
    %swap3A_79 = vector.shape_cast %add3A_75 : vector<16xi32> to vector<16xi32>
    tpu.vector_store %arg7[%swap3A_76], %swap3A_79 {strides = array<i32>} : memref<10240xi32, #tpu.memory_space<vmem>>, vector<16xi32>,
    %sub3A_80 = arith.constant 10000 : i32
    %sub3A_81 = vector.broadcast %sub3A_80 : i32 to vector<16xi32>
    %sub3A_82 = arith.subi %add3A_13, %sub3A_81 : vector<16xi32>
    %add3A_83 = arith.constant 64 : i32
    %add3A_84 = vector.broadcast %add3A_83 : i32 to vector<16xi32>
    %add3A_85 = arith.addi %sub3A_82, %add3A_84 : vector<16xi32>
    %swap3A_86 = arith.constant 10064 : index
    %swap3A_87 = tpu.vector_load %arg6[%swap3A_86] {strides = array<i32>} : memref<10240xi32, #tpu.memory_space<vmem>>, vector<16xi32>,
    %swap3A_88 = vector.shape_cast %swap3A_87 : vector<16xi32> to vector<16xi32>
    %swap3A_89 = vector.shape_cast %add3A_85 : vector<16xi32> to vector<16xi32>
    tpu.vector_store %arg6[%swap3A_86], %swap3A_89 {strides = array<i32>} : memref<10240xi32, #tpu.memory_space<vmem>>, vector<16xi32>,
    %add3A_90 = arith.constant 64 : i32
    %add3A_91 = vector.broadcast %add3A_90 : i32 to vector<16xi32>
    %add3A_92 = arith.addi %add3A_13, %add3A_91 : vector<16xi32>
    %swap3A_93 = arith.constant 10064 : index
    %swap3A_94 = tpu.vector_load %arg7[%swap3A_93] {strides = array<i32>} : memref<10240xi32, #tpu.memory_space<vmem>>, vector<16xi32>,
    %swap3A_95 = vector.shape_cast %swap3A_94 : vector<16xi32> to vector<16xi32>
    %swap3A_96 = vector.shape_cast %add3A_92 : vector<16xi32> to vector<16xi32>
    tpu.vector_store %arg7[%swap3A_93], %swap3A_96 {strides = array<i32>} : memref<10240xi32, #tpu.memory_space<vmem>>, vector<16xi32>,
    %sub3A_97 = arith.constant 10000 : i32
    %sub3A_98 = vector.broadcast %sub3A_97 : i32 to vector<16xi32>
    %sub3A_99 = arith.subi %add3A_13, %sub3A_98 : vector<16xi32>
    %add3A_100 = arith.constant 80 : i32
    %add3A_101 = vector.broadcast %add3A_100 : i32 to vector<16xi32>
    %add3A_102 = arith.addi %sub3A_99, %add3A_101 : vector<16xi32>
    %swap3A_103 = arith.constant 10080 : index
    %swap3A_104 = tpu.vector_load %arg6[%swap3A_103] {strides = array<i32>} : memref<10240xi32, #tpu.memory_space<vmem>>, vector<16xi32>,
    %swap3A_105 = vector.shape_cast %swap3A_104 : vector<16xi32> to vector<16xi32>
    %swap3A_106 = vector.shape_cast %add3A_102 : vector<16xi32> to vector<16xi32>
    tpu.vector_store %arg6[%swap3A_103], %swap3A_106 {strides = array<i32>} : memref<10240xi32, #tpu.memory_space<vmem>>, vector<16xi32>,
    %add3A_107 = arith.constant 80 : i32
    %add3A_108 = vector.broadcast %add3A_107 : i32 to vector<16xi32>
    %add3A_109 = arith.addi %add3A_13, %add3A_108 : vector<16xi32>
    %swap3A_110 = arith.constant 10080 : index
    %swap3A_111 = tpu.vector_load %arg7[%swap3A_110] {strides = array<i32>} : memref<10240xi32, #tpu.memory_space<vmem>>, vector<16xi32>,
    %swap3A_112 = vector.shape_cast %swap3A_111 : vector<16xi32> to vector<16xi32>
    %swap3A_113 = vector.shape_cast %add3A_109 : vector<16xi32> to vector<16xi32>
    tpu.vector_store %arg7[%swap3A_110], %swap3A_113 {strides = array<i32>} : memref<10240xi32, #tpu.memory_space<vmem>>, vector<16xi32>,
    %sub3A_114 = arith.constant 10000 : i32
    %sub3A_115 = vector.broadcast %sub3A_114 : i32 to vector<16xi32>
    %sub3A_116 = arith.subi %add3A_13, %sub3A_115 : vector<16xi32>
    %add3A_117 = arith.constant 96 : i32
    %add3A_118 = vector.broadcast %add3A_117 : i32 to vector<16xi32>
    %add3A_119 = arith.addi %sub3A_116, %add3A_118 : vector<16xi32>
    %swap3A_120 = arith.constant 10096 : index
    %swap3A_121 = tpu.vector_load %arg6[%swap3A_120] {strides = array<i32>} : memref<10240xi32, #tpu.memory_space<vmem>>, vector<16xi32>,
    %swap3A_122 = vector.shape_cast %swap3A_121 : vector<16xi32> to vector<16xi32>
    %swap3A_123 = vector.shape_cast %add3A_119 : vector<16xi32> to vector<16xi32>
    tpu.vector_store %arg6[%swap3A_120], %swap3A_123 {strides = array<i32>} : memref<10240xi32, #tpu.memory_space<vmem>>, vector<16xi32>,
    %add3A_124 = arith.constant 96 : i32
    %add3A_125 = vector.broadcast %add3A_124 : i32 to vector<16xi32>
    %add3A_126 = arith.addi %add3A_13, %add3A_125 : vector<16xi32>
    %swap3A_127 = arith.constant 10096 : index
    %swap3A_128 = tpu.vector_load %arg7[%swap3A_127] {strides = array<i32>} : memref<10240xi32, #tpu.memory_space<vmem>>, vector<16xi32>,
    %swap3A_129 = vector.shape_cast %swap3A_128 : vector<16xi32> to vector<16xi32>
    %swap3A_130 = vector.shape_cast %add3A_126 : vector<16xi32> to vector<16xi32>
    tpu.vector_store %arg7[%swap3A_127], %swap3A_130 {strides = array<i32>} : memref<10240xi32, #tpu.memory_space<vmem>>, vector<16xi32>,
    %sub3A_131 = arith.constant 10000 : i32
    %sub3A_132 = vector.broadcast %sub3A_131 : i32 to vector<16xi32>
    %sub3A_133 = arith.subi %add3A_13, %sub3A_132 : vector<16xi32>
    %add3A_134 = arith.constant 112 : i32
    %add3A_135 = vector.broadcast %add3A_134 : i32 to vector<16xi32>
    %add3A_136 = arith.addi %sub3A_133, %add3A_135 : vector<16xi32>
    %swap3A_137 = arith.constant 10112 : index
    %swap3A_138 = tpu.vector_load %arg6[%swap3A_137] {strides = array<i32>} : memref<10240xi32, #tpu.memory_space<vmem>>, vector<16xi32>,
    %swap3A_139 = vector.shape_cast %swap3A_138 : vector<16xi32> to vector<16xi32>
    %swap3A_140 = vector.shape_cast %add3A_136 : vector<16xi32> to vector<16xi32>
    tpu.vector_store %arg6[%swap3A_137], %swap3A_140 {strides = array<i32>} : memref<10240xi32, #tpu.memory_space<vmem>>, vector<16xi32>,
    %add3A_141 = arith.constant 112 : i32
    %add3A_142 = vector.broadcast %add3A_141 : i32 to vector<16xi32>
    %add3A_143 = arith.addi %add3A_13, %add3A_142 : vector<16xi32>
    %swap3A_144 = arith.constant 10112 : index
    %swap3A_145 = tpu.vector_load %arg7[%swap3A_144] {strides = array<i32>} : memref<10240xi32, #tpu.memory_space<vmem>>, vector<16xi32>,
    %swap3A_146 = vector.shape_cast %swap3A_145 : vector<16xi32> to vector<16xi32>
    %swap3A_147 = vector.shape_cast %add3A_143 : vector<16xi32> to vector<16xi32>
    tpu.vector_store %arg7[%swap3A_144], %swap3A_147 {strides = array<i32>} : memref<10240xi32, #tpu.memory_space<vmem>>, vector<16xi32>,
    %sub3A_148 = arith.constant 10000 : i32
    %sub3A_149 = vector.broadcast %sub3A_148 : i32 to vector<16xi32>
    %sub3A_150 = arith.subi %add3A_13, %sub3A_149 : vector<16xi32>
    %add3A_151 = arith.constant 0 : i32
    %add3A_152 = vector.broadcast %add3A_151 : i32 to vector<16xi32>
    %add3A_153 = arith.addi %sub3A_150, %add3A_152 : vector<16xi32>
    %swap3A_154 = arith.constant 10128 : index
    %swap3A_155 = tpu.vector_load %arg6[%swap3A_154] {strides = array<i32>} : memref<10240xi32, #tpu.memory_space<vmem>>, vector<16xi32>,
    %swap3A_156 = vector.shape_cast %swap3A_155 : vector<16xi32> to vector<16xi32>
    %swap3A_157 = vector.shape_cast %add3A_153 : vector<16xi32> to vector<16xi32>
    tpu.vector_store %arg6[%swap3A_154], %swap3A_157 {strides = array<i32>} : memref<10240xi32, #tpu.memory_space<vmem>>, vector<16xi32>,
    %add3A_158 = arith.constant 0 : i32
    %add3A_159 = vector.broadcast %add3A_158 : i32 to vector<16xi32>
    %add3A_160 = arith.addi %add3A_13, %add3A_159 : vector<16xi32>
    %swap3A_161 = arith.constant 10128 : index
    %swap3A_162 = tpu.vector_load %arg7[%swap3A_161] {strides = array<i32>} : memref<10240xi32, #tpu.memory_space<vmem>>, vector<16xi32>,
    %swap3A_163 = vector.shape_cast %swap3A_162 : vector<16xi32> to vector<16xi32>
    %swap3A_164 = vector.shape_cast %add3A_160 : vector<16xi32> to vector<16xi32>
    tpu.vector_store %arg7[%swap3A_161], %swap3A_164 {strides = array<i32>} : memref<10240xi32, #tpu.memory_space<vmem>>, vector<16xi32>,
    %sub3A_165 = arith.constant 10000 : i32
    %sub3A_166 = vector.broadcast %sub3A_165 : i32 to vector<16xi32>
    %sub3A_167 = arith.subi %add3A_13, %sub3A_166 : vector<16xi32>
    %add3A_168 = arith.constant 16 : i32
    %add3A_169 = vector.broadcast %add3A_168 : i32 to vector<16xi32>
    %add3A_170 = arith.addi %sub3A_167, %add3A_169 : vector<16xi32>
    %swap3A_171 = arith.constant 10144 : index
    %swap3A_172 = tpu.vector_load %arg6[%swap3A_171] {strides = array<i32>} : memref<10240xi32, #tpu.memory_space<vmem>>, vector<16xi32>,
    %swap3A_173 = vector.shape_cast %swap3A_172 : vector<16xi32> to vector<16xi32>
    %swap3A_174 = vector.shape_cast %add3A_170 : vector<16xi32> to vector<16xi32>
    tpu.vector_store %arg6[%swap3A_171], %swap3A_174 {strides = array<i32>} : memref<10240xi32, #tpu.memory_space<vmem>>, vector<16xi32>,
    %add3A_175 = arith.constant 16 : i32
    %add3A_176 = vector.broadcast %add3A_175 : i32 to vector<16xi32>
    %add3A_177 = arith.addi %add3A_13, %add3A_176 : vector<16xi32>
    %swap3A_178 = arith.constant 10144 : index
    %swap3A_179 = tpu.vector_load %arg7[%swap3A_178] {strides = array<i32>} : memref<10240xi32, #tpu.memory_space<vmem>>, vector<16xi32>,
    %swap3A_180 = vector.shape_cast %swap3A_179 : vector<16xi32> to vector<16xi32>
    %swap3A_181 = vector.shape_cast %add3A_177 : vector<16xi32> to vector<16xi32>
    tpu.vector_store %arg7[%swap3A_178], %swap3A_181 {strides = array<i32>} : memref<10240xi32, #tpu.memory_space<vmem>>, vector<16xi32>,
    %sub3A_182 = arith.constant 10000 : i32
    %sub3A_183 = vector.broadcast %sub3A_182 : i32 to vector<16xi32>
    %sub3A_184 = arith.subi %add3A_13, %sub3A_183 : vector<16xi32>
    %add3A_185 = arith.constant 32 : i32
    %add3A_186 = vector.broadcast %add3A_185 : i32 to vector<16xi32>
    %add3A_187 = arith.addi %sub3A_184, %add3A_186 : vector<16xi32>
    %swap3A_188 = arith.constant 10160 : index
    %swap3A_189 = tpu.vector_load %arg6[%swap3A_188] {strides = array<i32>} : memref<10240xi32, #tpu.memory_space<vmem>>, vector<16xi32>,
    %swap3A_190 = vector.shape_cast %swap3A_189 : vector<16xi32> to vector<16xi32>
    %swap3A_191 = vector.shape_cast %add3A_187 : vector<16xi32> to vector<16xi32>
    tpu.vector_store %arg6[%swap3A_188], %swap3A_191 {strides = array<i32>} : memref<10240xi32, #tpu.memory_space<vmem>>, vector<16xi32>,
    %add3A_192 = arith.constant 32 : i32
    %add3A_193 = vector.broadcast %add3A_192 : i32 to vector<16xi32>
    %add3A_194 = arith.addi %add3A_13, %add3A_193 : vector<16xi32>
    %swap3A_195 = arith.constant 10160 : index
    %swap3A_196 = tpu.vector_load %arg7[%swap3A_195] {strides = array<i32>} : memref<10240xi32, #tpu.memory_space<vmem>>, vector<16xi32>,
    %swap3A_197 = vector.shape_cast %swap3A_196 : vector<16xi32> to vector<16xi32>
    %swap3A_198 = vector.shape_cast %add3A_194 : vector<16xi32> to vector<16xi32>
    tpu.vector_store %arg7[%swap3A_195], %swap3A_198 {strides = array<i32>} : memref<10240xi32, #tpu.memory_space<vmem>>, vector<16xi32>,
    %sub3A_199 = arith.constant 10000 : i32
    %sub3A_200 = vector.broadcast %sub3A_199 : i32 to vector<16xi32>
    %sub3A_201 = arith.subi %add3A_13, %sub3A_200 : vector<16xi32>
    %add3A_202 = arith.constant 48 : i32
    %add3A_203 = vector.broadcast %add3A_202 : i32 to vector<16xi32>
    %add3A_204 = arith.addi %sub3A_201, %add3A_203 : vector<16xi32>
    %swap3A_205 = arith.constant 10176 : index
    %swap3A_206 = tpu.vector_load %arg6[%swap3A_205] {strides = array<i32>} : memref<10240xi32, #tpu.memory_space<vmem>>, vector<16xi32>,
    %swap3A_207 = vector.shape_cast %swap3A_206 : vector<16xi32> to vector<16xi32>
    %swap3A_208 = vector.shape_cast %add3A_204 : vector<16xi32> to vector<16xi32>
    tpu.vector_store %arg6[%swap3A_205], %swap3A_208 {strides = array<i32>} : memref<10240xi32, #tpu.memory_space<vmem>>, vector<16xi32>,
    %add3A_209 = arith.constant 48 : i32
    %add3A_210 = vector.broadcast %add3A_209 : i32 to vector<16xi32>
    %add3A_211 = arith.addi %add3A_13, %add3A_210 : vector<16xi32>
    %swap3A_212 = arith.constant 10176 : index
    %swap3A_213 = tpu.vector_load %arg7[%swap3A_212] {strides = array<i32>} : memref<10240xi32, #tpu.memory_space<vmem>>, vector<16xi32>,
    %swap3A_214 = vector.shape_cast %swap3A_213 : vector<16xi32> to vector<16xi32>
    %swap3A_215 = vector.shape_cast %add3A_211 : vector<16xi32> to vector<16xi32>
    tpu.vector_store %arg7[%swap3A_212], %swap3A_215 {strides = array<i32>} : memref<10240xi32, #tpu.memory_space<vmem>>, vector<16xi32>,
    %sub3A_216 = arith.constant 10000 : i32
    %sub3A_217 = vector.broadcast %sub3A_216 : i32 to vector<16xi32>
    %sub3A_218 = arith.subi %add3A_13, %sub3A_217 : vector<16xi32>
    %add3A_219 = arith.constant 64 : i32
    %add3A_220 = vector.broadcast %add3A_219 : i32 to vector<16xi32>
    %add3A_221 = arith.addi %sub3A_218, %add3A_220 : vector<16xi32>
    %swap3A_222 = arith.constant 10192 : index
    %swap3A_223 = tpu.vector_load %arg6[%swap3A_222] {strides = array<i32>} : memref<10240xi32, #tpu.memory_space<vmem>>, vector<16xi32>,
    %swap3A_224 = vector.shape_cast %swap3A_223 : vector<16xi32> to vector<16xi32>
    %swap3A_225 = vector.shape_cast %add3A_221 : vector<16xi32> to vector<16xi32>
    tpu.vector_store %arg6[%swap3A_222], %swap3A_225 {strides = array<i32>} : memref<10240xi32, #tpu.memory_space<vmem>>, vector<16xi32>,
    %add3A_226 = arith.constant 64 : i32
    %add3A_227 = vector.broadcast %add3A_226 : i32 to vector<16xi32>
    %add3A_228 = arith.addi %add3A_13, %add3A_227 : vector<16xi32>
    %swap3A_229 = arith.constant 10192 : index
    %swap3A_230 = tpu.vector_load %arg7[%swap3A_229] {strides = array<i32>} : memref<10240xi32, #tpu.memory_space<vmem>>, vector<16xi32>,
    %swap3A_231 = vector.shape_cast %swap3A_230 : vector<16xi32> to vector<16xi32>
    %swap3A_232 = vector.shape_cast %add3A_228 : vector<16xi32> to vector<16xi32>
    tpu.vector_store %arg7[%swap3A_229], %swap3A_232 {strides = array<i32>} : memref<10240xi32, #tpu.memory_space<vmem>>, vector<16xi32>,
    %sub3A_233 = arith.constant 10000 : i32
    %sub3A_234 = vector.broadcast %sub3A_233 : i32 to vector<16xi32>
    %sub3A_235 = arith.subi %add3A_13, %sub3A_234 : vector<16xi32>
    %add3A_236 = arith.constant 80 : i32
    %add3A_237 = vector.broadcast %add3A_236 : i32 to vector<16xi32>
    %add3A_238 = arith.addi %sub3A_235, %add3A_237 : vector<16xi32>
    %swap3A_239 = arith.constant 10208 : index
    %swap3A_240 = tpu.vector_load %arg6[%swap3A_239] {strides = array<i32>} : memref<10240xi32, #tpu.memory_space<vmem>>, vector<16xi32>,
    %swap3A_241 = vector.shape_cast %swap3A_240 : vector<16xi32> to vector<16xi32>
    %swap3A_242 = vector.shape_cast %add3A_238 : vector<16xi32> to vector<16xi32>
    tpu.vector_store %arg6[%swap3A_239], %swap3A_242 {strides = array<i32>} : memref<10240xi32, #tpu.memory_space<vmem>>, vector<16xi32>,
    %add3A_243 = arith.constant 80 : i32
    %add3A_244 = vector.broadcast %add3A_243 : i32 to vector<16xi32>
    %add3A_245 = arith.addi %add3A_13, %add3A_244 : vector<16xi32>
    %swap3A_246 = arith.constant 10208 : index
    %swap3A_247 = tpu.vector_load %arg7[%swap3A_246] {strides = array<i32>} : memref<10240xi32, #tpu.memory_space<vmem>>, vector<16xi32>,
    %swap3A_248 = vector.shape_cast %swap3A_247 : vector<16xi32> to vector<16xi32>
    %swap3A_249 = vector.shape_cast %add3A_245 : vector<16xi32> to vector<16xi32>
    tpu.vector_store %arg7[%swap3A_246], %swap3A_249 {strides = array<i32>} : memref<10240xi32, #tpu.memory_space<vmem>>, vector<16xi32>,
    %sub3A_250 = arith.constant 10000 : i32
    %sub3A_251 = vector.broadcast %sub3A_250 : i32 to vector<16xi32>
    %sub3A_252 = arith.subi %add3A_13, %sub3A_251 : vector<16xi32>
    %add3A_253 = arith.constant 96 : i32
    %add3A_254 = vector.broadcast %add3A_253 : i32 to vector<16xi32>
    %add3A_255 = arith.addi %sub3A_252, %add3A_254 : vector<16xi32>
    %swap3A_256 = arith.constant 10224 : index
    %swap3A_257 = tpu.vector_load %arg6[%swap3A_256] {strides = array<i32>} : memref<10240xi32, #tpu.memory_space<vmem>>, vector<16xi32>,
    %swap3A_258 = vector.shape_cast %swap3A_257 : vector<16xi32> to vector<16xi32>
    %swap3A_259 = vector.shape_cast %add3A_255 : vector<16xi32> to vector<16xi32>
    tpu.vector_store %arg6[%swap3A_256], %swap3A_259 {strides = array<i32>} : memref<10240xi32, #tpu.memory_space<vmem>>, vector<16xi32>,
    %add3A_260 = arith.constant 96 : i32
    %add3A_261 = vector.broadcast %add3A_260 : i32 to vector<16xi32>
    %add3A_262 = arith.addi %add3A_13, %add3A_261 : vector<16xi32>
    %swap3A_263 = arith.constant 10224 : index
    %swap3A_264 = tpu.vector_load %arg7[%swap3A_263] {strides = array<i32>} : memref<10240xi32, #tpu.memory_space<vmem>>, vector<16xi32>,
    %swap3A_265 = vector.shape_cast %swap3A_264 : vector<16xi32> to vector<16xi32>
    %swap3A_266 = vector.shape_cast %add3A_262 : vector<16xi32> to vector<16xi32>
    tpu.vector_store %arg7[%swap3A_263], %swap3A_266 {strides = array<i32>} : memref<10240xi32, #tpu.memory_space<vmem>>, vector<16xi32>,
    %scan3A_267 = arith.constant 0 : i32
    %scan3A_268 = arith.constant 4 : i32
    %scan3A_269 = arith.addi %scan3A_267, %scan3A_268 : i32
    %scan3A_270 = arith.constant 1 : i32
    scf.for %scan3A_311 = %scan3A_267 to %scan3A_269 step %scan3A_270  : i32 {
      %mul3A_312 = arith.constant 16 : i32
      %mul3A_313 = arith.muli %mul3A_312, %scan3A_311 : i32
      %add3A_314 = arith.addi %arg1, %mul3A_313 : i32
      %lt3A = arith.constant 50 : i32
      %lt3A_315 = arith.cmpi slt, %add3A_314, %lt3A : i32
      %convert_element_type3A = arith.extui %lt3A_315 : i1 to i32
      %cond3A = arith.constant 0 : i32
      %cond3A_316 = arith.cmpi ne, %convert_element_type3A, %cond3A : i32
      scf.if %cond3A_316 {
        %mul3A_317 = arith.constant 200 : i32
        %mul3A_318 = arith.muli %add3A_314, %mul3A_317 : i32
        %dma_wait3A_319 = arith.constant 0 : i32
        %dma_wait3A_320 = tpu.memref_slice %arg9[%mul3A_318, %dma_wait3A_319] : memref<10128x64xf32, #tpu.memory_space<vmem_shared>> -> memref<200x64xf32, #tpu.memory_space<vmem_shared>>
        tpu.wait_dma2 semaphore(%arg14 : memref<!tpu.dma_semaphore, #tpu.memory_space<semaphore_mem>>) src(%arg4 : memref<200x64xf32, #tpu.memory_space<hbm>>) dst(%dma_wait3A_320 : memref<200x64xf32, #tpu.memory_space<vmem_shared>>)
      } else {
      }
    }
    %scan3A_271 = arith.constant 4 : i32
    %barrier3A = arith.constant 0 : index
    tpu.barrier barrier_id(%barrier3A)
    %dma_start3A = arith.constant 0 : i32
    %dma_start3A_272 = arith.constant 0 : i32
    %dma_start3A_273 = arith.constant 0 : i32
    %dma_start3A_274 = tpu.memref_slice %arg8[%dma_start3A, %dma_start3A_272, %dma_start3A_273] : memref<2x128x64xf32, #tpu.memory_space<vmem>> -> memref<1x128x64xf32, #tpu.memory_space<vmem>>
    %dma_start3A_275 = tpu.memref_squeeze %dma_start3A_274 : memref<1x128x64xf32, #tpu.memory_space<vmem>> -> memref<128x64xf32, #tpu.memory_space<vmem>>
    %dma_start3A_276 = arith.constant 0 : i32
    %dma_start3A_277 = tpu.memref_slice %arg6[%dma_start3A_276] : memref<10240xi32, #tpu.memory_space<vmem>> -> memref<128xi32, #tpu.memory_space<vmem>>
    %dma_start3A_278 = arith.constant 0 : i32
    %dma_start3A_279 = arith.constant 0 : i32
    %dma_start3A_280 = tpu.memref_slice %arg2[%dma_start3A_278, %dma_start3A_279] : memref<10000x64xf32, #tpu.memory_space<hbm>> -> memref<10000x64xf32, #tpu.memory_space<hbm>>
    tpu.enqueue_indirect_dma source(%dma_start3A_280 : memref<10000x64xf32, #tpu.memory_space<hbm>>) target(%dma_start3A_275 : memref<128x64xf32, #tpu.memory_space<vmem>>) offsets(%dma_start3A_277 : memref<128xi32, #tpu.memory_space<vmem>>) semaphore(%arg10 : memref<!tpu.dma_semaphore, #tpu.memory_space<semaphore_mem>>)
    %scan3A_281 = arith.constant 0 : i32
    %scan3A_282 = arith.constant 40 : i32
    %scan3A_283 = arith.addi %scan3A_281, %scan3A_282 : i32
    %scan3A_284 = arith.constant 1 : i32
    scf.for %scan3A_311 = %scan3A_281 to %scan3A_283 step %scan3A_284  : i32 {
      %mul3A_312 = arith.constant 2 : i32
      %mul3A_313 = arith.muli %scan3A_311, %mul3A_312 : i32
      %add3A_314 = arith.constant 0 : i32
      %add3A_315 = arith.addi %mul3A_313, %add3A_314 : i32
      %add3A_316 = arith.constant 1 : i32
      %add3A_317 = arith.addi %add3A_315, %add3A_316 : i32
      %lt3A = arith.constant 80 : i32
      %lt3A_318 = arith.cmpi slt, %add3A_317, %lt3A : i32
      %convert_element_type3A = arith.extui %lt3A_318 : i1 to i32
      %cond3A = arith.constant 0 : i32
      %cond3A_319 = arith.cmpi ne, %convert_element_type3A, %cond3A : i32
      scf.if %cond3A_319 {
        %ge3A = arith.constant 1 : i32
        %ge3A_375 = arith.cmpi sge, %add3A_315, %ge3A : i32
        %convert_element_type3A_376 = arith.extui %ge3A_375 : i1 to i32
        %cond3A_377 = arith.constant 0 : i32
        %cond3A_378 = arith.cmpi ne, %convert_element_type3A_376, %cond3A_377 : i32
        scf.if %cond3A_378 {
          %sub3A_392 = arith.constant 1 : i32
          %sub3A_393 = arith.subi %add3A_315, %sub3A_392 : i32
          %mul3A_394 = arith.constant 128 : i32
          %mul3A_395 = arith.muli %sub3A_393, %mul3A_394 : i32
          %dma_wait3A_396 = arith.constant 1 : i32
          %dma_wait3A_397 = arith.constant 0 : i32
          %dma_wait3A_398 = arith.constant 0 : i32
          %dma_wait3A_399 = tpu.memref_slice %arg8[%dma_wait3A_396, %dma_wait3A_397, %dma_wait3A_398] : memref<2x128x64xf32, #tpu.memory_space<vmem>> -> memref<1x128x64xf32, #tpu.memory_space<vmem>>
          %dma_wait3A_400 = tpu.memref_squeeze %dma_wait3A_399 : memref<1x128x64xf32, #tpu.memory_space<vmem>> -> memref<128x64xf32, #tpu.memory_space<vmem>>
          %dma_wait3A_401 = tpu.memref_slice %arg7[%mul3A_395] : memref<10240xi32, #tpu.memory_space<vmem>> -> memref<128xi32, #tpu.memory_space<vmem>>
          %dma_wait3A_402 = arith.constant 0 : i32
          %dma_wait3A_403 = arith.constant 0 : i32
          %dma_wait3A_404 = tpu.memref_slice %arg9[%dma_wait3A_402, %dma_wait3A_403] : memref<10128x64xf32, #tpu.memory_space<vmem_shared>> -> memref<10128x64xf32, #tpu.memory_space<vmem_shared>>
          tpu.wait_indirect_dma semaphore(%arg13 : memref<!tpu.dma_semaphore, #tpu.memory_space<semaphore_mem>>) src(%dma_wait3A_400 : memref<128x64xf32, #tpu.memory_space<vmem>>) dst(%dma_wait3A_404 : memref<10128x64xf32, #tpu.memory_space<vmem_shared>>)
        } else {
        }
        %add3A_379 = arith.constant 1 : i32
        %add3A_380 = arith.addi %add3A_315, %add3A_379 : i32
        %mul3A_381 = arith.constant 128 : i32
        %mul3A_382 = arith.muli %add3A_380, %mul3A_381 : i32
        %dma_start3A_383 = arith.constant 1 : i32
        %dma_start3A_384 = arith.constant 0 : i32
        %dma_start3A_385 = arith.constant 0 : i32
        %dma_start3A_386 = tpu.memref_slice %arg8[%dma_start3A_383, %dma_start3A_384, %dma_start3A_385] : memref<2x128x64xf32, #tpu.memory_space<vmem>> -> memref<1x128x64xf32, #tpu.memory_space<vmem>>
        %dma_start3A_387 = tpu.memref_squeeze %dma_start3A_386 : memref<1x128x64xf32, #tpu.memory_space<vmem>> -> memref<128x64xf32, #tpu.memory_space<vmem>>
        %dma_start3A_388 = tpu.memref_slice %arg6[%mul3A_382] : memref<10240xi32, #tpu.memory_space<vmem>> -> memref<128xi32, #tpu.memory_space<vmem>>
        %dma_start3A_389 = arith.constant 0 : i32
        %dma_start3A_390 = arith.constant 0 : i32
        %dma_start3A_391 = tpu.memref_slice %arg2[%dma_start3A_389, %dma_start3A_390] : memref<10000x64xf32, #tpu.memory_space<hbm>> -> memref<10000x64xf32, #tpu.memory_space<hbm>>
        tpu.enqueue_indirect_dma source(%dma_start3A_391 : memref<10000x64xf32, #tpu.memory_space<hbm>>) target(%dma_start3A_387 : memref<128x64xf32, #tpu.memory_space<vmem>>) offsets(%dma_start3A_388 : memref<128xi32, #tpu.memory_space<vmem>>) semaphore(%arg11 : memref<!tpu.dma_semaphore, #tpu.memory_space<semaphore_mem>>)
      } else {
      }
      %mul3A_320 = arith.constant 128 : i32
      %mul3A_321 = arith.muli %add3A_315, %mul3A_320 : i32
      %dma_wait3A_322 = arith.constant 0 : i32
      %dma_wait3A_323 = arith.constant 0 : i32
      %dma_wait3A_324 = arith.constant 0 : i32
      %dma_wait3A_325 = tpu.memref_slice %arg8[%dma_wait3A_322, %dma_wait3A_323, %dma_wait3A_324] : memref<2x128x64xf32, #tpu.memory_space<vmem>> -> memref<1x128x64xf32, #tpu.memory_space<vmem>>
      %dma_wait3A_326 = tpu.memref_squeeze %dma_wait3A_325 : memref<1x128x64xf32, #tpu.memory_space<vmem>> -> memref<128x64xf32, #tpu.memory_space<vmem>>
      %dma_wait3A_327 = tpu.memref_slice %arg6[%mul3A_321] : memref<10240xi32, #tpu.memory_space<vmem>> -> memref<128xi32, #tpu.memory_space<vmem>>
      %dma_wait3A_328 = arith.constant 0 : i32
      %dma_wait3A_329 = arith.constant 0 : i32
      %dma_wait3A_330 = tpu.memref_slice %arg2[%dma_wait3A_328, %dma_wait3A_329] : memref<10000x64xf32, #tpu.memory_space<hbm>> -> memref<10000x64xf32, #tpu.memory_space<hbm>>
      tpu.wait_indirect_dma semaphore(%arg10 : memref<!tpu.dma_semaphore, #tpu.memory_space<semaphore_mem>>) src(%dma_wait3A_330 : memref<10000x64xf32, #tpu.memory_space<hbm>>) dst(%dma_wait3A_326 : memref<128x64xf32, #tpu.memory_space<vmem>>)
      %mul3A_331 = arith.constant 128 : i32
      %mul3A_332 = arith.muli %add3A_315, %mul3A_331 : i32
      %dma_start3A_333 = arith.constant 0 : i32
      %dma_start3A_334 = arith.constant 0 : i32
      %dma_start3A_335 = arith.constant 0 : i32
      %dma_start3A_336 = tpu.memref_slice %arg8[%dma_start3A_333, %dma_start3A_334, %dma_start3A_335] : memref<2x128x64xf32, #tpu.memory_space<vmem>> -> memref<1x128x64xf32, #tpu.memory_space<vmem>>
      %dma_start3A_337 = tpu.memref_squeeze %dma_start3A_336 : memref<1x128x64xf32, #tpu.memory_space<vmem>> -> memref<128x64xf32, #tpu.memory_space<vmem>>
      %dma_start3A_338 = tpu.memref_slice %arg7[%mul3A_332] : memref<10240xi32, #tpu.memory_space<vmem>> -> memref<128xi32, #tpu.memory_space<vmem>>
      %dma_start3A_339 = arith.constant 0 : i32
      %dma_start3A_340 = arith.constant 0 : i32
      %dma_start3A_341 = tpu.memref_slice %arg9[%dma_start3A_339, %dma_start3A_340] : memref<10128x64xf32, #tpu.memory_space<vmem_shared>> -> memref<10128x64xf32, #tpu.memory_space<vmem_shared>>
      tpu.enqueue_indirect_dma source(%dma_start3A_337 : memref<128x64xf32, #tpu.memory_space<vmem>>) target(%dma_start3A_341 : memref<10128x64xf32, #tpu.memory_space<vmem_shared>>) offsets(%dma_start3A_338 : memref<128xi32, #tpu.memory_space<vmem>>) semaphore(%arg12 : memref<!tpu.dma_semaphore, #tpu.memory_space<semaphore_mem>>) {add = true}
      %mul3A_342 = arith.constant 2 : i32
      %mul3A_343 = arith.muli %scan3A_311, %mul3A_342 : i32
      %add3A_344 = arith.constant 1 : i32
      %add3A_345 = arith.addi %mul3A_343, %add3A_344 : i32
      %add3A_346 = arith.constant 1 : i32
      %add3A_347 = arith.addi %add3A_345, %add3A_346 : i32
      %lt3A_348 = arith.constant 80 : i32
      %lt3A_349 = arith.cmpi slt, %add3A_347, %lt3A_348 : i32
      %convert_element_type3A_350 = arith.extui %lt3A_349 : i1 to i32
      %cond3A_351 = arith.constant 0 : i32
      %cond3A_352 = arith.cmpi ne, %convert_element_type3A_350, %cond3A_351 : i32
      scf.if %cond3A_352 {
        %ge3A = arith.constant 1 : i32
        %ge3A_375 = arith.cmpi sge, %add3A_345, %ge3A : i32
        %convert_element_type3A_376 = arith.extui %ge3A_375 : i1 to i32
        %cond3A_377 = arith.constant 0 : i32
        %cond3A_378 = arith.cmpi ne, %convert_element_type3A_376, %cond3A_377 : i32
        scf.if %cond3A_378 {
          %sub3A_392 = arith.constant 1 : i32
          %sub3A_393 = arith.subi %add3A_345, %sub3A_392 : i32
          %mul3A_394 = arith.constant 128 : i32
          %mul3A_395 = arith.muli %sub3A_393, %mul3A_394 : i32
          %dma_wait3A_396 = arith.constant 0 : i32
          %dma_wait3A_397 = arith.constant 0 : i32
          %dma_wait3A_398 = arith.constant 0 : i32
          %dma_wait3A_399 = tpu.memref_slice %arg8[%dma_wait3A_396, %dma_wait3A_397, %dma_wait3A_398] : memref<2x128x64xf32, #tpu.memory_space<vmem>> -> memref<1x128x64xf32, #tpu.memory_space<vmem>>
          %dma_wait3A_400 = tpu.memref_squeeze %dma_wait3A_399 : memref<1x128x64xf32, #tpu.memory_space<vmem>> -> memref<128x64xf32, #tpu.memory_space<vmem>>
          %dma_wait3A_401 = tpu.memref_slice %arg7[%mul3A_395] : memref<10240xi32, #tpu.memory_space<vmem>> -> memref<128xi32, #tpu.memory_space<vmem>>
          %dma_wait3A_402 = arith.constant 0 : i32
          %dma_wait3A_403 = arith.constant 0 : i32
          %dma_wait3A_404 = tpu.memref_slice %arg9[%dma_wait3A_402, %dma_wait3A_403] : memref<10128x64xf32, #tpu.memory_space<vmem_shared>> -> memref<10128x64xf32, #tpu.memory_space<vmem_shared>>
          tpu.wait_indirect_dma semaphore(%arg12 : memref<!tpu.dma_semaphore, #tpu.memory_space<semaphore_mem>>) src(%dma_wait3A_400 : memref<128x64xf32, #tpu.memory_space<vmem>>) dst(%dma_wait3A_404 : memref<10128x64xf32, #tpu.memory_space<vmem_shared>>)
        } else {
        }
        %add3A_379 = arith.constant 1 : i32
        %add3A_380 = arith.addi %add3A_345, %add3A_379 : i32
        %mul3A_381 = arith.constant 128 : i32
        %mul3A_382 = arith.muli %add3A_380, %mul3A_381 : i32
        %dma_start3A_383 = arith.constant 0 : i32
        %dma_start3A_384 = arith.constant 0 : i32
        %dma_start3A_385 = arith.constant 0 : i32
        %dma_start3A_386 = tpu.memref_slice %arg8[%dma_start3A_383, %dma_start3A_384, %dma_start3A_385] : memref<2x128x64xf32, #tpu.memory_space<vmem>> -> memref<1x128x64xf32, #tpu.memory_space<vmem>>
        %dma_start3A_387 = tpu.memref_squeeze %dma_start3A_386 : memref<1x128x64xf32, #tpu.memory_space<vmem>> -> memref<128x64xf32, #tpu.memory_space<vmem>>
        %dma_start3A_388 = tpu.memref_slice %arg6[%mul3A_382] : memref<10240xi32, #tpu.memory_space<vmem>> -> memref<128xi32, #tpu.memory_space<vmem>>
        %dma_start3A_389 = arith.constant 0 : i32
        %dma_start3A_390 = arith.constant 0 : i32
        %dma_start3A_391 = tpu.memref_slice %arg2[%dma_start3A_389, %dma_start3A_390] : memref<10000x64xf32, #tpu.memory_space<hbm>> -> memref<10000x64xf32, #tpu.memory_space<hbm>>
        tpu.enqueue_indirect_dma source(%dma_start3A_391 : memref<10000x64xf32, #tpu.memory_space<hbm>>) target(%dma_start3A_387 : memref<128x64xf32, #tpu.memory_space<vmem>>) offsets(%dma_start3A_388 : memref<128xi32, #tpu.memory_space<vmem>>) semaphore(%arg10 : memref<!tpu.dma_semaphore, #tpu.memory_space<semaphore_mem>>)
      } else {
      }
      %mul3A_353 = arith.constant 128 : i32
      %mul3A_354 = arith.muli %add3A_345, %mul3A_353 : i32
      %dma_wait3A_355 = arith.constant 1 : i32
      %dma_wait3A_356 = arith.constant 0 : i32
      %dma_wait3A_357 = arith.constant 0 : i32
      %dma_wait3A_358 = tpu.memref_slice %arg8[%dma_wait3A_355, %dma_wait3A_356, %dma_wait3A_357] : memref<2x128x64xf32, #tpu.memory_space<vmem>> -> memref<1x128x64xf32, #tpu.memory_space<vmem>>
      %dma_wait3A_359 = tpu.memref_squeeze %dma_wait3A_358 : memref<1x128x64xf32, #tpu.memory_space<vmem>> -> memref<128x64xf32, #tpu.memory_space<vmem>>
      %dma_wait3A_360 = tpu.memref_slice %arg6[%mul3A_354] : memref<10240xi32, #tpu.memory_space<vmem>> -> memref<128xi32, #tpu.memory_space<vmem>>
      %dma_wait3A_361 = arith.constant 0 : i32
      %dma_wait3A_362 = arith.constant 0 : i32
      %dma_wait3A_363 = tpu.memref_slice %arg2[%dma_wait3A_361, %dma_wait3A_362] : memref<10000x64xf32, #tpu.memory_space<hbm>> -> memref<10000x64xf32, #tpu.memory_space<hbm>>
      tpu.wait_indirect_dma semaphore(%arg11 : memref<!tpu.dma_semaphore, #tpu.memory_space<semaphore_mem>>) src(%dma_wait3A_363 : memref<10000x64xf32, #tpu.memory_space<hbm>>) dst(%dma_wait3A_359 : memref<128x64xf32, #tpu.memory_space<vmem>>)
      %mul3A_364 = arith.constant 128 : i32
      %mul3A_365 = arith.muli %add3A_345, %mul3A_364 : i32
      %dma_start3A_366 = arith.constant 1 : i32
      %dma_start3A_367 = arith.constant 0 : i32
      %dma_start3A_368 = arith.constant 0 : i32
      %dma_start3A_369 = tpu.memref_slice %arg8[%dma_start3A_366, %dma_start3A_367, %dma_start3A_368] : memref<2x128x64xf32, #tpu.memory_space<vmem>> -> memref<1x128x64xf32, #tpu.memory_space<vmem>>
      %dma_start3A_370 = tpu.memref_squeeze %dma_start3A_369 : memref<1x128x64xf32, #tpu.memory_space<vmem>> -> memref<128x64xf32, #tpu.memory_space<vmem>>
      %dma_start3A_371 = tpu.memref_slice %arg7[%mul3A_365] : memref<10240xi32, #tpu.memory_space<vmem>> -> memref<128xi32, #tpu.memory_space<vmem>>
      %dma_start3A_372 = arith.constant 0 : i32
      %dma_start3A_373 = arith.constant 0 : i32
      %dma_start3A_374 = tpu.memref_slice %arg9[%dma_start3A_372, %dma_start3A_373] : memref<10128x64xf32, #tpu.memory_space<vmem_shared>> -> memref<10128x64xf32, #tpu.memory_space<vmem_shared>>
      tpu.enqueue_indirect_dma source(%dma_start3A_370 : memref<128x64xf32, #tpu.memory_space<vmem>>) target(%dma_start3A_374 : memref<10128x64xf32, #tpu.memory_space<vmem_shared>>) offsets(%dma_start3A_371 : memref<128xi32, #tpu.memory_space<vmem>>) semaphore(%arg13 : memref<!tpu.dma_semaphore, #tpu.memory_space<semaphore_mem>>) {add = true}
    }
    %scan3A_285 = arith.constant 40 : i32
    %dma_wait3A = arith.constant 0 : i32
    %dma_wait3A_286 = arith.constant 0 : i32
    %dma_wait3A_287 = arith.constant 0 : i32
    %dma_wait3A_288 = tpu.memref_slice %arg8[%dma_wait3A, %dma_wait3A_286, %dma_wait3A_287] : memref<2x128x64xf32, #tpu.memory_space<vmem>> -> memref<1x128x64xf32, #tpu.memory_space<vmem>>
    %dma_wait3A_289 = tpu.memref_squeeze %dma_wait3A_288 : memref<1x128x64xf32, #tpu.memory_space<vmem>> -> memref<128x64xf32, #tpu.memory_space<vmem>>
    %dma_wait3A_290 = arith.constant 0 : i32
    %dma_wait3A_291 = tpu.memref_slice %arg7[%dma_wait3A_290] : memref<10240xi32, #tpu.memory_space<vmem>> -> memref<128xi32, #tpu.memory_space<vmem>>
    %dma_wait3A_292 = arith.constant 0 : i32
    %dma_wait3A_293 = arith.constant 0 : i32
    %dma_wait3A_294 = tpu.memref_slice %arg9[%dma_wait3A_292, %dma_wait3A_293] : memref<10128x64xf32, #tpu.memory_space<vmem_shared>> -> memref<10128x64xf32, #tpu.memory_space<vmem_shared>>
    tpu.wait_indirect_dma semaphore(%arg12 : memref<!tpu.dma_semaphore, #tpu.memory_space<semaphore_mem>>) src(%dma_wait3A_289 : memref<128x64xf32, #tpu.memory_space<vmem>>) dst(%dma_wait3A_294 : memref<10128x64xf32, #tpu.memory_space<vmem_shared>>)
    %dma_wait3A_295 = arith.constant 1 : i32
    %dma_wait3A_296 = arith.constant 0 : i32
    %dma_wait3A_297 = arith.constant 0 : i32
    %dma_wait3A_298 = tpu.memref_slice %arg8[%dma_wait3A_295, %dma_wait3A_296, %dma_wait3A_297] : memref<2x128x64xf32, #tpu.memory_space<vmem>> -> memref<1x128x64xf32, #tpu.memory_space<vmem>>
    %dma_wait3A_299 = tpu.memref_squeeze %dma_wait3A_298 : memref<1x128x64xf32, #tpu.memory_space<vmem>> -> memref<128x64xf32, #tpu.memory_space<vmem>>
    %dma_wait3A_300 = arith.constant 0 : i32
    %dma_wait3A_301 = tpu.memref_slice %arg7[%dma_wait3A_300] : memref<10240xi32, #tpu.memory_space<vmem>> -> memref<128xi32, #tpu.memory_space<vmem>>
    %dma_wait3A_302 = arith.constant 0 : i32
    %dma_wait3A_303 = arith.constant 0 : i32
    %dma_wait3A_304 = tpu.memref_slice %arg9[%dma_wait3A_302, %dma_wait3A_303] : memref<10128x64xf32, #tpu.memory_space<vmem_shared>> -> memref<10128x64xf32, #tpu.memory_space<vmem_shared>>
    tpu.wait_indirect_dma semaphore(%arg13 : memref<!tpu.dma_semaphore, #tpu.memory_space<semaphore_mem>>) src(%dma_wait3A_299 : memref<128x64xf32, #tpu.memory_space<vmem>>) dst(%dma_wait3A_304 : memref<10128x64xf32, #tpu.memory_space<vmem_shared>>)
    %barrier3A_305 = arith.constant 0 : index
    tpu.barrier barrier_id(%barrier3A_305)
    %scan3A_306 = arith.constant 0 : i32
    %scan3A_307 = arith.constant 4 : i32
    %scan3A_308 = arith.addi %scan3A_306, %scan3A_307 : i32
    %scan3A_309 = arith.constant 1 : i32
    scf.for %scan3A_311 = %scan3A_306 to %scan3A_308 step %scan3A_309  : i32 {
      %mul3A_312 = arith.constant 16 : i32
      %mul3A_313 = arith.muli %mul3A_312, %scan3A_311 : i32
      %add3A_314 = arith.addi %arg1, %mul3A_313 : i32
      %lt3A = arith.constant 50 : i32
      %lt3A_315 = arith.cmpi slt, %add3A_314, %lt3A : i32
      %convert_element_type3A = arith.extui %lt3A_315 : i1 to i32
      %cond3A = arith.constant 0 : i32
      %cond3A_316 = arith.cmpi ne, %convert_element_type3A, %cond3A : i32
      scf.if %cond3A_316 {
        %mul3A_317 = arith.constant 200 : i32
        %mul3A_318 = arith.muli %add3A_314, %mul3A_317 : i32
        %mul3A_319 = arith.constant 200 : i32
        %mul3A_320 = arith.muli %add3A_314, %mul3A_319 : i32
        "tpu.region"() ({
          %run_scoped3A = tpu.sem_alloc : memref<!tpu.dma_semaphore, #tpu.memory_space<semaphore_mem>>
          %dma_start3A_321 = arith.constant 0 : i32
          %dma_start3A_322 = tpu.memref_slice %arg5[%arg0, %mul3A_320, %dma_start3A_321] : memref<2x10000x128xf32, #tpu.memory_space<hbm>> -> memref<1x200x64xf32, #tpu.memory_space<hbm>>
          %dma_start3A_323 = tpu.memref_squeeze %dma_start3A_322 : memref<1x200x64xf32, #tpu.memory_space<hbm>> -> memref<200x64xf32, #tpu.memory_space<hbm>>
          %dma_start3A_324 = arith.constant 0 : i32
          %dma_start3A_325 = tpu.memref_slice %arg9[%mul3A_318, %dma_start3A_324] : memref<10128x64xf32, #tpu.memory_space<vmem_shared>> -> memref<200x64xf32, #tpu.memory_space<vmem_shared>>
          tpu.enqueue_dma source(%dma_start3A_325 : memref<200x64xf32, #tpu.memory_space<vmem_shared>>) target(%dma_start3A_323 : memref<200x64xf32, #tpu.memory_space<hbm>>) target_semaphore(%run_scoped3A : memref<!tpu.dma_semaphore, #tpu.memory_space<semaphore_mem>>)
          %dma_wait3A_326 = arith.constant 0 : i32
          %dma_wait3A_327 = tpu.memref_slice %arg5[%arg0, %mul3A_320, %dma_wait3A_326] : memref<2x10000x128xf32, #tpu.memory_space<hbm>> -> memref<1x200x64xf32, #tpu.memory_space<hbm>>
          %dma_wait3A_328 = tpu.memref_squeeze %dma_wait3A_327 : memref<1x200x64xf32, #tpu.memory_space<hbm>> -> memref<200x64xf32, #tpu.memory_space<hbm>>
          %dma_wait3A_329 = arith.constant 0 : i32
          %dma_wait3A_330 = tpu.memref_slice %arg9[%mul3A_318, %dma_wait3A_329] : memref<10128x64xf32, #tpu.memory_space<vmem_shared>> -> memref<200x64xf32, #tpu.memory_space<vmem_shared>>
          tpu.wait_dma2 semaphore(%run_scoped3A : memref<!tpu.dma_semaphore, #tpu.memory_space<semaphore_mem>>) src(%dma_wait3A_330 : memref<200x64xf32, #tpu.memory_space<vmem_shared>>) dst(%dma_wait3A_328 : memref<200x64xf32, #tpu.memory_space<hbm>>)
          tpu.yield
        }) : () -> ()
      } else {
      }
    }
    %scan3A_310 = arith.constant 4 : i32
    return
  }
}

#map = affine_map<(d0, d1) -> (0)>
#map1 = affine_map<(d0, d1) -> (0, 0)>
#map2 = affine_map<(d0, d1) -> (0, 0, 0)>
module attributes {stable_mosaic.version = 14 : i64} {
  func.func @deg_kernel(%arg0: i32, %arg1: i32, %arg2: memref<640000xi32, #tpu.memory_space<hbm>>, %arg3: memref<200x16xf32, #tpu.memory_space<hbm>>, %arg4: memref<2x10000x16xf32, #tpu.memory_space<hbm>>, %arg5: memref<10240xi32, #tpu.memory_space<vmem>>, %arg6: memref<128x16xf32, #tpu.memory_space<vmem>>, %arg7: memref<10128x16xf32, #tpu.memory_space<vmem_shared>>, %arg8: memref<!tpu.dma_semaphore, #tpu.memory_space<semaphore_mem>>, %arg9: memref<!tpu.dma_semaphore, #tpu.memory_space<semaphore_mem>>) attributes {dimension_semantics = [#tpu.dimension_semantics<core_parallel>, #tpu.dimension_semantics<subcore_parallel>], iteration_bounds = array<i64: 2, 16>, scalar_prefetch = 0 : i64, scratch_operands = 5 : i64, tpu.core_type = #tpu.core_type<sc_vector_subcore>, window_params = [{transform_indices = #map}, {transform_indices = #map1}, {transform_indices = #map2}]} {
    %mul3A = arith.constant 2 : i32
    %mul3A_0 = arith.muli %arg1, %mul3A : i32
    %add3A = arith.addi %mul3A_0, %arg0 : i32
    %scan3A = arith.constant 0 : i32
    %scan3A_1 = arith.constant 4 : i32
    %scan3A_2 = arith.addi %scan3A, %scan3A_1 : i32
    %scan3A_3 = arith.constant 1 : i32
    scf.for %scan3A_166 = %scan3A to %scan3A_2 step %scan3A_3  : i32 {
      %mul3A_167 = arith.constant 16 : i32
      %mul3A_168 = arith.muli %mul3A_167, %scan3A_166 : i32
      %add3A_169 = arith.addi %arg1, %mul3A_168 : i32
      %lt3A = arith.constant 50 : i32
      %lt3A_170 = arith.cmpi slt, %add3A_169, %lt3A : i32
      %convert_element_type3A = arith.extui %lt3A_170 : i1 to i32
      %cond3A = arith.constant 0 : i32
      %cond3A_171 = arith.cmpi ne, %convert_element_type3A, %cond3A : i32
      scf.if %cond3A_171 {
        %mul3A_172 = arith.constant 200 : i32
        %mul3A_173 = arith.muli %add3A_169, %mul3A_172 : i32
        %dma_start3A = arith.constant 0 : i32
        %dma_start3A_174 = tpu.memref_slice %arg7[%mul3A_173, %dma_start3A] : memref<10128x16xf32, #tpu.memory_space<vmem_shared>> -> memref<200x16xf32, #tpu.memory_space<vmem_shared>>
        tpu.enqueue_dma source(%arg3 : memref<200x16xf32, #tpu.memory_space<hbm>>) target(%dma_start3A_174 : memref<200x16xf32, #tpu.memory_space<vmem_shared>>) target_semaphore(%arg9 : memref<!tpu.dma_semaphore, #tpu.memory_space<semaphore_mem>>)
      } else {
      }
    }
    %scan3A_4 = arith.constant 4 : i32
    %mul3A_5 = arith.constant 10000 : i32
    %mul3A_6 = arith.muli %add3A, %mul3A_5 : i32
    %add3A_7 = arith.constant 320000 : i32
    %add3A_8 = arith.addi %add3A_7, %mul3A_6 : i32
    "tpu.region"() ({
      %run_scoped3A = tpu.sem_alloc : memref<!tpu.dma_semaphore, #tpu.memory_space<semaphore_mem>>
      %dma_start3A = arith.constant 0 : i32
      %dma_start3A_166 = tpu.memref_slice %arg5[%dma_start3A] : memref<10240xi32, #tpu.memory_space<vmem>> -> memref<10000xi32, #tpu.memory_space<vmem>>
      %dma_start3A_167 = tpu.memref_slice %arg2[%add3A_8] : memref<640000xi32, #tpu.memory_space<hbm>> -> memref<10000xi32, #tpu.memory_space<hbm>>
      %dma_start3A_168 = arith.constant 0 : i32
      %dma_start3A_169 = tpu.memref_slice %arg5[%dma_start3A_168] : memref<10240xi32, #tpu.memory_space<vmem>> -> memref<10000xi32, #tpu.memory_space<vmem>>
      %dma_start3A_170 = tpu.memref_slice %arg2[%add3A_8] : memref<640000xi32, #tpu.memory_space<hbm>> -> memref<10000xi32, #tpu.memory_space<hbm>>
      tpu.enqueue_dma source(%dma_start3A_170 : memref<10000xi32, #tpu.memory_space<hbm>>) target(%dma_start3A_169 : memref<10000xi32, #tpu.memory_space<vmem>>) target_semaphore(%run_scoped3A : memref<!tpu.dma_semaphore, #tpu.memory_space<semaphore_mem>>)
      %dma_wait3A_171 = arith.constant 0 : i32
      %dma_wait3A_172 = tpu.memref_slice %arg5[%dma_wait3A_171] : memref<10240xi32, #tpu.memory_space<vmem>> -> memref<10000xi32, #tpu.memory_space<vmem>>
      %dma_wait3A_173 = tpu.memref_slice %arg2[%add3A_8] : memref<640000xi32, #tpu.memory_space<hbm>> -> memref<10000xi32, #tpu.memory_space<hbm>>
      %dma_wait3A_174 = arith.constant 0 : i32
      %dma_wait3A_175 = tpu.memref_slice %arg5[%dma_wait3A_174] : memref<10240xi32, #tpu.memory_space<vmem>> -> memref<10000xi32, #tpu.memory_space<vmem>>
      %dma_wait3A_176 = tpu.memref_slice %arg2[%add3A_8] : memref<640000xi32, #tpu.memory_space<hbm>> -> memref<10000xi32, #tpu.memory_space<hbm>>
      tpu.wait_dma2 semaphore(%run_scoped3A : memref<!tpu.dma_semaphore, #tpu.memory_space<semaphore_mem>>) src(%dma_wait3A_176 : memref<10000xi32, #tpu.memory_space<hbm>>) dst(%dma_wait3A_175 : memref<10000xi32, #tpu.memory_space<vmem>>)
      tpu.yield
    }) : () -> ()
    %iota3A = tpu.iota {dimensions = array<i32: 0>} : vector<16xi32>
    %add3A_9 = arith.constant 10000 : i32
    %add3A_10 = vector.broadcast %add3A_9 : i32 to vector<16xi32>
    %add3A_11 = arith.addi %add3A_10, %iota3A : vector<16xi32>
    %add3A_12 = arith.constant 0 : i32
    %add3A_13 = vector.broadcast %add3A_12 : i32 to vector<16xi32>
    %add3A_14 = arith.addi %add3A_11, %add3A_13 : vector<16xi32>
    %swap3A = arith.constant 10000 : index
    %swap3A_15 = tpu.vector_load %arg5[%swap3A] {strides = array<i32>} : memref<10240xi32, #tpu.memory_space<vmem>>, vector<16xi32>,
    %swap3A_16 = vector.shape_cast %swap3A_15 : vector<16xi32> to vector<16xi32>
    %swap3A_17 = vector.shape_cast %add3A_14 : vector<16xi32> to vector<16xi32>
    tpu.vector_store %arg5[%swap3A], %swap3A_17 {strides = array<i32>} : memref<10240xi32, #tpu.memory_space<vmem>>, vector<16xi32>,
    %add3A_18 = arith.constant 16 : i32
    %add3A_19 = vector.broadcast %add3A_18 : i32 to vector<16xi32>
    %add3A_20 = arith.addi %add3A_11, %add3A_19 : vector<16xi32>
    %swap3A_21 = arith.constant 10016 : index
    %swap3A_22 = tpu.vector_load %arg5[%swap3A_21] {strides = array<i32>} : memref<10240xi32, #tpu.memory_space<vmem>>, vector<16xi32>,
    %swap3A_23 = vector.shape_cast %swap3A_22 : vector<16xi32> to vector<16xi32>
    %swap3A_24 = vector.shape_cast %add3A_20 : vector<16xi32> to vector<16xi32>
    tpu.vector_store %arg5[%swap3A_21], %swap3A_24 {strides = array<i32>} : memref<10240xi32, #tpu.memory_space<vmem>>, vector<16xi32>,
    %add3A_25 = arith.constant 32 : i32
    %add3A_26 = vector.broadcast %add3A_25 : i32 to vector<16xi32>
    %add3A_27 = arith.addi %add3A_11, %add3A_26 : vector<16xi32>
    %swap3A_28 = arith.constant 10032 : index
    %swap3A_29 = tpu.vector_load %arg5[%swap3A_28] {strides = array<i32>} : memref<10240xi32, #tpu.memory_space<vmem>>, vector<16xi32>,
    %swap3A_30 = vector.shape_cast %swap3A_29 : vector<16xi32> to vector<16xi32>
    %swap3A_31 = vector.shape_cast %add3A_27 : vector<16xi32> to vector<16xi32>
    tpu.vector_store %arg5[%swap3A_28], %swap3A_31 {strides = array<i32>} : memref<10240xi32, #tpu.memory_space<vmem>>, vector<16xi32>,
    %add3A_32 = arith.constant 48 : i32
    %add3A_33 = vector.broadcast %add3A_32 : i32 to vector<16xi32>
    %add3A_34 = arith.addi %add3A_11, %add3A_33 : vector<16xi32>
    %swap3A_35 = arith.constant 10048 : index
    %swap3A_36 = tpu.vector_load %arg5[%swap3A_35] {strides = array<i32>} : memref<10240xi32, #tpu.memory_space<vmem>>, vector<16xi32>,
    %swap3A_37 = vector.shape_cast %swap3A_36 : vector<16xi32> to vector<16xi32>
    %swap3A_38 = vector.shape_cast %add3A_34 : vector<16xi32> to vector<16xi32>
    tpu.vector_store %arg5[%swap3A_35], %swap3A_38 {strides = array<i32>} : memref<10240xi32, #tpu.memory_space<vmem>>, vector<16xi32>,
    %add3A_39 = arith.constant 64 : i32
    %add3A_40 = vector.broadcast %add3A_39 : i32 to vector<16xi32>
    %add3A_41 = arith.addi %add3A_11, %add3A_40 : vector<16xi32>
    %swap3A_42 = arith.constant 10064 : index
    %swap3A_43 = tpu.vector_load %arg5[%swap3A_42] {strides = array<i32>} : memref<10240xi32, #tpu.memory_space<vmem>>, vector<16xi32>,
    %swap3A_44 = vector.shape_cast %swap3A_43 : vector<16xi32> to vector<16xi32>
    %swap3A_45 = vector.shape_cast %add3A_41 : vector<16xi32> to vector<16xi32>
    tpu.vector_store %arg5[%swap3A_42], %swap3A_45 {strides = array<i32>} : memref<10240xi32, #tpu.memory_space<vmem>>, vector<16xi32>,
    %add3A_46 = arith.constant 80 : i32
    %add3A_47 = vector.broadcast %add3A_46 : i32 to vector<16xi32>
    %add3A_48 = arith.addi %add3A_11, %add3A_47 : vector<16xi32>
    %swap3A_49 = arith.constant 10080 : index
    %swap3A_50 = tpu.vector_load %arg5[%swap3A_49] {strides = array<i32>} : memref<10240xi32, #tpu.memory_space<vmem>>, vector<16xi32>,
    %swap3A_51 = vector.shape_cast %swap3A_50 : vector<16xi32> to vector<16xi32>
    %swap3A_52 = vector.shape_cast %add3A_48 : vector<16xi32> to vector<16xi32>
    tpu.vector_store %arg5[%swap3A_49], %swap3A_52 {strides = array<i32>} : memref<10240xi32, #tpu.memory_space<vmem>>, vector<16xi32>,
    %add3A_53 = arith.constant 96 : i32
    %add3A_54 = vector.broadcast %add3A_53 : i32 to vector<16xi32>
    %add3A_55 = arith.addi %add3A_11, %add3A_54 : vector<16xi32>
    %swap3A_56 = arith.constant 10096 : index
    %swap3A_57 = tpu.vector_load %arg5[%swap3A_56] {strides = array<i32>} : memref<10240xi32, #tpu.memory_space<vmem>>, vector<16xi32>,
    %swap3A_58 = vector.shape_cast %swap3A_57 : vector<16xi32> to vector<16xi32>
    %swap3A_59 = vector.shape_cast %add3A_55 : vector<16xi32> to vector<16xi32>
    tpu.vector_store %arg5[%swap3A_56], %swap3A_59 {strides = array<i32>} : memref<10240xi32, #tpu.memory_space<vmem>>, vector<16xi32>,
    %add3A_60 = arith.constant 112 : i32
    %add3A_61 = vector.broadcast %add3A_60 : i32 to vector<16xi32>
    %add3A_62 = arith.addi %add3A_11, %add3A_61 : vector<16xi32>
    %swap3A_63 = arith.constant 10112 : index
    %swap3A_64 = tpu.vector_load %arg5[%swap3A_63] {strides = array<i32>} : memref<10240xi32, #tpu.memory_space<vmem>>, vector<16xi32>,
    %swap3A_65 = vector.shape_cast %swap3A_64 : vector<16xi32> to vector<16xi32>
    %swap3A_66 = vector.shape_cast %add3A_62 : vector<16xi32> to vector<16xi32>
    tpu.vector_store %arg5[%swap3A_63], %swap3A_66 {strides = array<i32>} : memref<10240xi32, #tpu.memory_space<vmem>>, vector<16xi32>,
    %add3A_67 = arith.constant 0 : i32
    %add3A_68 = vector.broadcast %add3A_67 : i32 to vector<16xi32>
    %add3A_69 = arith.addi %add3A_11, %add3A_68 : vector<16xi32>
    %swap3A_70 = arith.constant 10128 : index
    %swap3A_71 = tpu.vector_load %arg5[%swap3A_70] {strides = array<i32>} : memref<10240xi32, #tpu.memory_space<vmem>>, vector<16xi32>,
    %swap3A_72 = vector.shape_cast %swap3A_71 : vector<16xi32> to vector<16xi32>
    %swap3A_73 = vector.shape_cast %add3A_69 : vector<16xi32> to vector<16xi32>
    tpu.vector_store %arg5[%swap3A_70], %swap3A_73 {strides = array<i32>} : memref<10240xi32, #tpu.memory_space<vmem>>, vector<16xi32>,
    %add3A_74 = arith.constant 16 : i32
    %add3A_75 = vector.broadcast %add3A_74 : i32 to vector<16xi32>
    %add3A_76 = arith.addi %add3A_11, %add3A_75 : vector<16xi32>
    %swap3A_77 = arith.constant 10144 : index
    %swap3A_78 = tpu.vector_load %arg5[%swap3A_77] {strides = array<i32>} : memref<10240xi32, #tpu.memory_space<vmem>>, vector<16xi32>,
    %swap3A_79 = vector.shape_cast %swap3A_78 : vector<16xi32> to vector<16xi32>
    %swap3A_80 = vector.shape_cast %add3A_76 : vector<16xi32> to vector<16xi32>
    tpu.vector_store %arg5[%swap3A_77], %swap3A_80 {strides = array<i32>} : memref<10240xi32, #tpu.memory_space<vmem>>, vector<16xi32>,
    %add3A_81 = arith.constant 32 : i32
    %add3A_82 = vector.broadcast %add3A_81 : i32 to vector<16xi32>
    %add3A_83 = arith.addi %add3A_11, %add3A_82 : vector<16xi32>
    %swap3A_84 = arith.constant 10160 : index
    %swap3A_85 = tpu.vector_load %arg5[%swap3A_84] {strides = array<i32>} : memref<10240xi32, #tpu.memory_space<vmem>>, vector<16xi32>,
    %swap3A_86 = vector.shape_cast %swap3A_85 : vector<16xi32> to vector<16xi32>
    %swap3A_87 = vector.shape_cast %add3A_83 : vector<16xi32> to vector<16xi32>
    tpu.vector_store %arg5[%swap3A_84], %swap3A_87 {strides = array<i32>} : memref<10240xi32, #tpu.memory_space<vmem>>, vector<16xi32>,
    %add3A_88 = arith.constant 48 : i32
    %add3A_89 = vector.broadcast %add3A_88 : i32 to vector<16xi32>
    %add3A_90 = arith.addi %add3A_11, %add3A_89 : vector<16xi32>
    %swap3A_91 = arith.constant 10176 : index
    %swap3A_92 = tpu.vector_load %arg5[%swap3A_91] {strides = array<i32>} : memref<10240xi32, #tpu.memory_space<vmem>>, vector<16xi32>,
    %swap3A_93 = vector.shape_cast %swap3A_92 : vector<16xi32> to vector<16xi32>
    %swap3A_94 = vector.shape_cast %add3A_90 : vector<16xi32> to vector<16xi32>
    tpu.vector_store %arg5[%swap3A_91], %swap3A_94 {strides = array<i32>} : memref<10240xi32, #tpu.memory_space<vmem>>, vector<16xi32>,
    %add3A_95 = arith.constant 64 : i32
    %add3A_96 = vector.broadcast %add3A_95 : i32 to vector<16xi32>
    %add3A_97 = arith.addi %add3A_11, %add3A_96 : vector<16xi32>
    %swap3A_98 = arith.constant 10192 : index
    %swap3A_99 = tpu.vector_load %arg5[%swap3A_98] {strides = array<i32>} : memref<10240xi32, #tpu.memory_space<vmem>>, vector<16xi32>,
    %swap3A_100 = vector.shape_cast %swap3A_99 : vector<16xi32> to vector<16xi32>
    %swap3A_101 = vector.shape_cast %add3A_97 : vector<16xi32> to vector<16xi32>
    tpu.vector_store %arg5[%swap3A_98], %swap3A_101 {strides = array<i32>} : memref<10240xi32, #tpu.memory_space<vmem>>, vector<16xi32>,
    %add3A_102 = arith.constant 80 : i32
    %add3A_103 = vector.broadcast %add3A_102 : i32 to vector<16xi32>
    %add3A_104 = arith.addi %add3A_11, %add3A_103 : vector<16xi32>
    %swap3A_105 = arith.constant 10208 : index
    %swap3A_106 = tpu.vector_load %arg5[%swap3A_105] {strides = array<i32>} : memref<10240xi32, #tpu.memory_space<vmem>>, vector<16xi32>,
    %swap3A_107 = vector.shape_cast %swap3A_106 : vector<16xi32> to vector<16xi32>
    %swap3A_108 = vector.shape_cast %add3A_104 : vector<16xi32> to vector<16xi32>
    tpu.vector_store %arg5[%swap3A_105], %swap3A_108 {strides = array<i32>} : memref<10240xi32, #tpu.memory_space<vmem>>, vector<16xi32>,
    %add3A_109 = arith.constant 96 : i32
    %add3A_110 = vector.broadcast %add3A_109 : i32 to vector<16xi32>
    %add3A_111 = arith.addi %add3A_11, %add3A_110 : vector<16xi32>
    %swap3A_112 = arith.constant 10224 : index
    %swap3A_113 = tpu.vector_load %arg5[%swap3A_112] {strides = array<i32>} : memref<10240xi32, #tpu.memory_space<vmem>>, vector<16xi32>,
    %swap3A_114 = vector.shape_cast %swap3A_113 : vector<16xi32> to vector<16xi32>
    %swap3A_115 = vector.shape_cast %add3A_111 : vector<16xi32> to vector<16xi32>
    tpu.vector_store %arg5[%swap3A_112], %swap3A_115 {strides = array<i32>} : memref<10240xi32, #tpu.memory_space<vmem>>, vector<16xi32>,
    %scan3A_116 = arith.constant 0 : i32
    %scan3A_117 = arith.constant 128 : i32
    %scan3A_118 = arith.addi %scan3A_116, %scan3A_117 : i32
    %scan3A_119 = arith.constant 1 : i32
    scf.for %scan3A_166 = %scan3A_116 to %scan3A_118 step %scan3A_119  : i32 {
      %broadcast_in_dim3A = arith.constant 1.000000e+00 : f32
      %broadcast_in_dim3A_167 = vector.broadcast %broadcast_in_dim3A : f32 to vector<16xf32>
      %swap3A_168 = arith.index_cast %scan3A_166 : i32 to index
      %swap3A_169 = arith.constant 0 : index
      %swap3A_170 = tpu.vector_load %arg6[%swap3A_168, %swap3A_169] {strides = array<i32>} : memref<128x16xf32, #tpu.memory_space<vmem>>, vector<1x16xf32>,
      %swap3A_171 = vector.shape_cast %swap3A_170 : vector<1x16xf32> to vector<16xf32>
      %swap3A_172 = vector.shape_cast %broadcast_in_dim3A_167 : vector<16xf32> to vector<1x16xf32>
      tpu.vector_store %arg6[%swap3A_168, %swap3A_169], %swap3A_172 {strides = array<i32>} : memref<128x16xf32, #tpu.memory_space<vmem>>, vector<1x16xf32>,
    }
    %scan3A_120 = arith.constant 128 : i32
    %scan3A_121 = arith.constant 0 : i32
    %scan3A_122 = arith.constant 4 : i32
    %scan3A_123 = arith.addi %scan3A_121, %scan3A_122 : i32
    %scan3A_124 = arith.constant 1 : i32
    scf.for %scan3A_166 = %scan3A_121 to %scan3A_123 step %scan3A_124  : i32 {
      %mul3A_167 = arith.constant 16 : i32
      %mul3A_168 = arith.muli %mul3A_167, %scan3A_166 : i32
      %add3A_169 = arith.addi %arg1, %mul3A_168 : i32
      %lt3A = arith.constant 50 : i32
      %lt3A_170 = arith.cmpi slt, %add3A_169, %lt3A : i32
      %convert_element_type3A = arith.extui %lt3A_170 : i1 to i32
      %cond3A = arith.constant 0 : i32
      %cond3A_171 = arith.cmpi ne, %convert_element_type3A, %cond3A : i32
      scf.if %cond3A_171 {
        %mul3A_172 = arith.constant 200 : i32
        %mul3A_173 = arith.muli %add3A_169, %mul3A_172 : i32
        %dma_wait3A_174 = arith.constant 0 : i32
        %dma_wait3A_175 = tpu.memref_slice %arg7[%mul3A_173, %dma_wait3A_174] : memref<10128x16xf32, #tpu.memory_space<vmem_shared>> -> memref<200x16xf32, #tpu.memory_space<vmem_shared>>
        tpu.wait_dma2 semaphore(%arg9 : memref<!tpu.dma_semaphore, #tpu.memory_space<semaphore_mem>>) src(%arg3 : memref<200x16xf32, #tpu.memory_space<hbm>>) dst(%dma_wait3A_175 : memref<200x16xf32, #tpu.memory_space<vmem_shared>>)
      } else {
      }
    }
    %scan3A_125 = arith.constant 4 : i32
    %barrier3A = arith.constant 0 : index
    tpu.barrier barrier_id(%barrier3A)
    %scan3A_126 = arith.constant 0 : i32
    %scan3A_127 = arith.constant 80 : i32
    %scan3A_128 = arith.addi %scan3A_126, %scan3A_127 : i32
    %scan3A_129 = arith.constant 1 : i32
    scf.for %scan3A_166 = %scan3A_126 to %scan3A_128 step %scan3A_129  : i32 {
      %mul3A_167 = arith.constant 128 : i32
      %mul3A_168 = arith.muli %scan3A_166, %mul3A_167 : i32
      %dma_start3A = tpu.memref_slice %arg5[%mul3A_168] : memref<10240xi32, #tpu.memory_space<vmem>> -> memref<128xi32, #tpu.memory_space<vmem>>
      %dma_start3A_169 = arith.constant 0 : i32
      %dma_start3A_170 = arith.constant 0 : i32
      %dma_start3A_171 = tpu.memref_slice %arg7[%dma_start3A_169, %dma_start3A_170] : memref<10128x16xf32, #tpu.memory_space<vmem_shared>> -> memref<10128x16xf32, #tpu.memory_space<vmem_shared>>
      tpu.enqueue_indirect_dma source(%arg6 : memref<128x16xf32, #tpu.memory_space<vmem>>) target(%dma_start3A_171 : memref<10128x16xf32, #tpu.memory_space<vmem_shared>>) offsets(%dma_start3A : memref<128xi32, #tpu.memory_space<vmem>>) semaphore(%arg8 : memref<!tpu.dma_semaphore, #tpu.memory_space<semaphore_mem>>) {add = true}
      %ge3A = arith.constant 6 : i32
      %ge3A_172 = arith.cmpi sge, %scan3A_166, %ge3A : i32
      %convert_element_type3A = arith.extui %ge3A_172 : i1 to i32
      %cond3A = arith.constant 0 : i32
      %cond3A_173 = arith.cmpi ne, %convert_element_type3A, %cond3A : i32
      scf.if %cond3A_173 {
        %dma_wait3A_174 = arith.constant 0 : i32
        %dma_wait3A_175 = tpu.memref_slice %arg5[%dma_wait3A_174] : memref<10240xi32, #tpu.memory_space<vmem>> -> memref<128xi32, #tpu.memory_space<vmem>>
        %dma_wait3A_176 = arith.constant 0 : i32
        %dma_wait3A_177 = arith.constant 0 : i32
        %dma_wait3A_178 = tpu.memref_slice %arg7[%dma_wait3A_176, %dma_wait3A_177] : memref<10128x16xf32, #tpu.memory_space<vmem_shared>> -> memref<10128x16xf32, #tpu.memory_space<vmem_shared>>
        tpu.wait_indirect_dma semaphore(%arg8 : memref<!tpu.dma_semaphore, #tpu.memory_space<semaphore_mem>>) src(%arg6 : memref<128x16xf32, #tpu.memory_space<vmem>>) dst(%dma_wait3A_178 : memref<10128x16xf32, #tpu.memory_space<vmem_shared>>)
      } else {
      }
    }
    %scan3A_130 = arith.constant 80 : i32
    %dma_wait3A = arith.constant 0 : i32
    %dma_wait3A_131 = tpu.memref_slice %arg5[%dma_wait3A] : memref<10240xi32, #tpu.memory_space<vmem>> -> memref<128xi32, #tpu.memory_space<vmem>>
    %dma_wait3A_132 = arith.constant 0 : i32
    %dma_wait3A_133 = arith.constant 0 : i32
    %dma_wait3A_134 = tpu.memref_slice %arg7[%dma_wait3A_132, %dma_wait3A_133] : memref<10128x16xf32, #tpu.memory_space<vmem_shared>> -> memref<10128x16xf32, #tpu.memory_space<vmem_shared>>
    tpu.wait_indirect_dma semaphore(%arg8 : memref<!tpu.dma_semaphore, #tpu.memory_space<semaphore_mem>>) src(%arg6 : memref<128x16xf32, #tpu.memory_space<vmem>>) dst(%dma_wait3A_134 : memref<10128x16xf32, #tpu.memory_space<vmem_shared>>)
    %dma_wait3A_135 = arith.constant 0 : i32
    %dma_wait3A_136 = tpu.memref_slice %arg5[%dma_wait3A_135] : memref<10240xi32, #tpu.memory_space<vmem>> -> memref<128xi32, #tpu.memory_space<vmem>>
    %dma_wait3A_137 = arith.constant 0 : i32
    %dma_wait3A_138 = arith.constant 0 : i32
    %dma_wait3A_139 = tpu.memref_slice %arg7[%dma_wait3A_137, %dma_wait3A_138] : memref<10128x16xf32, #tpu.memory_space<vmem_shared>> -> memref<10128x16xf32, #tpu.memory_space<vmem_shared>>
    tpu.wait_indirect_dma semaphore(%arg8 : memref<!tpu.dma_semaphore, #tpu.memory_space<semaphore_mem>>) src(%arg6 : memref<128x16xf32, #tpu.memory_space<vmem>>) dst(%dma_wait3A_139 : memref<10128x16xf32, #tpu.memory_space<vmem_shared>>)
    %dma_wait3A_140 = arith.constant 0 : i32
    %dma_wait3A_141 = tpu.memref_slice %arg5[%dma_wait3A_140] : memref<10240xi32, #tpu.memory_space<vmem>> -> memref<128xi32, #tpu.memory_space<vmem>>
    %dma_wait3A_142 = arith.constant 0 : i32
    %dma_wait3A_143 = arith.constant 0 : i32
    %dma_wait3A_144 = tpu.memref_slice %arg7[%dma_wait3A_142, %dma_wait3A_143] : memref<10128x16xf32, #tpu.memory_space<vmem_shared>> -> memref<10128x16xf32, #tpu.memory_space<vmem_shared>>
    tpu.wait_indirect_dma semaphore(%arg8 : memref<!tpu.dma_semaphore, #tpu.memory_space<semaphore_mem>>) src(%arg6 : memref<128x16xf32, #tpu.memory_space<vmem>>) dst(%dma_wait3A_144 : memref<10128x16xf32, #tpu.memory_space<vmem_shared>>)
    %dma_wait3A_145 = arith.constant 0 : i32
    %dma_wait3A_146 = tpu.memref_slice %arg5[%dma_wait3A_145] : memref<10240xi32, #tpu.memory_space<vmem>> -> memref<128xi32, #tpu.memory_space<vmem>>
    %dma_wait3A_147 = arith.constant 0 : i32
    %dma_wait3A_148 = arith.constant 0 : i32
    %dma_wait3A_149 = tpu.memref_slice %arg7[%dma_wait3A_147, %dma_wait3A_148] : memref<10128x16xf32, #tpu.memory_space<vmem_shared>> -> memref<10128x16xf32, #tpu.memory_space<vmem_shared>>
    tpu.wait_indirect_dma semaphore(%arg8 : memref<!tpu.dma_semaphore, #tpu.memory_space<semaphore_mem>>) src(%arg6 : memref<128x16xf32, #tpu.memory_space<vmem>>) dst(%dma_wait3A_149 : memref<10128x16xf32, #tpu.memory_space<vmem_shared>>)
    %dma_wait3A_150 = arith.constant 0 : i32
    %dma_wait3A_151 = tpu.memref_slice %arg5[%dma_wait3A_150] : memref<10240xi32, #tpu.memory_space<vmem>> -> memref<128xi32, #tpu.memory_space<vmem>>
    %dma_wait3A_152 = arith.constant 0 : i32
    %dma_wait3A_153 = arith.constant 0 : i32
    %dma_wait3A_154 = tpu.memref_slice %arg7[%dma_wait3A_152, %dma_wait3A_153] : memref<10128x16xf32, #tpu.memory_space<vmem_shared>> -> memref<10128x16xf32, #tpu.memory_space<vmem_shared>>
    tpu.wait_indirect_dma semaphore(%arg8 : memref<!tpu.dma_semaphore, #tpu.memory_space<semaphore_mem>>) src(%arg6 : memref<128x16xf32, #tpu.memory_space<vmem>>) dst(%dma_wait3A_154 : memref<10128x16xf32, #tpu.memory_space<vmem_shared>>)
    %dma_wait3A_155 = arith.constant 0 : i32
    %dma_wait3A_156 = tpu.memref_slice %arg5[%dma_wait3A_155] : memref<10240xi32, #tpu.memory_space<vmem>> -> memref<128xi32, #tpu.memory_space<vmem>>
    %dma_wait3A_157 = arith.constant 0 : i32
    %dma_wait3A_158 = arith.constant 0 : i32
    %dma_wait3A_159 = tpu.memref_slice %arg7[%dma_wait3A_157, %dma_wait3A_158] : memref<10128x16xf32, #tpu.memory_space<vmem_shared>> -> memref<10128x16xf32, #tpu.memory_space<vmem_shared>>
    tpu.wait_indirect_dma semaphore(%arg8 : memref<!tpu.dma_semaphore, #tpu.memory_space<semaphore_mem>>) src(%arg6 : memref<128x16xf32, #tpu.memory_space<vmem>>) dst(%dma_wait3A_159 : memref<10128x16xf32, #tpu.memory_space<vmem_shared>>)
    %barrier3A_160 = arith.constant 0 : index
    tpu.barrier barrier_id(%barrier3A_160)
    %scan3A_161 = arith.constant 0 : i32
    %scan3A_162 = arith.constant 4 : i32
    %scan3A_163 = arith.addi %scan3A_161, %scan3A_162 : i32
    %scan3A_164 = arith.constant 1 : i32
    scf.for %scan3A_166 = %scan3A_161 to %scan3A_163 step %scan3A_164  : i32 {
      %mul3A_167 = arith.constant 16 : i32
      %mul3A_168 = arith.muli %mul3A_167, %scan3A_166 : i32
      %add3A_169 = arith.addi %arg1, %mul3A_168 : i32
      %lt3A = arith.constant 50 : i32
      %lt3A_170 = arith.cmpi slt, %add3A_169, %lt3A : i32
      %convert_element_type3A = arith.extui %lt3A_170 : i1 to i32
      %cond3A = arith.constant 0 : i32
      %cond3A_171 = arith.cmpi ne, %convert_element_type3A, %cond3A : i32
      scf.if %cond3A_171 {
        %mul3A_172 = arith.constant 200 : i32
        %mul3A_173 = arith.muli %add3A_169, %mul3A_172 : i32
        %mul3A_174 = arith.constant 200 : i32
        %mul3A_175 = arith.muli %add3A_169, %mul3A_174 : i32
        "tpu.region"() ({
          %run_scoped3A = tpu.sem_alloc : memref<!tpu.dma_semaphore, #tpu.memory_space<semaphore_mem>>
          %dma_start3A = arith.constant 0 : i32
          %dma_start3A_176 = tpu.memref_slice %arg4[%arg0, %mul3A_175, %dma_start3A] : memref<2x10000x16xf32, #tpu.memory_space<hbm>> -> memref<1x200x16xf32, #tpu.memory_space<hbm>>
          %dma_start3A_177 = tpu.memref_squeeze %dma_start3A_176 : memref<1x200x16xf32, #tpu.memory_space<hbm>> -> memref<200x16xf32, #tpu.memory_space<hbm>>
          %dma_start3A_178 = arith.constant 0 : i32
          %dma_start3A_179 = tpu.memref_slice %arg7[%mul3A_173, %dma_start3A_178] : memref<10128x16xf32, #tpu.memory_space<vmem_shared>> -> memref<200x16xf32, #tpu.memory_space<vmem_shared>>
          tpu.enqueue_dma source(%dma_start3A_179 : memref<200x16xf32, #tpu.memory_space<vmem_shared>>) target(%dma_start3A_177 : memref<200x16xf32, #tpu.memory_space<hbm>>) target_semaphore(%run_scoped3A : memref<!tpu.dma_semaphore, #tpu.memory_space<semaphore_mem>>)
          %dma_wait3A_180 = arith.constant 0 : i32
          %dma_wait3A_181 = tpu.memref_slice %arg4[%arg0, %mul3A_175, %dma_wait3A_180] : memref<2x10000x16xf32, #tpu.memory_space<hbm>> -> memref<1x200x16xf32, #tpu.memory_space<hbm>>
          %dma_wait3A_182 = tpu.memref_squeeze %dma_wait3A_181 : memref<1x200x16xf32, #tpu.memory_space<hbm>> -> memref<200x16xf32, #tpu.memory_space<hbm>>
          %dma_wait3A_183 = arith.constant 0 : i32
          %dma_wait3A_184 = tpu.memref_slice %arg7[%mul3A_173, %dma_wait3A_183] : memref<10128x16xf32, #tpu.memory_space<vmem_shared>> -> memref<200x16xf32, #tpu.memory_space<vmem_shared>>
          tpu.wait_dma2 semaphore(%run_scoped3A : memref<!tpu.dma_semaphore, #tpu.memory_space<semaphore_mem>>) src(%dma_wait3A_184 : memref<200x16xf32, #tpu.memory_space<vmem_shared>>) dst(%dma_wait3A_182 : memref<200x16xf32, #tpu.memory_space<hbm>>)
          tpu.yield
        }) : () -> ()
      } else {
      }
    }
    %scan3A_165 = arith.constant 4 : i32
    return
  }
}

#map = affine_map<(d0, d1) -> (0, 0)>
#map1 = affine_map<(d0, d1) -> (0)>
#map2 = affine_map<(d0, d1) -> (0, 0, 0)>
module attributes {stable_mosaic.version = 14 : i64} {
  func.func @agg_kernel(%arg0: i32, %arg1: i32, %arg2: memref<10000x128xf32, #tpu.memory_space<hbm>>, %arg3: memref<640000xi32, #tpu.memory_space<hbm>>, %arg4: memref<200x128xf32, #tpu.memory_space<hbm>>, %arg5: memref<2x10000x128xf32, #tpu.memory_space<hbm>>, %arg6: memref<10080xi32, #tpu.memory_space<vmem>>, %arg7: memref<10080xi32, #tpu.memory_space<vmem>>, %arg8: memref<2x112x128xf32, #tpu.memory_space<vmem>>, %arg9: memref<10128x128xf32, #tpu.memory_space<vmem_shared>>, %arg10: memref<!tpu.dma_semaphore, #tpu.memory_space<semaphore_mem>>, %arg11: memref<!tpu.dma_semaphore, #tpu.memory_space<semaphore_mem>>, %arg12: memref<!tpu.dma_semaphore, #tpu.memory_space<semaphore_mem>>, %arg13: memref<!tpu.dma_semaphore, #tpu.memory_space<semaphore_mem>>, %arg14: memref<!tpu.dma_semaphore, #tpu.memory_space<semaphore_mem>>) attributes {dimension_semantics = [#tpu.dimension_semantics<core_parallel>, #tpu.dimension_semantics<subcore_parallel>], iteration_bounds = array<i64: 2, 16>, scalar_prefetch = 0 : i64, scratch_operands = 9 : i64, tpu.core_type = #tpu.core_type<sc_vector_subcore>, window_params = [{transform_indices = #map}, {transform_indices = #map1}, {transform_indices = #map}, {transform_indices = #map2}]} {
    %mul3A = arith.constant 2 : i32
    %mul3A_0 = arith.muli %arg1, %mul3A : i32
    %add3A = arith.addi %mul3A_0, %arg0 : i32
    %scan3A = arith.constant 0 : i32
    %scan3A_1 = arith.constant 4 : i32
    %scan3A_2 = arith.addi %scan3A, %scan3A_1 : i32
    %scan3A_3 = arith.constant 1 : i32
    scf.for %scan3A_141 = %scan3A to %scan3A_2 step %scan3A_3  : i32 {
      %mul3A_142 = arith.constant 16 : i32
      %mul3A_143 = arith.muli %mul3A_142, %scan3A_141 : i32
      %add3A_144 = arith.addi %arg1, %mul3A_143 : i32
      %lt3A = arith.constant 50 : i32
      %lt3A_145 = arith.cmpi slt, %add3A_144, %lt3A : i32
      %convert_element_type3A = arith.extui %lt3A_145 : i1 to i32
      %cond3A = arith.constant 0 : i32
      %cond3A_146 = arith.cmpi ne, %convert_element_type3A, %cond3A : i32
      scf.if %cond3A_146 {
        %mul3A_147 = arith.constant 200 : i32
        %mul3A_148 = arith.muli %add3A_144, %mul3A_147 : i32
        %dma_start3A_149 = arith.constant 0 : i32
        %dma_start3A_150 = tpu.memref_slice %arg9[%mul3A_148, %dma_start3A_149] : memref<10128x128xf32, #tpu.memory_space<vmem_shared>> -> memref<200x128xf32, #tpu.memory_space<vmem_shared>>
        tpu.enqueue_dma source(%arg4 : memref<200x128xf32, #tpu.memory_space<hbm>>) target(%dma_start3A_150 : memref<200x128xf32, #tpu.memory_space<vmem_shared>>) target_semaphore(%arg14 : memref<!tpu.dma_semaphore, #tpu.memory_space<semaphore_mem>>)
      } else {
      }
    }
    %scan3A_4 = arith.constant 4 : i32
    %mul3A_5 = arith.constant 10000 : i32
    %mul3A_6 = arith.muli %add3A, %mul3A_5 : i32
    "tpu.region"() ({
      %run_scoped3A = tpu.sem_alloc : memref<!tpu.dma_semaphore, #tpu.memory_space<semaphore_mem>>
      %dma_start3A_141 = arith.constant 0 : i32
      %dma_start3A_142 = tpu.memref_slice %arg6[%dma_start3A_141] : memref<10080xi32, #tpu.memory_space<vmem>> -> memref<10000xi32, #tpu.memory_space<vmem>>
      %dma_start3A_143 = tpu.memref_slice %arg3[%mul3A_6] : memref<640000xi32, #tpu.memory_space<hbm>> -> memref<10000xi32, #tpu.memory_space<hbm>>
      %dma_start3A_144 = arith.constant 0 : i32
      %dma_start3A_145 = tpu.memref_slice %arg6[%dma_start3A_144] : memref<10080xi32, #tpu.memory_space<vmem>> -> memref<10000xi32, #tpu.memory_space<vmem>>
      %dma_start3A_146 = tpu.memref_slice %arg3[%mul3A_6] : memref<640000xi32, #tpu.memory_space<hbm>> -> memref<10000xi32, #tpu.memory_space<hbm>>
      tpu.enqueue_dma source(%dma_start3A_146 : memref<10000xi32, #tpu.memory_space<hbm>>) target(%dma_start3A_145 : memref<10000xi32, #tpu.memory_space<vmem>>) target_semaphore(%run_scoped3A : memref<!tpu.dma_semaphore, #tpu.memory_space<semaphore_mem>>)
      %dma_wait3A_147 = arith.constant 0 : i32
      %dma_wait3A_148 = tpu.memref_slice %arg6[%dma_wait3A_147] : memref<10080xi32, #tpu.memory_space<vmem>> -> memref<10000xi32, #tpu.memory_space<vmem>>
      %dma_wait3A_149 = tpu.memref_slice %arg3[%mul3A_6] : memref<640000xi32, #tpu.memory_space<hbm>> -> memref<10000xi32, #tpu.memory_space<hbm>>
      %dma_wait3A_150 = arith.constant 0 : i32
      %dma_wait3A_151 = tpu.memref_slice %arg6[%dma_wait3A_150] : memref<10080xi32, #tpu.memory_space<vmem>> -> memref<10000xi32, #tpu.memory_space<vmem>>
      %dma_wait3A_152 = tpu.memref_slice %arg3[%mul3A_6] : memref<640000xi32, #tpu.memory_space<hbm>> -> memref<10000xi32, #tpu.memory_space<hbm>>
      tpu.wait_dma2 semaphore(%run_scoped3A : memref<!tpu.dma_semaphore, #tpu.memory_space<semaphore_mem>>) src(%dma_wait3A_152 : memref<10000xi32, #tpu.memory_space<hbm>>) dst(%dma_wait3A_151 : memref<10000xi32, #tpu.memory_space<vmem>>)
      tpu.yield
    }) : () -> ()
    %mul3A_7 = arith.constant 10000 : i32
    %mul3A_8 = arith.muli %add3A, %mul3A_7 : i32
    %add3A_9 = arith.constant 320000 : i32
    %add3A_10 = arith.addi %add3A_9, %mul3A_8 : i32
    "tpu.region"() ({
      %run_scoped3A = tpu.sem_alloc : memref<!tpu.dma_semaphore, #tpu.memory_space<semaphore_mem>>
      %dma_start3A_141 = arith.constant 0 : i32
      %dma_start3A_142 = tpu.memref_slice %arg7[%dma_start3A_141] : memref<10080xi32, #tpu.memory_space<vmem>> -> memref<10000xi32, #tpu.memory_space<vmem>>
      %dma_start3A_143 = tpu.memref_slice %arg3[%add3A_10] : memref<640000xi32, #tpu.memory_space<hbm>> -> memref<10000xi32, #tpu.memory_space<hbm>>
      %dma_start3A_144 = arith.constant 0 : i32
      %dma_start3A_145 = tpu.memref_slice %arg7[%dma_start3A_144] : memref<10080xi32, #tpu.memory_space<vmem>> -> memref<10000xi32, #tpu.memory_space<vmem>>
      %dma_start3A_146 = tpu.memref_slice %arg3[%add3A_10] : memref<640000xi32, #tpu.memory_space<hbm>> -> memref<10000xi32, #tpu.memory_space<hbm>>
      tpu.enqueue_dma source(%dma_start3A_146 : memref<10000xi32, #tpu.memory_space<hbm>>) target(%dma_start3A_145 : memref<10000xi32, #tpu.memory_space<vmem>>) target_semaphore(%run_scoped3A : memref<!tpu.dma_semaphore, #tpu.memory_space<semaphore_mem>>)
      %dma_wait3A_147 = arith.constant 0 : i32
      %dma_wait3A_148 = tpu.memref_slice %arg7[%dma_wait3A_147] : memref<10080xi32, #tpu.memory_space<vmem>> -> memref<10000xi32, #tpu.memory_space<vmem>>
      %dma_wait3A_149 = tpu.memref_slice %arg3[%add3A_10] : memref<640000xi32, #tpu.memory_space<hbm>> -> memref<10000xi32, #tpu.memory_space<hbm>>
      %dma_wait3A_150 = arith.constant 0 : i32
      %dma_wait3A_151 = tpu.memref_slice %arg7[%dma_wait3A_150] : memref<10080xi32, #tpu.memory_space<vmem>> -> memref<10000xi32, #tpu.memory_space<vmem>>
      %dma_wait3A_152 = tpu.memref_slice %arg3[%add3A_10] : memref<640000xi32, #tpu.memory_space<hbm>> -> memref<10000xi32, #tpu.memory_space<hbm>>
      tpu.wait_dma2 semaphore(%run_scoped3A : memref<!tpu.dma_semaphore, #tpu.memory_space<semaphore_mem>>) src(%dma_wait3A_152 : memref<10000xi32, #tpu.memory_space<hbm>>) dst(%dma_wait3A_151 : memref<10000xi32, #tpu.memory_space<vmem>>)
      tpu.yield
    }) : () -> ()
    %iota3A = tpu.iota {dimensions = array<i32: 0>} : vector<16xi32>
    %add3A_11 = arith.constant 10000 : i32
    %add3A_12 = vector.broadcast %add3A_11 : i32 to vector<16xi32>
    %add3A_13 = arith.addi %add3A_12, %iota3A : vector<16xi32>
    %sub3A = arith.constant 10000 : i32
    %sub3A_14 = vector.broadcast %sub3A : i32 to vector<16xi32>
    %sub3A_15 = arith.subi %add3A_13, %sub3A_14 : vector<16xi32>
    %add3A_16 = arith.constant 0 : i32
    %add3A_17 = vector.broadcast %add3A_16 : i32 to vector<16xi32>
    %add3A_18 = arith.addi %sub3A_15, %add3A_17 : vector<16xi32>
    %swap3A = arith.constant 10000 : index
    %swap3A_19 = tpu.vector_load %arg6[%swap3A] {strides = array<i32>} : memref<10080xi32, #tpu.memory_space<vmem>>, vector<16xi32>,
    %swap3A_20 = vector.shape_cast %swap3A_19 : vector<16xi32> to vector<16xi32>
    %swap3A_21 = vector.shape_cast %add3A_18 : vector<16xi32> to vector<16xi32>
    tpu.vector_store %arg6[%swap3A], %swap3A_21 {strides = array<i32>} : memref<10080xi32, #tpu.memory_space<vmem>>, vector<16xi32>,
    %add3A_22 = arith.constant 0 : i32
    %add3A_23 = vector.broadcast %add3A_22 : i32 to vector<16xi32>
    %add3A_24 = arith.addi %add3A_13, %add3A_23 : vector<16xi32>
    %swap3A_25 = arith.constant 10000 : index
    %swap3A_26 = tpu.vector_load %arg7[%swap3A_25] {strides = array<i32>} : memref<10080xi32, #tpu.memory_space<vmem>>, vector<16xi32>,
    %swap3A_27 = vector.shape_cast %swap3A_26 : vector<16xi32> to vector<16xi32>
    %swap3A_28 = vector.shape_cast %add3A_24 : vector<16xi32> to vector<16xi32>
    tpu.vector_store %arg7[%swap3A_25], %swap3A_28 {strides = array<i32>} : memref<10080xi32, #tpu.memory_space<vmem>>, vector<16xi32>,
    %sub3A_29 = arith.constant 10000 : i32
    %sub3A_30 = vector.broadcast %sub3A_29 : i32 to vector<16xi32>
    %sub3A_31 = arith.subi %add3A_13, %sub3A_30 : vector<16xi32>
    %add3A_32 = arith.constant 16 : i32
    %add3A_33 = vector.broadcast %add3A_32 : i32 to vector<16xi32>
    %add3A_34 = arith.addi %sub3A_31, %add3A_33 : vector<16xi32>
    %swap3A_35 = arith.constant 10016 : index
    %swap3A_36 = tpu.vector_load %arg6[%swap3A_35] {strides = array<i32>} : memref<10080xi32, #tpu.memory_space<vmem>>, vector<16xi32>,
    %swap3A_37 = vector.shape_cast %swap3A_36 : vector<16xi32> to vector<16xi32>
    %swap3A_38 = vector.shape_cast %add3A_34 : vector<16xi32> to vector<16xi32>
    tpu.vector_store %arg6[%swap3A_35], %swap3A_38 {strides = array<i32>} : memref<10080xi32, #tpu.memory_space<vmem>>, vector<16xi32>,
    %add3A_39 = arith.constant 16 : i32
    %add3A_40 = vector.broadcast %add3A_39 : i32 to vector<16xi32>
    %add3A_41 = arith.addi %add3A_13, %add3A_40 : vector<16xi32>
    %swap3A_42 = arith.constant 10016 : index
    %swap3A_43 = tpu.vector_load %arg7[%swap3A_42] {strides = array<i32>} : memref<10080xi32, #tpu.memory_space<vmem>>, vector<16xi32>,
    %swap3A_44 = vector.shape_cast %swap3A_43 : vector<16xi32> to vector<16xi32>
    %swap3A_45 = vector.shape_cast %add3A_41 : vector<16xi32> to vector<16xi32>
    tpu.vector_store %arg7[%swap3A_42], %swap3A_45 {strides = array<i32>} : memref<10080xi32, #tpu.memory_space<vmem>>, vector<16xi32>,
    %sub3A_46 = arith.constant 10000 : i32
    %sub3A_47 = vector.broadcast %sub3A_46 : i32 to vector<16xi32>
    %sub3A_48 = arith.subi %add3A_13, %sub3A_47 : vector<16xi32>
    %add3A_49 = arith.constant 32 : i32
    %add3A_50 = vector.broadcast %add3A_49 : i32 to vector<16xi32>
    %add3A_51 = arith.addi %sub3A_48, %add3A_50 : vector<16xi32>
    %swap3A_52 = arith.constant 10032 : index
    %swap3A_53 = tpu.vector_load %arg6[%swap3A_52] {strides = array<i32>} : memref<10080xi32, #tpu.memory_space<vmem>>, vector<16xi32>,
    %swap3A_54 = vector.shape_cast %swap3A_53 : vector<16xi32> to vector<16xi32>
    %swap3A_55 = vector.shape_cast %add3A_51 : vector<16xi32> to vector<16xi32>
    tpu.vector_store %arg6[%swap3A_52], %swap3A_55 {strides = array<i32>} : memref<10080xi32, #tpu.memory_space<vmem>>, vector<16xi32>,
    %add3A_56 = arith.constant 32 : i32
    %add3A_57 = vector.broadcast %add3A_56 : i32 to vector<16xi32>
    %add3A_58 = arith.addi %add3A_13, %add3A_57 : vector<16xi32>
    %swap3A_59 = arith.constant 10032 : index
    %swap3A_60 = tpu.vector_load %arg7[%swap3A_59] {strides = array<i32>} : memref<10080xi32, #tpu.memory_space<vmem>>, vector<16xi32>,
    %swap3A_61 = vector.shape_cast %swap3A_60 : vector<16xi32> to vector<16xi32>
    %swap3A_62 = vector.shape_cast %add3A_58 : vector<16xi32> to vector<16xi32>
    tpu.vector_store %arg7[%swap3A_59], %swap3A_62 {strides = array<i32>} : memref<10080xi32, #tpu.memory_space<vmem>>, vector<16xi32>,
    %sub3A_63 = arith.constant 10000 : i32
    %sub3A_64 = vector.broadcast %sub3A_63 : i32 to vector<16xi32>
    %sub3A_65 = arith.subi %add3A_13, %sub3A_64 : vector<16xi32>
    %add3A_66 = arith.constant 48 : i32
    %add3A_67 = vector.broadcast %add3A_66 : i32 to vector<16xi32>
    %add3A_68 = arith.addi %sub3A_65, %add3A_67 : vector<16xi32>
    %swap3A_69 = arith.constant 10048 : index
    %swap3A_70 = tpu.vector_load %arg6[%swap3A_69] {strides = array<i32>} : memref<10080xi32, #tpu.memory_space<vmem>>, vector<16xi32>,
    %swap3A_71 = vector.shape_cast %swap3A_70 : vector<16xi32> to vector<16xi32>
    %swap3A_72 = vector.shape_cast %add3A_68 : vector<16xi32> to vector<16xi32>
    tpu.vector_store %arg6[%swap3A_69], %swap3A_72 {strides = array<i32>} : memref<10080xi32, #tpu.memory_space<vmem>>, vector<16xi32>,
    %add3A_73 = arith.constant 48 : i32
    %add3A_74 = vector.broadcast %add3A_73 : i32 to vector<16xi32>
    %add3A_75 = arith.addi %add3A_13, %add3A_74 : vector<16xi32>
    %swap3A_76 = arith.constant 10048 : index
    %swap3A_77 = tpu.vector_load %arg7[%swap3A_76] {strides = array<i32>} : memref<10080xi32, #tpu.memory_space<vmem>>, vector<16xi32>,
    %swap3A_78 = vector.shape_cast %swap3A_77 : vector<16xi32> to vector<16xi32>
    %swap3A_79 = vector.shape_cast %add3A_75 : vector<16xi32> to vector<16xi32>
    tpu.vector_store %arg7[%swap3A_76], %swap3A_79 {strides = array<i32>} : memref<10080xi32, #tpu.memory_space<vmem>>, vector<16xi32>,
    %sub3A_80 = arith.constant 10000 : i32
    %sub3A_81 = vector.broadcast %sub3A_80 : i32 to vector<16xi32>
    %sub3A_82 = arith.subi %add3A_13, %sub3A_81 : vector<16xi32>
    %add3A_83 = arith.constant 64 : i32
    %add3A_84 = vector.broadcast %add3A_83 : i32 to vector<16xi32>
    %add3A_85 = arith.addi %sub3A_82, %add3A_84 : vector<16xi32>
    %swap3A_86 = arith.constant 10064 : index
    %swap3A_87 = tpu.vector_load %arg6[%swap3A_86] {strides = array<i32>} : memref<10080xi32, #tpu.memory_space<vmem>>, vector<16xi32>,
    %swap3A_88 = vector.shape_cast %swap3A_87 : vector<16xi32> to vector<16xi32>
    %swap3A_89 = vector.shape_cast %add3A_85 : vector<16xi32> to vector<16xi32>
    tpu.vector_store %arg6[%swap3A_86], %swap3A_89 {strides = array<i32>} : memref<10080xi32, #tpu.memory_space<vmem>>, vector<16xi32>,
    %add3A_90 = arith.constant 64 : i32
    %add3A_91 = vector.broadcast %add3A_90 : i32 to vector<16xi32>
    %add3A_92 = arith.addi %add3A_13, %add3A_91 : vector<16xi32>
    %swap3A_93 = arith.constant 10064 : index
    %swap3A_94 = tpu.vector_load %arg7[%swap3A_93] {strides = array<i32>} : memref<10080xi32, #tpu.memory_space<vmem>>, vector<16xi32>,
    %swap3A_95 = vector.shape_cast %swap3A_94 : vector<16xi32> to vector<16xi32>
    %swap3A_96 = vector.shape_cast %add3A_92 : vector<16xi32> to vector<16xi32>
    tpu.vector_store %arg7[%swap3A_93], %swap3A_96 {strides = array<i32>} : memref<10080xi32, #tpu.memory_space<vmem>>, vector<16xi32>,
    %scan3A_97 = arith.constant 0 : i32
    %scan3A_98 = arith.constant 4 : i32
    %scan3A_99 = arith.addi %scan3A_97, %scan3A_98 : i32
    %scan3A_100 = arith.constant 1 : i32
    scf.for %scan3A_141 = %scan3A_97 to %scan3A_99 step %scan3A_100  : i32 {
      %mul3A_142 = arith.constant 16 : i32
      %mul3A_143 = arith.muli %mul3A_142, %scan3A_141 : i32
      %add3A_144 = arith.addi %arg1, %mul3A_143 : i32
      %lt3A = arith.constant 50 : i32
      %lt3A_145 = arith.cmpi slt, %add3A_144, %lt3A : i32
      %convert_element_type3A = arith.extui %lt3A_145 : i1 to i32
      %cond3A = arith.constant 0 : i32
      %cond3A_146 = arith.cmpi ne, %convert_element_type3A, %cond3A : i32
      scf.if %cond3A_146 {
        %mul3A_147 = arith.constant 200 : i32
        %mul3A_148 = arith.muli %add3A_144, %mul3A_147 : i32
        %dma_wait3A_149 = arith.constant 0 : i32
        %dma_wait3A_150 = tpu.memref_slice %arg9[%mul3A_148, %dma_wait3A_149] : memref<10128x128xf32, #tpu.memory_space<vmem_shared>> -> memref<200x128xf32, #tpu.memory_space<vmem_shared>>
        tpu.wait_dma2 semaphore(%arg14 : memref<!tpu.dma_semaphore, #tpu.memory_space<semaphore_mem>>) src(%arg4 : memref<200x128xf32, #tpu.memory_space<hbm>>) dst(%dma_wait3A_150 : memref<200x128xf32, #tpu.memory_space<vmem_shared>>)
      } else {
      }
    }
    %scan3A_101 = arith.constant 4 : i32
    %barrier3A = arith.constant 0 : index
    tpu.barrier barrier_id(%barrier3A)
    %dma_start3A = arith.constant 0 : i32
    %dma_start3A_102 = arith.constant 0 : i32
    %dma_start3A_103 = arith.constant 0 : i32
    %dma_start3A_104 = tpu.memref_slice %arg8[%dma_start3A, %dma_start3A_102, %dma_start3A_103] : memref<2x112x128xf32, #tpu.memory_space<vmem>> -> memref<1x112x128xf32, #tpu.memory_space<vmem>>
    %dma_start3A_105 = tpu.memref_squeeze %dma_start3A_104 : memref<1x112x128xf32, #tpu.memory_space<vmem>> -> memref<112x128xf32, #tpu.memory_space<vmem>>
    %dma_start3A_106 = arith.constant 0 : i32
    %dma_start3A_107 = tpu.memref_slice %arg6[%dma_start3A_106] : memref<10080xi32, #tpu.memory_space<vmem>> -> memref<112xi32, #tpu.memory_space<vmem>>
    %dma_start3A_108 = arith.constant 0 : i32
    %dma_start3A_109 = arith.constant 0 : i32
    %dma_start3A_110 = tpu.memref_slice %arg2[%dma_start3A_108, %dma_start3A_109] : memref<10000x128xf32, #tpu.memory_space<hbm>> -> memref<10000x128xf32, #tpu.memory_space<hbm>>
    tpu.enqueue_indirect_dma source(%dma_start3A_110 : memref<10000x128xf32, #tpu.memory_space<hbm>>) target(%dma_start3A_105 : memref<112x128xf32, #tpu.memory_space<vmem>>) offsets(%dma_start3A_107 : memref<112xi32, #tpu.memory_space<vmem>>) semaphore(%arg10 : memref<!tpu.dma_semaphore, #tpu.memory_space<semaphore_mem>>)
    %scan3A_111 = arith.constant 0 : i32
    %scan3A_112 = arith.constant 45 : i32
    %scan3A_113 = arith.addi %scan3A_111, %scan3A_112 : i32
    %scan3A_114 = arith.constant 1 : i32
    scf.for %scan3A_141 = %scan3A_111 to %scan3A_113 step %scan3A_114  : i32 {
      %mul3A_142 = arith.constant 2 : i32
      %mul3A_143 = arith.muli %scan3A_141, %mul3A_142 : i32
      %add3A_144 = arith.constant 0 : i32
      %add3A_145 = arith.addi %mul3A_143, %add3A_144 : i32
      %add3A_146 = arith.constant 1 : i32
      %add3A_147 = arith.addi %add3A_145, %add3A_146 : i32
      %lt3A = arith.constant 90 : i32
      %lt3A_148 = arith.cmpi slt, %add3A_147, %lt3A : i32
      %convert_element_type3A = arith.extui %lt3A_148 : i1 to i32
      %cond3A = arith.constant 0 : i32
      %cond3A_149 = arith.cmpi ne, %convert_element_type3A, %cond3A : i32
      scf.if %cond3A_149 {
        %ge3A = arith.constant 1 : i32
        %ge3A_205 = arith.cmpi sge, %add3A_145, %ge3A : i32
        %convert_element_type3A_206 = arith.extui %ge3A_205 : i1 to i32
        %cond3A_207 = arith.constant 0 : i32
        %cond3A_208 = arith.cmpi ne, %convert_element_type3A_206, %cond3A_207 : i32
        scf.if %cond3A_208 {
          %sub3A_222 = arith.constant 1 : i32
          %sub3A_223 = arith.subi %add3A_145, %sub3A_222 : i32
          %mul3A_224 = arith.constant 112 : i32
          %mul3A_225 = arith.muli %sub3A_223, %mul3A_224 : i32
          %dma_wait3A_226 = arith.constant 1 : i32
          %dma_wait3A_227 = arith.constant 0 : i32
          %dma_wait3A_228 = arith.constant 0 : i32
          %dma_wait3A_229 = tpu.memref_slice %arg8[%dma_wait3A_226, %dma_wait3A_227, %dma_wait3A_228] : memref<2x112x128xf32, #tpu.memory_space<vmem>> -> memref<1x112x128xf32, #tpu.memory_space<vmem>>
          %dma_wait3A_230 = tpu.memref_squeeze %dma_wait3A_229 : memref<1x112x128xf32, #tpu.memory_space<vmem>> -> memref<112x128xf32, #tpu.memory_space<vmem>>
          %dma_wait3A_231 = tpu.memref_slice %arg7[%mul3A_225] : memref<10080xi32, #tpu.memory_space<vmem>> -> memref<112xi32, #tpu.memory_space<vmem>>
          %dma_wait3A_232 = arith.constant 0 : i32
          %dma_wait3A_233 = arith.constant 0 : i32
          %dma_wait3A_234 = tpu.memref_slice %arg9[%dma_wait3A_232, %dma_wait3A_233] : memref<10128x128xf32, #tpu.memory_space<vmem_shared>> -> memref<10128x128xf32, #tpu.memory_space<vmem_shared>>
          tpu.wait_indirect_dma semaphore(%arg13 : memref<!tpu.dma_semaphore, #tpu.memory_space<semaphore_mem>>) src(%dma_wait3A_230 : memref<112x128xf32, #tpu.memory_space<vmem>>) dst(%dma_wait3A_234 : memref<10128x128xf32, #tpu.memory_space<vmem_shared>>)
        } else {
        }
        %add3A_209 = arith.constant 1 : i32
        %add3A_210 = arith.addi %add3A_145, %add3A_209 : i32
        %mul3A_211 = arith.constant 112 : i32
        %mul3A_212 = arith.muli %add3A_210, %mul3A_211 : i32
        %dma_start3A_213 = arith.constant 1 : i32
        %dma_start3A_214 = arith.constant 0 : i32
        %dma_start3A_215 = arith.constant 0 : i32
        %dma_start3A_216 = tpu.memref_slice %arg8[%dma_start3A_213, %dma_start3A_214, %dma_start3A_215] : memref<2x112x128xf32, #tpu.memory_space<vmem>> -> memref<1x112x128xf32, #tpu.memory_space<vmem>>
        %dma_start3A_217 = tpu.memref_squeeze %dma_start3A_216 : memref<1x112x128xf32, #tpu.memory_space<vmem>> -> memref<112x128xf32, #tpu.memory_space<vmem>>
        %dma_start3A_218 = tpu.memref_slice %arg6[%mul3A_212] : memref<10080xi32, #tpu.memory_space<vmem>> -> memref<112xi32, #tpu.memory_space<vmem>>
        %dma_start3A_219 = arith.constant 0 : i32
        %dma_start3A_220 = arith.constant 0 : i32
        %dma_start3A_221 = tpu.memref_slice %arg2[%dma_start3A_219, %dma_start3A_220] : memref<10000x128xf32, #tpu.memory_space<hbm>> -> memref<10000x128xf32, #tpu.memory_space<hbm>>
        tpu.enqueue_indirect_dma source(%dma_start3A_221 : memref<10000x128xf32, #tpu.memory_space<hbm>>) target(%dma_start3A_217 : memref<112x128xf32, #tpu.memory_space<vmem>>) offsets(%dma_start3A_218 : memref<112xi32, #tpu.memory_space<vmem>>) semaphore(%arg11 : memref<!tpu.dma_semaphore, #tpu.memory_space<semaphore_mem>>)
      } else {
      }
      %mul3A_150 = arith.constant 112 : i32
      %mul3A_151 = arith.muli %add3A_145, %mul3A_150 : i32
      %dma_wait3A_152 = arith.constant 0 : i32
      %dma_wait3A_153 = arith.constant 0 : i32
      %dma_wait3A_154 = arith.constant 0 : i32
      %dma_wait3A_155 = tpu.memref_slice %arg8[%dma_wait3A_152, %dma_wait3A_153, %dma_wait3A_154] : memref<2x112x128xf32, #tpu.memory_space<vmem>> -> memref<1x112x128xf32, #tpu.memory_space<vmem>>
      %dma_wait3A_156 = tpu.memref_squeeze %dma_wait3A_155 : memref<1x112x128xf32, #tpu.memory_space<vmem>> -> memref<112x128xf32, #tpu.memory_space<vmem>>
      %dma_wait3A_157 = tpu.memref_slice %arg6[%mul3A_151] : memref<10080xi32, #tpu.memory_space<vmem>> -> memref<112xi32, #tpu.memory_space<vmem>>
      %dma_wait3A_158 = arith.constant 0 : i32
      %dma_wait3A_159 = arith.constant 0 : i32
      %dma_wait3A_160 = tpu.memref_slice %arg2[%dma_wait3A_158, %dma_wait3A_159] : memref<10000x128xf32, #tpu.memory_space<hbm>> -> memref<10000x128xf32, #tpu.memory_space<hbm>>
      tpu.wait_indirect_dma semaphore(%arg10 : memref<!tpu.dma_semaphore, #tpu.memory_space<semaphore_mem>>) src(%dma_wait3A_160 : memref<10000x128xf32, #tpu.memory_space<hbm>>) dst(%dma_wait3A_156 : memref<112x128xf32, #tpu.memory_space<vmem>>)
      %mul3A_161 = arith.constant 112 : i32
      %mul3A_162 = arith.muli %add3A_145, %mul3A_161 : i32
      %dma_start3A_163 = arith.constant 0 : i32
      %dma_start3A_164 = arith.constant 0 : i32
      %dma_start3A_165 = arith.constant 0 : i32
      %dma_start3A_166 = tpu.memref_slice %arg8[%dma_start3A_163, %dma_start3A_164, %dma_start3A_165] : memref<2x112x128xf32, #tpu.memory_space<vmem>> -> memref<1x112x128xf32, #tpu.memory_space<vmem>>
      %dma_start3A_167 = tpu.memref_squeeze %dma_start3A_166 : memref<1x112x128xf32, #tpu.memory_space<vmem>> -> memref<112x128xf32, #tpu.memory_space<vmem>>
      %dma_start3A_168 = tpu.memref_slice %arg7[%mul3A_162] : memref<10080xi32, #tpu.memory_space<vmem>> -> memref<112xi32, #tpu.memory_space<vmem>>
      %dma_start3A_169 = arith.constant 0 : i32
      %dma_start3A_170 = arith.constant 0 : i32
      %dma_start3A_171 = tpu.memref_slice %arg9[%dma_start3A_169, %dma_start3A_170] : memref<10128x128xf32, #tpu.memory_space<vmem_shared>> -> memref<10128x128xf32, #tpu.memory_space<vmem_shared>>
      tpu.enqueue_indirect_dma source(%dma_start3A_167 : memref<112x128xf32, #tpu.memory_space<vmem>>) target(%dma_start3A_171 : memref<10128x128xf32, #tpu.memory_space<vmem_shared>>) offsets(%dma_start3A_168 : memref<112xi32, #tpu.memory_space<vmem>>) semaphore(%arg12 : memref<!tpu.dma_semaphore, #tpu.memory_space<semaphore_mem>>) {add = true}
      %mul3A_172 = arith.constant 2 : i32
      %mul3A_173 = arith.muli %scan3A_141, %mul3A_172 : i32
      %add3A_174 = arith.constant 1 : i32
      %add3A_175 = arith.addi %mul3A_173, %add3A_174 : i32
      %add3A_176 = arith.constant 1 : i32
      %add3A_177 = arith.addi %add3A_175, %add3A_176 : i32
      %lt3A_178 = arith.constant 90 : i32
      %lt3A_179 = arith.cmpi slt, %add3A_177, %lt3A_178 : i32
      %convert_element_type3A_180 = arith.extui %lt3A_179 : i1 to i32
      %cond3A_181 = arith.constant 0 : i32
      %cond3A_182 = arith.cmpi ne, %convert_element_type3A_180, %cond3A_181 : i32
      scf.if %cond3A_182 {
        %ge3A = arith.constant 1 : i32
        %ge3A_205 = arith.cmpi sge, %add3A_175, %ge3A : i32
        %convert_element_type3A_206 = arith.extui %ge3A_205 : i1 to i32
        %cond3A_207 = arith.constant 0 : i32
        %cond3A_208 = arith.cmpi ne, %convert_element_type3A_206, %cond3A_207 : i32
        scf.if %cond3A_208 {
          %sub3A_222 = arith.constant 1 : i32
          %sub3A_223 = arith.subi %add3A_175, %sub3A_222 : i32
          %mul3A_224 = arith.constant 112 : i32
          %mul3A_225 = arith.muli %sub3A_223, %mul3A_224 : i32
          %dma_wait3A_226 = arith.constant 0 : i32
          %dma_wait3A_227 = arith.constant 0 : i32
          %dma_wait3A_228 = arith.constant 0 : i32
          %dma_wait3A_229 = tpu.memref_slice %arg8[%dma_wait3A_226, %dma_wait3A_227, %dma_wait3A_228] : memref<2x112x128xf32, #tpu.memory_space<vmem>> -> memref<1x112x128xf32, #tpu.memory_space<vmem>>
          %dma_wait3A_230 = tpu.memref_squeeze %dma_wait3A_229 : memref<1x112x128xf32, #tpu.memory_space<vmem>> -> memref<112x128xf32, #tpu.memory_space<vmem>>
          %dma_wait3A_231 = tpu.memref_slice %arg7[%mul3A_225] : memref<10080xi32, #tpu.memory_space<vmem>> -> memref<112xi32, #tpu.memory_space<vmem>>
          %dma_wait3A_232 = arith.constant 0 : i32
          %dma_wait3A_233 = arith.constant 0 : i32
          %dma_wait3A_234 = tpu.memref_slice %arg9[%dma_wait3A_232, %dma_wait3A_233] : memref<10128x128xf32, #tpu.memory_space<vmem_shared>> -> memref<10128x128xf32, #tpu.memory_space<vmem_shared>>
          tpu.wait_indirect_dma semaphore(%arg12 : memref<!tpu.dma_semaphore, #tpu.memory_space<semaphore_mem>>) src(%dma_wait3A_230 : memref<112x128xf32, #tpu.memory_space<vmem>>) dst(%dma_wait3A_234 : memref<10128x128xf32, #tpu.memory_space<vmem_shared>>)
        } else {
        }
        %add3A_209 = arith.constant 1 : i32
        %add3A_210 = arith.addi %add3A_175, %add3A_209 : i32
        %mul3A_211 = arith.constant 112 : i32
        %mul3A_212 = arith.muli %add3A_210, %mul3A_211 : i32
        %dma_start3A_213 = arith.constant 0 : i32
        %dma_start3A_214 = arith.constant 0 : i32
        %dma_start3A_215 = arith.constant 0 : i32
        %dma_start3A_216 = tpu.memref_slice %arg8[%dma_start3A_213, %dma_start3A_214, %dma_start3A_215] : memref<2x112x128xf32, #tpu.memory_space<vmem>> -> memref<1x112x128xf32, #tpu.memory_space<vmem>>
        %dma_start3A_217 = tpu.memref_squeeze %dma_start3A_216 : memref<1x112x128xf32, #tpu.memory_space<vmem>> -> memref<112x128xf32, #tpu.memory_space<vmem>>
        %dma_start3A_218 = tpu.memref_slice %arg6[%mul3A_212] : memref<10080xi32, #tpu.memory_space<vmem>> -> memref<112xi32, #tpu.memory_space<vmem>>
        %dma_start3A_219 = arith.constant 0 : i32
        %dma_start3A_220 = arith.constant 0 : i32
        %dma_start3A_221 = tpu.memref_slice %arg2[%dma_start3A_219, %dma_start3A_220] : memref<10000x128xf32, #tpu.memory_space<hbm>> -> memref<10000x128xf32, #tpu.memory_space<hbm>>
        tpu.enqueue_indirect_dma source(%dma_start3A_221 : memref<10000x128xf32, #tpu.memory_space<hbm>>) target(%dma_start3A_217 : memref<112x128xf32, #tpu.memory_space<vmem>>) offsets(%dma_start3A_218 : memref<112xi32, #tpu.memory_space<vmem>>) semaphore(%arg10 : memref<!tpu.dma_semaphore, #tpu.memory_space<semaphore_mem>>)
      } else {
      }
      %mul3A_183 = arith.constant 112 : i32
      %mul3A_184 = arith.muli %add3A_175, %mul3A_183 : i32
      %dma_wait3A_185 = arith.constant 1 : i32
      %dma_wait3A_186 = arith.constant 0 : i32
      %dma_wait3A_187 = arith.constant 0 : i32
      %dma_wait3A_188 = tpu.memref_slice %arg8[%dma_wait3A_185, %dma_wait3A_186, %dma_wait3A_187] : memref<2x112x128xf32, #tpu.memory_space<vmem>> -> memref<1x112x128xf32, #tpu.memory_space<vmem>>
      %dma_wait3A_189 = tpu.memref_squeeze %dma_wait3A_188 : memref<1x112x128xf32, #tpu.memory_space<vmem>> -> memref<112x128xf32, #tpu.memory_space<vmem>>
      %dma_wait3A_190 = tpu.memref_slice %arg6[%mul3A_184] : memref<10080xi32, #tpu.memory_space<vmem>> -> memref<112xi32, #tpu.memory_space<vmem>>
      %dma_wait3A_191 = arith.constant 0 : i32
      %dma_wait3A_192 = arith.constant 0 : i32
      %dma_wait3A_193 = tpu.memref_slice %arg2[%dma_wait3A_191, %dma_wait3A_192] : memref<10000x128xf32, #tpu.memory_space<hbm>> -> memref<10000x128xf32, #tpu.memory_space<hbm>>
      tpu.wait_indirect_dma semaphore(%arg11 : memref<!tpu.dma_semaphore, #tpu.memory_space<semaphore_mem>>) src(%dma_wait3A_193 : memref<10000x128xf32, #tpu.memory_space<hbm>>) dst(%dma_wait3A_189 : memref<112x128xf32, #tpu.memory_space<vmem>>)
      %mul3A_194 = arith.constant 112 : i32
      %mul3A_195 = arith.muli %add3A_175, %mul3A_194 : i32
      %dma_start3A_196 = arith.constant 1 : i32
      %dma_start3A_197 = arith.constant 0 : i32
      %dma_start3A_198 = arith.constant 0 : i32
      %dma_start3A_199 = tpu.memref_slice %arg8[%dma_start3A_196, %dma_start3A_197, %dma_start3A_198] : memref<2x112x128xf32, #tpu.memory_space<vmem>> -> memref<1x112x128xf32, #tpu.memory_space<vmem>>
      %dma_start3A_200 = tpu.memref_squeeze %dma_start3A_199 : memref<1x112x128xf32, #tpu.memory_space<vmem>> -> memref<112x128xf32, #tpu.memory_space<vmem>>
      %dma_start3A_201 = tpu.memref_slice %arg7[%mul3A_195] : memref<10080xi32, #tpu.memory_space<vmem>> -> memref<112xi32, #tpu.memory_space<vmem>>
      %dma_start3A_202 = arith.constant 0 : i32
      %dma_start3A_203 = arith.constant 0 : i32
      %dma_start3A_204 = tpu.memref_slice %arg9[%dma_start3A_202, %dma_start3A_203] : memref<10128x128xf32, #tpu.memory_space<vmem_shared>> -> memref<10128x128xf32, #tpu.memory_space<vmem_shared>>
      tpu.enqueue_indirect_dma source(%dma_start3A_200 : memref<112x128xf32, #tpu.memory_space<vmem>>) target(%dma_start3A_204 : memref<10128x128xf32, #tpu.memory_space<vmem_shared>>) offsets(%dma_start3A_201 : memref<112xi32, #tpu.memory_space<vmem>>) semaphore(%arg13 : memref<!tpu.dma_semaphore, #tpu.memory_space<semaphore_mem>>) {add = true}
    }
    %scan3A_115 = arith.constant 45 : i32
    %dma_wait3A = arith.constant 0 : i32
    %dma_wait3A_116 = arith.constant 0 : i32
    %dma_wait3A_117 = arith.constant 0 : i32
    %dma_wait3A_118 = tpu.memref_slice %arg8[%dma_wait3A, %dma_wait3A_116, %dma_wait3A_117] : memref<2x112x128xf32, #tpu.memory_space<vmem>> -> memref<1x112x128xf32, #tpu.memory_space<vmem>>
    %dma_wait3A_119 = tpu.memref_squeeze %dma_wait3A_118 : memref<1x112x128xf32, #tpu.memory_space<vmem>> -> memref<112x128xf32, #tpu.memory_space<vmem>>
    %dma_wait3A_120 = arith.constant 0 : i32
    %dma_wait3A_121 = tpu.memref_slice %arg7[%dma_wait3A_120] : memref<10080xi32, #tpu.memory_space<vmem>> -> memref<112xi32, #tpu.memory_space<vmem>>
    %dma_wait3A_122 = arith.constant 0 : i32
    %dma_wait3A_123 = arith.constant 0 : i32
    %dma_wait3A_124 = tpu.memref_slice %arg9[%dma_wait3A_122, %dma_wait3A_123] : memref<10128x128xf32, #tpu.memory_space<vmem_shared>> -> memref<10128x128xf32, #tpu.memory_space<vmem_shared>>
    tpu.wait_indirect_dma semaphore(%arg12 : memref<!tpu.dma_semaphore, #tpu.memory_space<semaphore_mem>>) src(%dma_wait3A_119 : memref<112x128xf32, #tpu.memory_space<vmem>>) dst(%dma_wait3A_124 : memref<10128x128xf32, #tpu.memory_space<vmem_shared>>)
    %dma_wait3A_125 = arith.constant 1 : i32
    %dma_wait3A_126 = arith.constant 0 : i32
    %dma_wait3A_127 = arith.constant 0 : i32
    %dma_wait3A_128 = tpu.memref_slice %arg8[%dma_wait3A_125, %dma_wait3A_126, %dma_wait3A_127] : memref<2x112x128xf32, #tpu.memory_space<vmem>> -> memref<1x112x128xf32, #tpu.memory_space<vmem>>
    %dma_wait3A_129 = tpu.memref_squeeze %dma_wait3A_128 : memref<1x112x128xf32, #tpu.memory_space<vmem>> -> memref<112x128xf32, #tpu.memory_space<vmem>>
    %dma_wait3A_130 = arith.constant 0 : i32
    %dma_wait3A_131 = tpu.memref_slice %arg7[%dma_wait3A_130] : memref<10080xi32, #tpu.memory_space<vmem>> -> memref<112xi32, #tpu.memory_space<vmem>>
    %dma_wait3A_132 = arith.constant 0 : i32
    %dma_wait3A_133 = arith.constant 0 : i32
    %dma_wait3A_134 = tpu.memref_slice %arg9[%dma_wait3A_132, %dma_wait3A_133] : memref<10128x128xf32, #tpu.memory_space<vmem_shared>> -> memref<10128x128xf32, #tpu.memory_space<vmem_shared>>
    tpu.wait_indirect_dma semaphore(%arg13 : memref<!tpu.dma_semaphore, #tpu.memory_space<semaphore_mem>>) src(%dma_wait3A_129 : memref<112x128xf32, #tpu.memory_space<vmem>>) dst(%dma_wait3A_134 : memref<10128x128xf32, #tpu.memory_space<vmem_shared>>)
    %barrier3A_135 = arith.constant 0 : index
    tpu.barrier barrier_id(%barrier3A_135)
    %scan3A_136 = arith.constant 0 : i32
    %scan3A_137 = arith.constant 4 : i32
    %scan3A_138 = arith.addi %scan3A_136, %scan3A_137 : i32
    %scan3A_139 = arith.constant 1 : i32
    scf.for %scan3A_141 = %scan3A_136 to %scan3A_138 step %scan3A_139  : i32 {
      %mul3A_142 = arith.constant 16 : i32
      %mul3A_143 = arith.muli %mul3A_142, %scan3A_141 : i32
      %add3A_144 = arith.addi %arg1, %mul3A_143 : i32
      %lt3A = arith.constant 50 : i32
      %lt3A_145 = arith.cmpi slt, %add3A_144, %lt3A : i32
      %convert_element_type3A = arith.extui %lt3A_145 : i1 to i32
      %cond3A = arith.constant 0 : i32
      %cond3A_146 = arith.cmpi ne, %convert_element_type3A, %cond3A : i32
      scf.if %cond3A_146 {
        %mul3A_147 = arith.constant 200 : i32
        %mul3A_148 = arith.muli %add3A_144, %mul3A_147 : i32
        %mul3A_149 = arith.constant 200 : i32
        %mul3A_150 = arith.muli %add3A_144, %mul3A_149 : i32
        "tpu.region"() ({
          %run_scoped3A = tpu.sem_alloc : memref<!tpu.dma_semaphore, #tpu.memory_space<semaphore_mem>>
          %dma_start3A_151 = arith.constant 0 : i32
          %dma_start3A_152 = tpu.memref_slice %arg5[%arg0, %mul3A_150, %dma_start3A_151] : memref<2x10000x128xf32, #tpu.memory_space<hbm>> -> memref<1x200x128xf32, #tpu.memory_space<hbm>>
          %dma_start3A_153 = tpu.memref_squeeze %dma_start3A_152 : memref<1x200x128xf32, #tpu.memory_space<hbm>> -> memref<200x128xf32, #tpu.memory_space<hbm>>
          %dma_start3A_154 = arith.constant 0 : i32
          %dma_start3A_155 = tpu.memref_slice %arg9[%mul3A_148, %dma_start3A_154] : memref<10128x128xf32, #tpu.memory_space<vmem_shared>> -> memref<200x128xf32, #tpu.memory_space<vmem_shared>>
          tpu.enqueue_dma source(%dma_start3A_155 : memref<200x128xf32, #tpu.memory_space<vmem_shared>>) target(%dma_start3A_153 : memref<200x128xf32, #tpu.memory_space<hbm>>) target_semaphore(%run_scoped3A : memref<!tpu.dma_semaphore, #tpu.memory_space<semaphore_mem>>)
          %dma_wait3A_156 = arith.constant 0 : i32
          %dma_wait3A_157 = tpu.memref_slice %arg5[%arg0, %mul3A_150, %dma_wait3A_156] : memref<2x10000x128xf32, #tpu.memory_space<hbm>> -> memref<1x200x128xf32, #tpu.memory_space<hbm>>
          %dma_wait3A_158 = tpu.memref_squeeze %dma_wait3A_157 : memref<1x200x128xf32, #tpu.memory_space<hbm>> -> memref<200x128xf32, #tpu.memory_space<hbm>>
          %dma_wait3A_159 = arith.constant 0 : i32
          %dma_wait3A_160 = tpu.memref_slice %arg9[%mul3A_148, %dma_wait3A_159] : memref<10128x128xf32, #tpu.memory_space<vmem_shared>> -> memref<200x128xf32, #tpu.memory_space<vmem_shared>>
          tpu.wait_dma2 semaphore(%run_scoped3A : memref<!tpu.dma_semaphore, #tpu.memory_space<semaphore_mem>>) src(%dma_wait3A_160 : memref<200x128xf32, #tpu.memory_space<vmem_shared>>) dst(%dma_wait3A_158 : memref<200x128xf32, #tpu.memory_space<hbm>>)
          tpu.yield
        }) : () -> ()
      } else {
      }
    }
    %scan3A_140 = arith.constant 4 : i32
    return
  }
}

module attributes {stable_mosaic.version = 14 : i64} {
  func.func @_mm_body(%arg0: i32, %arg1: memref<2000x128xf32, #tpu.memory_space<vmem>>, %arg2: memref<128x128xf32, #tpu.memory_space<vmem>>, %arg3: memref<2000x128xf32, #tpu.memory_space<vmem>>) attributes {dimension_semantics = [#tpu.dimension_semantics<arbitrary>], iteration_bounds = array<i64: 5>, scalar_prefetch = 0 : i64, scratch_operands = 0 : i64, tpu.core_type = #tpu.core_type<tc>, window_params = [{transform_indices = @transform_0, window_bounds = array<i64: 2000, 128>}, {pipeline_mode = #tpu.pipeline_mode<synchronous>, transform_indices = @transform_1, window_bounds = array<i64: 128, 128>}, {transform_indices = @transform_2, window_bounds = array<i64: 2000, 128>}]} {
    %get3A = arith.constant 0 : index
    %get3A_0 = arith.constant 0 : index
    %get3A_1 = vector.load %arg1[%get3A, %get3A_0] : memref<2000x128xf32, #tpu.memory_space<vmem>>, vector<2000x128xf32>
    %get3A_2 = arith.constant 0 : index
    %get3A_3 = arith.constant 0 : index
    %get3A_4 = vector.load %arg2[%get3A_2, %get3A_3] : memref<128x128xf32, #tpu.memory_space<vmem>>, vector<128x128xf32>
    %dot_general3A = arith.constant dense<0.000000e+00> : vector<2000x128xf32>
    %dot_general3A_5 = tpu.matmul %get3A_1, %get3A_4, %dot_general3A {dimension_numbers = #tpu.dot_dimension_numbers<[1], [0], [0], [1], [0, 0, 1, 1], [], []>, transpose_lhs_hint = false} : vector<2000x128xf32>, vector<128x128xf32>, vector<2000x128xf32> -> vector<2000x128xf32>
    %swap3A = arith.constant 0 : index
    %swap3A_6 = arith.constant 0 : index
    %swap3A_7 = vector.load %arg3[%swap3A, %swap3A_6] : memref<2000x128xf32, #tpu.memory_space<vmem>>, vector<2000x128xf32>
    tpu.vector_store %arg3[%swap3A, %swap3A_6], %dot_general3A_5 {strides = array<i32>} : memref<2000x128xf32, #tpu.memory_space<vmem>>, vector<2000x128xf32>,
    return
  }
  func.func @transform_0(%arg0: i32) -> (i32, i32) {
    %c0_i32 = arith.constant 0 : i32
    %c0_i32_0 = arith.constant 0 : i32
    return %arg0, %c0_i32 : i32, i32
  }
  func.func @transform_1(%arg0: i32) -> (i32, i32) {
    %c0_i32 = arith.constant 0 : i32
    %c0_i32_0 = arith.constant 0 : i32
    %c0_i32_1 = arith.constant 0 : i32
    return %c0_i32, %c0_i32_0 : i32, i32
  }
  func.func @transform_2(%arg0: i32) -> (i32, i32) {
    %c0_i32 = arith.constant 0 : i32
    %c0_i32_0 = arith.constant 0 : i32
    return %arg0, %c0_i32 : i32, i32
  }
}

module attributes {stable_mosaic.version = 14 : i64} {
  func.func @_scale_body(%arg0: i32, %arg1: memref<2000x128xf32, #tpu.memory_space<vmem>>, %arg2: memref<2x2000x16xf32, #tpu.memory_space<vmem>>, %arg3: memref<2000x128xf32, #tpu.memory_space<vmem>>) attributes {dimension_semantics = [#tpu.dimension_semantics<arbitrary>], iteration_bounds = array<i64: 5>, scalar_prefetch = 0 : i64, scratch_operands = 0 : i64, tpu.core_type = #tpu.core_type<tc>, window_params = [{transform_indices = @transform_0, window_bounds = array<i64: 2000, 128>}, {transform_indices = @transform_1, window_bounds = array<i64: 2, 2000, 16>}, {transform_indices = @transform_2, window_bounds = array<i64: 2000, 128>}]} {
    %get3A = arith.constant 0 : index
    %get3A_0 = arith.constant 0 : index
    %get3A_1 = vector.load %arg1[%get3A, %get3A_0] : memref<2000x128xf32, #tpu.memory_space<vmem>>, vector<2000x128xf32>
    %get3A_2 = arith.constant 0 : index
    %get3A_3 = arith.constant 0 : index
    %get3A_4 = arith.constant 0 : index
    %get3A_5 = vector.load %arg2[%get3A_2, %get3A_3, %get3A_4] : memref<2x2000x16xf32, #tpu.memory_space<vmem>>, vector<1x2000x1xf32>
    %get3A_6 = vector.shape_cast %get3A_5 : vector<1x2000x1xf32> to vector<2000x1xf32>
    %get3A_7 = arith.constant 1 : index
    %get3A_8 = arith.constant 0 : index
    %get3A_9 = arith.constant 0 : index
    %get3A_10 = vector.load %arg2[%get3A_7, %get3A_8, %get3A_9] : memref<2x2000x16xf32, #tpu.memory_space<vmem>>, vector<1x2000x1xf32>
    %get3A_11 = vector.shape_cast %get3A_10 : vector<1x2000x1xf32> to vector<2000x1xf32>
    %add3A = arith.addf %get3A_6, %get3A_11 : vector<2000x1xf32>
    %gt3A = arith.constant 0.000000e+00 : f32
    %gt3A_12 = vector.broadcast %gt3A : f32 to vector<2000x1xf32>
    %gt3A_13 = arith.cmpf ogt, %add3A, %gt3A_12 : vector<2000x1xf32>
    %max3A = arith.constant 9.99999996E-13 : f32
    %max3A_14 = vector.broadcast %max3A : f32 to vector<2000x1xf32>
    %max3A_15 = arith.maximumf %add3A, %max3A_14 : vector<2000x1xf32>
    %rsqrt3A = math.rsqrt %max3A_15 : vector<2000x1xf32>
    %jit3A = arith.constant 0.000000e+00 : f32
    %broadcast_in_dim3A = vector.broadcast %jit3A : f32 to vector<2000x1xf32>
    %select_n3A = arith.select %gt3A_13, %rsqrt3A, %broadcast_in_dim3A : vector<2000x1xi1>, vector<2000x1xf32>
    %mul3A = vector.broadcast %select_n3A : vector<2000x1xf32> to vector<2000x128xf32>
    %mul3A_16 = arith.mulf %get3A_1, %mul3A : vector<2000x128xf32>
    %swap3A = arith.constant 0 : index
    %swap3A_17 = arith.constant 0 : index
    %swap3A_18 = vector.load %arg3[%swap3A, %swap3A_17] : memref<2000x128xf32, #tpu.memory_space<vmem>>, vector<2000x128xf32>
    tpu.vector_store %arg3[%swap3A, %swap3A_17], %mul3A_16 {strides = array<i32>} : memref<2000x128xf32, #tpu.memory_space<vmem>>, vector<2000x128xf32>,
    return
  }
  func.func @transform_0(%arg0: i32) -> (i32, i32) {
    %c0_i32 = arith.constant 0 : i32
    %c0_i32_0 = arith.constant 0 : i32
    return %arg0, %c0_i32 : i32, i32
  }
  func.func @transform_1(%arg0: i32) -> (i32, i32, i32) {
    %c0_i32 = arith.constant 0 : i32
    %c0_i32_0 = arith.constant 0 : i32
    %c0_i32_1 = arith.constant 0 : i32
    return %c0_i32, %arg0, %c0_i32_0 : i32, i32, i32
  }
  func.func @transform_2(%arg0: i32) -> (i32, i32) {
    %c0_i32 = arith.constant 0 : i32
    %c0_i32_0 = arith.constant 0 : i32
    return %arg0, %c0_i32 : i32, i32
  }
}

module attributes {stable_mosaic.version = 14 : i64} {
  func.func @_mid_body(%arg0: i32, %arg1: memref<2x2000x128xf32, #tpu.memory_space<vmem>>, %arg2: memref<2x2000x16xf32, #tpu.memory_space<vmem>>, %arg3: memref<1x128xf32, #tpu.memory_space<vmem>>, %arg4: memref<128x64xf32, #tpu.memory_space<vmem>>, %arg5: memref<2000x64xf32, #tpu.memory_space<vmem>>) attributes {dimension_semantics = [#tpu.dimension_semantics<arbitrary>], iteration_bounds = array<i64: 5>, scalar_prefetch = 0 : i64, scratch_operands = 0 : i64, tpu.core_type = #tpu.core_type<tc>, window_params = [{transform_indices = @transform_0, window_bounds = array<i64: 2, 2000, 128>}, {transform_indices = @transform_1, window_bounds = array<i64: 2, 2000, 16>}, {pipeline_mode = #tpu.pipeline_mode<synchronous>, transform_indices = @transform_2, window_bounds = array<i64: 1, 128>}, {pipeline_mode = #tpu.pipeline_mode<synchronous>, transform_indices = @transform_3, window_bounds = array<i64: 128, 64>}, {transform_indices = @transform_4, window_bounds = array<i64: 2000, 64>}]} {
    %get3A = arith.constant 0 : index
    %get3A_0 = arith.constant 0 : index
    %get3A_1 = arith.constant 0 : index
    %get3A_2 = vector.load %arg2[%get3A, %get3A_0, %get3A_1] : memref<2x2000x16xf32, #tpu.memory_space<vmem>>, vector<1x2000x1xf32>
    %get3A_3 = vector.shape_cast %get3A_2 : vector<1x2000x1xf32> to vector<2000x1xf32>
    %get3A_4 = arith.constant 1 : index
    %get3A_5 = arith.constant 0 : index
    %get3A_6 = arith.constant 0 : index
    %get3A_7 = vector.load %arg2[%get3A_4, %get3A_5, %get3A_6] : memref<2x2000x16xf32, #tpu.memory_space<vmem>>, vector<1x2000x1xf32>
    %get3A_8 = vector.shape_cast %get3A_7 : vector<1x2000x1xf32> to vector<2000x1xf32>
    %add3A = arith.addf %get3A_3, %get3A_8 : vector<2000x1xf32>
    %gt3A = arith.constant 0.000000e+00 : f32
    %gt3A_9 = vector.broadcast %gt3A : f32 to vector<2000x1xf32>
    %gt3A_10 = arith.cmpf ogt, %add3A, %gt3A_9 : vector<2000x1xf32>
    %max3A = arith.constant 9.99999996E-13 : f32
    %max3A_11 = vector.broadcast %max3A : f32 to vector<2000x1xf32>
    %max3A_12 = arith.maximumf %add3A, %max3A_11 : vector<2000x1xf32>
    %rsqrt3A = math.rsqrt %max3A_12 : vector<2000x1xf32>
    %jit3A = arith.constant 0.000000e+00 : f32
    %broadcast_in_dim3A = vector.broadcast %jit3A : f32 to vector<2000x1xf32>
    %select_n3A = arith.select %gt3A_10, %rsqrt3A, %broadcast_in_dim3A : vector<2000x1xi1>, vector<2000x1xf32>
    %get3A_13 = arith.constant 0 : index
    %get3A_14 = arith.constant 0 : index
    %get3A_15 = arith.constant 0 : index
    %get3A_16 = vector.load %arg1[%get3A_13, %get3A_14, %get3A_15] : memref<2x2000x128xf32, #tpu.memory_space<vmem>>, vector<1x2000x128xf32>
    %get3A_17 = vector.shape_cast %get3A_16 : vector<1x2000x128xf32> to vector<2000x128xf32>
    %get3A_18 = arith.constant 1 : index
    %get3A_19 = arith.constant 0 : index
    %get3A_20 = arith.constant 0 : index
    %get3A_21 = vector.load %arg1[%get3A_18, %get3A_19, %get3A_20] : memref<2x2000x128xf32, #tpu.memory_space<vmem>>, vector<1x2000x128xf32>
    %get3A_22 = vector.shape_cast %get3A_21 : vector<1x2000x128xf32> to vector<2000x128xf32>
    %add3A_23 = arith.addf %get3A_17, %get3A_22 : vector<2000x128xf32>
    %mul3A = vector.broadcast %select_n3A : vector<2000x1xf32> to vector<2000x128xf32>
    %mul3A_24 = arith.mulf %add3A_23, %mul3A : vector<2000x128xf32>
    %get3A_25 = arith.constant 0 : index
    %get3A_26 = arith.constant 0 : index
    %get3A_27 = vector.load %arg3[%get3A_25, %get3A_26] : memref<1x128xf32, #tpu.memory_space<vmem>>, vector<1x128xf32>
    %add3A_28 = vector.broadcast %get3A_27 : vector<1x128xf32> to vector<2000x128xf32>
    %add3A_29 = arith.addf %mul3A_24, %add3A_28 : vector<2000x128xf32>
    %max3A_30 = arith.constant 0.000000e+00 : f32
    %max3A_31 = vector.broadcast %max3A_30 : f32 to vector<2000x128xf32>
    %max3A_32 = arith.maximumf %add3A_29, %max3A_31 : vector<2000x128xf32>
    %get3A_33 = arith.constant 0 : index
    %get3A_34 = arith.constant 0 : index
    %get3A_35 = vector.load %arg4[%get3A_33, %get3A_34] : memref<128x64xf32, #tpu.memory_space<vmem>>, vector<128x64xf32>
    %dot_general3A = arith.constant dense<0.000000e+00> : vector<2000x64xf32>
    %dot_general3A_36 = tpu.matmul %max3A_32, %get3A_35, %dot_general3A {dimension_numbers = #tpu.dot_dimension_numbers<[1], [0], [0], [1], [0, 0, 1, 1], [], []>, transpose_lhs_hint = false} : vector<2000x128xf32>, vector<128x64xf32>, vector<2000x64xf32> -> vector<2000x64xf32>
    %mul3A_37 = vector.broadcast %select_n3A : vector<2000x1xf32> to vector<2000x64xf32>
    %mul3A_38 = arith.mulf %dot_general3A_36, %mul3A_37 : vector<2000x64xf32>
    %swap3A = arith.constant 0 : index
    %swap3A_39 = arith.constant 0 : index
    %swap3A_40 = vector.load %arg5[%swap3A, %swap3A_39] : memref<2000x64xf32, #tpu.memory_space<vmem>>, vector<2000x64xf32>
    tpu.vector_store %arg5[%swap3A, %swap3A_39], %mul3A_38 {strides = array<i32>} : memref<2000x64xf32, #tpu.memory_space<vmem>>, vector<2000x64xf32>,
    return
  }
  func.func @transform_0(%arg0: i32) -> (i32, i32, i32) {
    %c0_i32 = arith.constant 0 : i32
    %c0_i32_0 = arith.constant 0 : i32
    %c0_i32_1 = arith.constant 0 : i32
    return %c0_i32, %arg0, %c0_i32_0 : i32, i32, i32
  }
  func.func @transform_1(%arg0: i32) -> (i32, i32, i32) {
    %c0_i32 = arith.constant 0 : i32
    %c0_i32_0 = arith.constant 0 : i32
    %c0_i32_1 = arith.constant 0 : i32
    return %c0_i32, %arg0, %c0_i32_0 : i32, i32, i32
  }
  func.func @transform_2(%arg0: i32) -> (i32, i32) {
    %c0_i32 = arith.constant 0 : i32
    %c0_i32_0 = arith.constant 0 : i32
    %c0_i32_1 = arith.constant 0 : i32
    return %c0_i32, %c0_i32_0 : i32, i32
  }
  func.func @transform_3(%arg0: i32) -> (i32, i32) {
    %c0_i32 = arith.constant 0 : i32
    %c0_i32_0 = arith.constant 0 : i32
    %c0_i32_1 = arith.constant 0 : i32
    return %c0_i32, %c0_i32_0 : i32, i32
  }
  func.func @transform_4(%arg0: i32) -> (i32, i32) {
    %c0_i32 = arith.constant 0 : i32
    %c0_i32_0 = arith.constant 0 : i32
    return %arg0, %c0_i32 : i32, i32
  }
}

module attributes {stable_mosaic.version = 14 : i64} {
  func.func @_out_body(%arg0: i32, %arg1: memref<2x2000x128xf32, #tpu.memory_space<vmem>>, %arg2: memref<2x2000x16xf32, #tpu.memory_space<vmem>>, %arg3: memref<1x64xf32, #tpu.memory_space<vmem>>, %arg4: memref<2000x64xf32, #tpu.memory_space<vmem>>) attributes {dimension_semantics = [#tpu.dimension_semantics<arbitrary>], iteration_bounds = array<i64: 5>, scalar_prefetch = 0 : i64, scratch_operands = 0 : i64, tpu.core_type = #tpu.core_type<tc>, window_params = [{transform_indices = @transform_0, window_bounds = array<i64: 2, 2000, 128>}, {transform_indices = @transform_1, window_bounds = array<i64: 2, 2000, 16>}, {pipeline_mode = #tpu.pipeline_mode<synchronous>, transform_indices = @transform_2, window_bounds = array<i64: 1, 64>}, {transform_indices = @transform_3, window_bounds = array<i64: 2000, 64>}]} {
    %get3A = arith.constant 0 : index
    %get3A_0 = arith.constant 0 : index
    %get3A_1 = arith.constant 0 : index
    %get3A_2 = vector.load %arg2[%get3A, %get3A_0, %get3A_1] : memref<2x2000x16xf32, #tpu.memory_space<vmem>>, vector<1x2000x1xf32>
    %get3A_3 = vector.shape_cast %get3A_2 : vector<1x2000x1xf32> to vector<2000x1xf32>
    %get3A_4 = arith.constant 1 : index
    %get3A_5 = arith.constant 0 : index
    %get3A_6 = arith.constant 0 : index
    %get3A_7 = vector.load %arg2[%get3A_4, %get3A_5, %get3A_6] : memref<2x2000x16xf32, #tpu.memory_space<vmem>>, vector<1x2000x1xf32>
    %get3A_8 = vector.shape_cast %get3A_7 : vector<1x2000x1xf32> to vector<2000x1xf32>
    %add3A = arith.addf %get3A_3, %get3A_8 : vector<2000x1xf32>
    %gt3A = arith.constant 0.000000e+00 : f32
    %gt3A_9 = vector.broadcast %gt3A : f32 to vector<2000x1xf32>
    %gt3A_10 = arith.cmpf ogt, %add3A, %gt3A_9 : vector<2000x1xf32>
    %max3A = arith.constant 9.99999996E-13 : f32
    %max3A_11 = vector.broadcast %max3A : f32 to vector<2000x1xf32>
    %max3A_12 = arith.maximumf %add3A, %max3A_11 : vector<2000x1xf32>
    %rsqrt3A = math.rsqrt %max3A_12 : vector<2000x1xf32>
    %jit3A = arith.constant 0.000000e+00 : f32
    %broadcast_in_dim3A = vector.broadcast %jit3A : f32 to vector<2000x1xf32>
    %select_n3A = arith.select %gt3A_10, %rsqrt3A, %broadcast_in_dim3A : vector<2000x1xi1>, vector<2000x1xf32>
    %get3A_13 = arith.constant 0 : index
    %get3A_14 = arith.constant 0 : index
    %get3A_15 = arith.constant 0 : index
    %get3A_16 = vector.load %arg1[%get3A_13, %get3A_14, %get3A_15] : memref<2x2000x128xf32, #tpu.memory_space<vmem>>, vector<1x2000x64xf32>
    %get3A_17 = vector.shape_cast %get3A_16 : vector<1x2000x64xf32> to vector<2000x64xf32>
    %get3A_18 = arith.constant 1 : index
    %get3A_19 = arith.constant 0 : index
    %get3A_20 = arith.constant 0 : index
    %get3A_21 = vector.load %arg1[%get3A_18, %get3A_19, %get3A_20] : memref<2x2000x128xf32, #tpu.memory_space<vmem>>, vector<1x2000x64xf32>
    %get3A_22 = vector.shape_cast %get3A_21 : vector<1x2000x64xf32> to vector<2000x64xf32>
    %add3A_23 = arith.addf %get3A_17, %get3A_22 : vector<2000x64xf32>
    %mul3A = vector.broadcast %select_n3A : vector<2000x1xf32> to vector<2000x64xf32>
    %mul3A_24 = arith.mulf %add3A_23, %mul3A : vector<2000x64xf32>
    %get3A_25 = arith.constant 0 : index
    %get3A_26 = arith.constant 0 : index
    %get3A_27 = vector.load %arg3[%get3A_25, %get3A_26] : memref<1x64xf32, #tpu.memory_space<vmem>>, vector<1x64xf32>
    %add3A_28 = vector.broadcast %get3A_27 : vector<1x64xf32> to vector<2000x64xf32>
    %add3A_29 = arith.addf %mul3A_24, %add3A_28 : vector<2000x64xf32>
    %reduce_max3A = arith.constant dense<0xFF800000> : vector<2000xf32>
    %reduce_max3A_30 = vector.multi_reduction <maximumf>, %add3A_29, %reduce_max3A [1] : vector<2000x64xf32> to vector<2000xf32>
    %broadcast_in_dim3A_31 = vector.shape_cast %reduce_max3A_30 : vector<2000xf32> to vector<2000x1xf32>
    %sub3A = vector.broadcast %broadcast_in_dim3A_31 : vector<2000x1xf32> to vector<2000x64xf32>
    %sub3A_32 = arith.subf %add3A_29, %sub3A : vector<2000x64xf32>
    %exp3A = math.exp %sub3A_32 : vector<2000x64xf32>
    %reduce_sum3A = arith.constant dense<0.000000e+00> : vector<2000xf32>
    %reduce_sum3A_33 = vector.multi_reduction <add>, %exp3A, %reduce_sum3A [1] : vector<2000x64xf32> to vector<2000xf32>
    %broadcast_in_dim3A_34 = vector.shape_cast %reduce_sum3A_33 : vector<2000xf32> to vector<2000x1xf32>
    %sub3A_35 = vector.broadcast %broadcast_in_dim3A_31 : vector<2000x1xf32> to vector<2000x64xf32>
    %sub3A_36 = arith.subf %add3A_29, %sub3A_35 : vector<2000x64xf32>
    %log3A = math.log %broadcast_in_dim3A_34 : vector<2000x1xf32>
    %sub3A_37 = vector.broadcast %log3A : vector<2000x1xf32> to vector<2000x64xf32>
    %sub3A_38 = arith.subf %sub3A_36, %sub3A_37 : vector<2000x64xf32>
    %swap3A = arith.constant 0 : index
    %swap3A_39 = arith.constant 0 : index
    %swap3A_40 = vector.load %arg4[%swap3A, %swap3A_39] : memref<2000x64xf32, #tpu.memory_space<vmem>>, vector<2000x64xf32>
    tpu.vector_store %arg4[%swap3A, %swap3A_39], %sub3A_38 {strides = array<i32>} : memref<2000x64xf32, #tpu.memory_space<vmem>>, vector<2000x64xf32>,
    return
  }
  func.func @transform_0(%arg0: i32) -> (i32, i32, i32) {
    %c0_i32 = arith.constant 0 : i32
    %c0_i32_0 = arith.constant 0 : i32
    %c0_i32_1 = arith.constant 0 : i32
    return %c0_i32, %arg0, %c0_i32_0 : i32, i32, i32
  }
  func.func @transform_1(%arg0: i32) -> (i32, i32, i32) {
    %c0_i32 = arith.constant 0 : i32
    %c0_i32_0 = arith.constant 0 : i32
    %c0_i32_1 = arith.constant 0 : i32
    return %c0_i32, %arg0, %c0_i32_0 : i32, i32, i32
  }
  func.func @transform_2(%arg0: i32) -> (i32, i32) {
    %c0_i32 = arith.constant 0 : i32
    %c0_i32_0 = arith.constant 0 : i32
    %c0_i32_1 = arith.constant 0 : i32
    return %c0_i32, %c0_i32_0 : i32, i32
  }
  func.func @transform_3(%arg0: i32) -> (i32, i32) {
    %c0_i32 = arith.constant 0 : i32
    %c0_i32_0 = arith.constant 0 : i32
    return %arg0, %c0_i32 : i32, i32
  }
}

</mosaic_0001>

<sc_bundles>
// kernel: kernel.12.cloned.1.call-start
scs
__scs_entry_jumppad:
0x0: {  	(pc) =	sbr.rel $0x88, $3  }
0x1: {  	(tag) =	ssettag $0x0;
	lr =	simm.s32 $0x1  }
0x2: {  	[smem:$0x3F9B] =	sst lr;
	_ =	strace $0xD0000000  }
0x3: {  	_ = 	snop  }
0x4: {  	_ = 	snop  }
0x5: {  	_ = 	snop  }
0x6: {  	_ = 	snop  }
0x7: {  	_ = 	snop  }
__scs_overlays_trampoline_lowered:
0x8: {  	[smem:$0x3FAA] =	sst s0  }
0x9: {  	[smem:$0x3FAB] =	sst s1  }
0xa: {  	[smem:$0x3FAC] =	sst s2  }
0xb: {  	[smem:$0x3FAD] =	sst s3  }
0xc: {  	[smem:$0x3FAE] =	sst s4  }
0xd: {  	[smem:$0x3FAF] =	sst s5  }
0xe: {  	[smem:$0x3FB0] =	sst s6  }
0xf: {  	[smem:$0x3FB1] =	sst s7  }
0x10: {  	[smem:$0x3FB2] =	sst s8  }
0x11: {  	[smem:$0x3FB3] =	sst s9;
	s0 =	simm.s32 @!p0 $0x0  }
0x12: {  	s1 =	sld [smem:$0x3F99];
	s0 =	simm.s32 @p0 $0x1  }
0x13: {  	[smem:$0x3FB4] =	sst s0;
	s0 =	simm.s32 @!p1 $0x0  }
0x14: {  	s2 =	sld [smem:$0x3F98];
	s0 =	simm.s32 @p1 $0x1  }
0x15: {  	[smem:$0x3FB5] =	sst s0;
	s0 =	simm.s32 @!p2 $0x0  }
0x16: {  	s3 =	sld [smem:$0x3FDB];
	s0 =	simm.s32 @p2 $0x1  }
0x17: {  	s4 =	simm.s32 $0x1BF5;
	[smem:$0x3FB7] =	sst s0  }
0x18: {  	s0 =	sld [smem:$0x3F9A];
	_ =	swait.ge [sflag:s4], $0x0  }
0x19: {  	s7 =	sld [smem:$0x3F9B]  }
0x1a: {  	s8 =	sadd.s32 $0xFFFFE003, lr  }
0x1b: {  	s9 =	sadd.s32 $0xFFFFFEF7, lr;
	s5 =	simm.s32 $0xFFFFFFFF;
	p2 =	slt.u32 s8, $0xFFFFF086  }
0x1c: {  	p1 =	slt.u32 s9, $0xF7A;
	s5 =	simm.s32 @!p2 $0x0  }
0x1d: {  	s5 =	simm.s32 @p1 $0x1;
	p0 =	seq.s32 s7, s2  }
0x1e: {  	s7 =	smul.u32 @!p0 $0xF7A, s2;
	p2 =	seq.s32 @!p0 s5, $0x0  }
0x1f: {  	s9 =	smul.u32 $0xF7A, s1;
	s8 =	simm.s32 @!p0 $0x1BF5;
	p2 =	por !p2, p0  }
0x20: {  	[sflag:s8] =	ssyncset.s32 @!p0 $0xFFFFF086;
	s6 =	sadd.s32 @!p0 s3, s7;
	s7 =	simm.s32 @!p0 $0x108  }
0x21: {  	s3 =	sadd.s32 s3, s9;
	s6 =	sadd.s32 @!p0 $0x88, s6;
	s7 =	simm.s32 @p2 $0x1082  }
0x22: {  	[simem:s7], [sflag:s8] =	dma.local @!p0 [hbm:s6], $0xF7A  }
0x23: {  	s9 =	sor.u32 $0xD0000000, s2;
	s6 =	simm.s32 $0x108;
	_ =	swait.ge @!p0 [sflag:s8], $0x0  }
0x24: {  	s3 =	sadd.s32 $0x88, s3;
	s6 =	simm.s32 @!p1 $0x1082;
	[sflag:s4] =	ssyncset.s32 $0xFFFFF086  }
0x25: {  	[simem:s6], [sflag:s4] =	dma.local [hbm:s3], $0xF7A  }
0x26: {  	[smem:$0x3F9B] =	sst s1;
	(tag) =	ssettag s2;
	_ =	strace s9  }
0x27: {  	s1 =	sld [smem:$0x3FAB]  }
0x28: {  	s2 =	sld [smem:$0x3FAC]  }
0x29: {  	s4 =	sld [smem:$0x3FAE]  }
0x2a: {  	p0 =	seq.s32 s5, $0x0;
	s5 =	sld [smem:$0x3FAF]  }
0x2b: {  	s6 =	sld [smem:$0x3FB0]  }
0x2c: {  	s7 =	sld [smem:$0x3FB1]  }
0x2d: {  	s3 =	simm.s32 $0x108;
	s8 =	sld [smem:$0x3FB2]  }
0x2e: {  	s3 =	simm.s32 @!p0 $0x1082;
	s9 =	sld [smem:$0x3FB3]  }
0x2f: {  	lr =	sadd.s32 s0, s3;
	s0 =	sld [smem:$0x3FAA]  }
0x30: {  	s3 =	sld [smem:$0x3FAD]  }
0x31: {  	[smem:$0x3FB6] =	sst s10  }
0x32: {  	s10 =	sld [smem:$0x3FB4];
	_ =	sdelay $0x3  }
0x33: {  	p0 =	seq.s32 s10, $0x1;
	s10 =	sld [smem:$0x3FB6];
	_ =	sdelay $0x3  }
0x34: {  	[smem:$0x3FB6] =	sst s10  }
0x35: {  	s10 =	sld [smem:$0x3FB5];
	_ =	sdelay $0x3  }
0x36: {  	p1 =	seq.s32 s10, $0x1;
	s10 =	sld [smem:$0x3FB6];
	_ =	sdelay $0x3  }
0x37: {  	[smem:$0x3FB6] =	sst s10  }
0x38: {  	s10 =	sld [smem:$0x3FB7]  }
0x39: {  	_ = 	snop;
	(pc) =	sbr.ind lr, $3  }
0x3a: {  	_ = 	snop  }
0x3b: {  	_ = 	snop  }
0x3c: {  	p2 =	seq.s32 s10, $0x1;
	s10 =	sld [smem:$0x3FB6]  }
0x3d: {  	_ =	shalt  }
0x3e: {  	_ =	shalt  }
0x3f: {  	_ =	shalt  }
0x40: {  	_ =	shalt  }
0x41: {  	_ =	shalt  }
0x42: {  	_ =	shalt  }
0x43: {  	_ =	shalt  }
0x44: {  	_ =	shalt  }
0x45: {  	_ =	shalt  }
0x46: {  	_ =	shalt  }
0x47: {  	_ =	shalt  }
0x48: {  	_ =	shalt  }
0x49: {  	_ =	shalt  }
0x4a: {  	_ =	shalt  }
0x4b: {  	_ =	shalt  }
0x4c: {  	_ =	shalt  }
0x4d: {  	_ =	shalt  }
0x4e: {  	_ =	shalt  }
0x4f: {  	_ =	shalt  }
0x50: {  	_ =	shalt  }
0x51: {  	_ =	shalt  }
0x52: {  	_ =	shalt  }
0x53: {  	_ =	shalt  }
0x54: {  	_ =	shalt  }
0x55: {  	_ =	shalt  }
0x56: {  	_ =	shalt  }
0x57: {  	_ =	shalt  }
0x58: {  	_ =	shalt  }
0x59: {  	_ =	shalt  }
0x5a: {  	_ =	shalt  }
0x5b: {  	_ =	shalt  }
0x5c: {  	_ =	shalt  }
0x5d: {  	_ =	shalt  }
0x5e: {  	_ =	shalt  }
0x5f: {  	_ =	shalt  }
0x60: {  	_ =	shalt  }
0x61: {  	_ =	shalt  }
0x62: {  	_ =	shalt  }
0x63: {  	_ =	shalt  }
0x64: {  	_ =	shalt  }
0x65: {  	_ =	shalt  }
0x66: {  	_ =	shalt  }
0x67: {  	_ =	shalt  }
0x68: {  	_ =	shalt  }
0x69: {  	_ =	shalt  }
0x6a: {  	_ =	shalt  }
0x6b: {  	_ =	shalt  }
0x6c: {  	_ =	shalt  }
0x6d: {  	_ =	shalt  }
0x6e: {  	_ =	shalt  }
0x6f: {  	_ =	shalt  }
0x70: {  	_ =	shalt  }
0x71: {  	_ =	shalt  }
0x72: {  	_ =	shalt  }
0x73: {  	_ =	shalt  }
0x74: {  	_ =	shalt  }
0x75: {  	_ =	shalt  }
0x76: {  	_ =	shalt  }
0x77: {  	_ =	shalt  }
0x78: {  	_ =	shalt  }
0x79: {  	_ =	shalt  }
0x7a: {  	_ =	shalt  }
0x7b: {  	_ =	shalt  }
0x7c: {  	_ =	shalt  }
0x7d: {  	_ =	shalt  }
0x7e: {  	_ =	shalt  }
0x7f: {  	_ =	shalt  }
0x80: {  	_ =	shalt  }
0x81: {  	_ =	shalt  }
0x82: {  	_ =	shalt  }
0x83: {  	_ =	shalt  }
0x84: {  	_ =	shalt  }
0x85: {  	_ =	shalt  }
0x86: {  	_ =	shalt  }
0x87: {  	_ =	shalt  }
.Lfunc_end0:
.L_simem_size_0:
called_computation.1_lowered:
.L_overlay_start_0:
0x88: {  	s2 =	sld [smem:$0x3FD9]  }
0x89: {  	s3 =	sld [smem:$0x3FFE];
	_ =	sdelay $0x1  }
0x8a: {  	s1 =	srdreg.scid  }
0x8b: {  	s0 =	sand.u32 $0x1, s1  }
0x8c: {  	s17 =	sshll.u32 s0, $0xA;
	s2 =	sadd.s32 s3, s2  }
0x8d: {  	s2 =	sadd.s32 s2, s17  }
0x8e: {  	[smem:$0x3FC2] =	sst s2  }
0x8f: {  	_ = 	snop  }
0x90: {  	s2 =	sld [smem:$0x3FD0];
	(tm) =	ssettm $0x1  }
0x91: {  	s18 =	sld [smem:$0x3FFB];
	_ =	sdelay $0x3  }
0x92: {  	_ =	strace s18  }
0x93: {  	s3 =	sld [smem:$0x3FFC];
	_ =	sdelay $0x3  }
0x94: {  	_ =	strace s3  }
0x95: {  	s3 =	sld [smem:$0x3FFD];
	_ =	sdelay $0x3  }
0x96: {  	_ =	strace s3  }
0x97: {  	_ =	strace $0x8FFFFFFF  }
0x98: {  	s19 =	sld [smem:$0x3FDB];
	_ =	sdelay $0x1  }
0x99: {  	s4 =	simm.s32 $_scs_section_size  }
0x9a: {  	s5 =	simm.s32 $_size__tile_overlayer_lowered;
	s6 =	simm.s32 $_tile_overlayer_lowered  }
0x9b: {  	s22 =	simm.s32 $0x1BFF;
	s21 =	sshll.u32 s6, $0x1;
	s3 =	sadd.s32 s4, s19  }
0x9c: {  	s7 =	simm.s32 $0x0;
	s20 =	sshll.u32 s5, $0x1;
	s5 =	sadd.s32 s21, s3  }
0x9d: {  	[timem:s7], [sflag:s22] =	dma.local [hbm:s5], s20  }
0x9e: {  	_ =	swait.ge [sflag:s22], s20  }
0x9f: {  	s4 =	ssub.s32 $0x0, s20;
	[sflag:s22] =	ssyncset.done $0x0  }
0xa0: {  	[sflag:s22] =	ssyncadd.s32 s4;
	_ =	sdelay $0x1  }
0xa1: {  	s23 =	simm.s32 $0x1B8B  }
0xa2: {  	_ =	swait.ge [sflag:s23], $0x1  }
0xa3: {  	[sflag:s23] =	ssyncset.done $0x0  }
0xa4: {  	s25 =	simm.s32 $0x1B8E;
	s24 =	sld [smem:$0x3FFE];
	[sflag:s23] =	ssyncadd.s32 $0xFFFFFFFF  }
0xa5: {  	s26 =	simm.s32 $execute0_lowered;
	[smem:$0x3FD2] =	sst s25  }
0xa6: {  	s5 =	sshll.u32 s26, $0x1;
	_ =	strace $0x80000049;
	[dreg:$0x1] =	wrdreg $0xFFFFFFFF  }
0xa7: {  	s28 =	simm.s32 $_size_execute0_lowered;
	s3 =	sadd.s32 s3, s5;
	[dreg:$0x0] =	wrdreg $0x0  }
0xa8: {  	s5 =	sshll.u32 s28, $0x1;
	[dreg:$0x2] =	wrdreg s3  }
0xa9: {  	[dreg:$0x3] =	wrdreg s5  }
0xaa: {  	[dreg:$0x4] =	wrdreg $0xC0  }
0xab: {  	_ =	task [dreg:s7], $0x5FFFF  }
0xac: {  	[dreg:$0x1] =	wrdreg $0xFFFFFFFF  }
0xad: {  	[dreg:$0x0] =	wrdreg $0x60  }
0xae: {  	[dreg:$0x2] =	wrdreg s24  }
0xaf: {  	[dreg:$0x3] =	wrdreg s2  }
0xb0: {  	[dreg:$0x4] =	wrdreg $0xBEC00  }
0xb1: {  	[dreg:$0x5] =	wrdreg $0x9  }
0xb2: {  	_ =	task.clear_ibuf [dreg:s7], $0x6FFFF;
	_ =	strace $0x90000049  }
0xb3: {  	s29 =	simm.s32 $0x9;
	_ =	strace $0x8000004B  }
0xb4: {  	_ =	swait.ge [sflag:s29], $0x1  }
0xb5: {  	[sflag:s29] =	ssyncadd.s32 $0xFFFFFFFF  }
0xb6: {  	_ =	strace $0x9000004B  }
0xb7: {  	_ =	sfence  }
0xb8: {  	s30 =	sld [smem:$0x0];
	_ =	sdelay $0x2  }
0xb9: {  	s31 =	sshll.u32 s1, $0xD;
	s1 =	sshrl.u32 s1, $0x2  }
0xba: {  	s3 =	sand.u32 $0x4000, s31;
	s1 =	sadd.s32 s1, s30  }
0xbb: {  	s0 =	sor.u32 s3, s0;
	s1 =	sshll.u32 s1, $0x11  }
0xbc: {  	s0 =	sor.u32 s1, s0  }
0xbd: {  	s0 =	sadd.s32 $0x8F2B, s0  }
0xbe: {  	[sflag:s0] =	ssyncadd.remote.s32 $0x1  }
0xbf: {  	_ =	sfence.sel $0xFFFF  }
0xc0: {  	[dreg:$0x0] =	wrdreg $0xFFFFFFFF;
	(pc) =	sbr.abs _section_cstart, $3  }
0xc1: {  	[dreg:$0x1] =	wrdreg $0xFFFFFFFF  }
0xc2: {  	_ =	task.clear_ibuf [dreg:s7], $0x2FFFF;
	_ =	strace $0x9FFFFFFF  }
0xc3: {  	(tm) =	ssettm $0x7FFFFFFF  }
tec
execute0_lowered:
.L_overlay_start_1:
0x0: {  	(tag) =	ssettag $0x1  }
0x1: {  	s0 =	rddreg [dreg:$0x0]  }
0x2: {  	s1 =	rddreg [dreg:$0x1]  }
0x3: {  	s3 =	srdreg.scid;
	s20 =	stileid.u32  }
0x4: {  	s2 =	rddreg [dreg:$0x2];
	s28 =	simm.s32 $0x4EC0;
	s29 =	simm.s32 $0x86C0  }
0x5: {  	s30 =	simm.s32 $0x1;
	s31 =	simm.s32 $0x3;
	s6 =	sand.u32 $0x1, s3  }
0x6: {  	s4 =	sshll.u32 s20, $0x1;
	s3 =	simm.s32 $0x0;
	s18 =	smul.u32 $0x19000, s20  }
0x7: {  	s5 =	sadd.s32 $0x77800, s0;
	s19 =	sor.u32 $0x10, s20;
	s14 =	smul.u32 $0x6400, s20  }
0x8: {  	s4 =	sor.u32 s6, s4;
	s8 =	ssub.s32 $0x2, s6;
	s6 =	smul.u32 $0x138800, s6  }
0x9: {  	s11 =	sor.u32 $0x20, s20;
	s15 =	sor.u32 $0x30, s20;
	s21 =	smul.u32 $0x19000, s19  }
0xa: {  	s22 =	sshll.u32 s20, $0x6;
	p1 =	sgt.u32 s20, $0x1;
	s12 =	smul.u32 $0x19000, s11  }
0xb: {  	s20 =	simm.s32 $0x2760;
	[smem:$0x7FF] =	sst s3;
	s13 =	smul.u32 $0x19000, s15  }
0xc: {  	s10 =	sor.u32 $0x1C05, s22;
	s16 =	smul.u32 $0x6400, s11;
	p0 =	sgt.u32 s15, $0x31  }
0xd: {  	s7 =	smul.u32 $0x2710, s4;
	_ =	strace $0x8000004A;
	s4 =	sadd.s32 $0x50600, s0  }
0xe: {  	s0 =	sadd.s32 $0x78600, s0;
	s9 =	sshrl.u32 s8, $0x1;
	[dreg:$0x7] =	wrdreg s22  }
0xf: {  	s22 =	sadd.s32 s14, s2;
	s17 =	ssub.s32 s8, s9;
	s8 =	sshrl.u32 s21, $0x2  }
0x10: {  	s12 =	sshrl.u32 s12, $0x2;
	s13 =	sshrl.u32 s13, $0x2;
	s23 =	sadd.s32 s6, s14  }
0x11: {  	s26 =	sadd.s32 s6, s16;
	s21 =	simm.s32 $0x5;
	s7 =	sshrl.u32 s7, $0x3  }
0x12: {  	s22 =	sshrl.u32 s22, $0x3;
	s8 =	sadd.s32 s8, s2;
	s7 =	sadd.s32 s1, s7  }
0x13: {  	s1 =	smax.u32 s17, $0x1;
	s17 =	sadd.s32 s12, s2;
	[dreg:$0x4] =	wrdreg s7  }
0x14: {  	s12 =	sshrl.u32 s23, $0x3;
	[dreg:$0x6] =	wrdreg s1;
	s1 =	smul.u32 $0x6400, s19  }
0x15: {  	s7 =	sadd.s32 $0x9C40, s7;
	s11 =	sadd.s32 s0, s12;
	s19 =	smul.u32 $0x6400, s15  }
0x16: {  	s17 =	sshrl.u32 s17, $0x3;
	[dreg:$0x5] =	wrdreg s7;
	s7 =	sshrl.u32 s18, $0x2  }
0x17: {  	s18 =	sadd.s32 s13, s2;
	s13 =	sshrl.u32 s26, $0x3;
	s26 =	simm.s32 $0x70  }
0x18: {  	s7 =	sadd.s32 s7, s2;
	s24 =	sadd.s32 s6, s1;
	s1 =	sadd.s32 s1, s2  }
0x19: {  	s6 =	sadd.s32 s6, s19;
	s13 =	sadd.s32 s0, s13;
	s18 =	sshrl.u32 @!p0 s18, $0x3  }
0x1a: {  	s25 =	sshrl.u32 s24, $0x3;
	s24 =	sadd.s32 s16, s2;
	s6 =	sshrl.u32 s6, $0x3  }
0x1b: {  	v0 =	vlaneseq.u32;
	s15 =	sshrl.u32 s7, $0x3;
	s16 =	sshrl.u32 s8, $0x3;
	s23 =	sshrl.u32 s1, $0x3  }
0x1c: {  	v1 =	vor.u32 $0x2710, v0;
	v2 =	vor.u32 $0x10, v0;
	v3 =	vor.u32 $0x2720, v0;
	s1 =	simm.s32 $0x4;
	s7 =	simm.s32 $0x0;
	s12 =	sadd.s32 s0, s25  }
0x1d: {  	v4 =	vor.u32 $0x20, v0;
	v5 =	vor.u32 $0x2730, v0;
	v6 =	vor.u32 $0x30, v0;
	s14 =	sadd.s32 s0, s6;
	s0 =	sadd.s32 s19, s2;
	s19 =	simm.s32 $0x6  }
0x1e: {  	v7 =	vor.u32 $0x2740, v0;
	v8 =	vor.u32 $0x40, v0;
	v9 =	vor.u32 $0x2750, v0;
	s24 =	sshrl.u32 s24, $0x3;
	s25 =	sshrl.u32 @!p0 s0, $0x3;
	s0 =	simm.s32 $0x2  }
.LBB2_1:
0x1f: {  	[spmem:s15], [sflag:s10] =	dma.local [hbm:s5], $0xC80  }
0x20: {  	[spmem:s16], [sflag:s10] =	dma.local [hbm:s5], $0xC80  }
0x21: {  	[spmem:s17], [sflag:s10] =	dma.local [hbm:s5], $0xC80  }
0x22: {  	[spmem:s18], [sflag:s10] =	dma.local @!p0 [hbm:s5], $0xC80  }
0x23: {  	s6 =	rddreg [dreg:$0x4]  }
0x24: {  	[tilespmem:s3], [sflag:$0x6] =	stream.linear.gather [hbm4b:s6+s3], $0x2710, $0x38;
	[tilespmem:$0x1FB40] =	vst v63  }
0x25: {  	_ =	swait.ge [sflag:s19], $0x2710  }
0x26: {  	[sflag:s19] =	ssyncset.done $0x0  }
0x27: {  	s8 =	rddreg [dreg:$0x5];
	[sflag:s19] =	ssyncadd.s32 $0xFFFFD8F0  }
0x28: {  	[tilespmem:s20], [sflag:$0x6] =	stream.linear.gather [hbm4b:s8+s3], $0x2710, $0x38;
	[tilespmem:$0x1FB40] =	vst v63  }
0x29: {  	_ =	swait.ge [sflag:s19], $0x2710  }
0x2a: {  	[sflag:s19] =	ssyncset.done $0x0  }
0x2b: {  	[sflag:s19] =	ssyncadd.s32 $0xFFFFD8F0  }
0x2c: {  	[tilespmem:$0x2710] =	vst v0  }
0x2d: {  	[tilespmem:$0x4E70] =	vst v1  }
0x2e: {  	[tilespmem:$0x2720] =	vst v2  }
0x2f: {  	[tilespmem:$0x4E80] =	vst v3  }
0x30: {  	[tilespmem:$0x2730] =	vst v4  }
0x31: {  	[tilespmem:$0x4E90] =	vst v5  }
0x32: {  	[tilespmem:$0x2740] =	vst v6  }
0x33: {  	[tilespmem:$0x4EA0] =	vst v7  }
0x34: {  	[tilespmem:$0x2750] =	vst v8  }
0x35: {  	[tilespmem:$0x4EB0] =	vst v9  }
0x36: {  	_ =	swait.ge [sflag:s21], $0xC80  }
0x37: {  	[sflag:s21] =	ssyncset.done $0x0  }
0x38: {  	[sflag:s21] =	ssyncadd.s32 $0xFFFFF380  }
0x39: {  	_ =	swait.ge [sflag:s21], $0xC80  }
0x3a: {  	[sflag:s21] =	ssyncset.done $0x0  }
0x3b: {  	[sflag:s21] =	ssyncadd.s32 $0xFFFFF380  }
0x3c: {  	_ =	swait.ge [sflag:s21], $0xC80  }
0x3d: {  	[sflag:s21] =	ssyncset.done $0x0  }
0x3e: {  	s6 =	simm.s32 @!p1 $0x5;
	[sflag:s21] =	ssyncadd.s32 $0xFFFFF380  }
0x3f: {  	_ =	swait.ge @!p1 [sflag:s6], $0xC80  }
0x40: {  	[sflag:s6] =	ssyncset.done @!p1 $0x0  }
0x41: {  	[sflag:s6] =	ssyncadd.s32 @!p1 $0xFFFFF380  }
0x42: {  	[bflag:$0x0] =	sbarrier.arrive $0xFFFF  }
0x43: {  	[tilespmem:s28], [sflag:$0x1] =	stream.indirect.gather [hbm4b:s4+s26], $0x80, s3, s26, $0xb8;
	[tilespmem:$0x1FB40] =	vst v63  }
0x44: {  	_ = 	snop  }
0x45: {  	[tilespmem:s29], [sflag:$0x2] =	stream.indirect.gather [hbm4b:s4+s26], $0x80, s26, s26, $0xb8;
	[tilespmem:$0x1FB40] =	vst v63  }
0x46: {  	_ =	swait.ge [sflag:s30], $0x3800  }
0x47: {  	[sflag:s30] =	ssyncset.done $0x0  }
0x48: {  	[sflag:s30] =	ssyncadd.s32 $0xFFFFC800  }
0x49: {  	[spmem:s2] =	stream.indirect.scatter.add.f32 [tilespmem:s28], [sflag:$0x3], $0x80, s20, s26, $0xb8;
	[tilespmem:$0x1FB40] =	vst v63  }
0x4a: {  	_ =	swait.ge [sflag:s31], $0x3800  }
0x4b: {  	[sflag:s31] =	ssyncset.done $0x0  }
0x4c: {  	s9 =	simm.s32 $0xE0;
	[sflag:s31] =	ssyncadd.s32 $0xFFFFC800  }
0x4d: {  	[tilespmem:s28], [sflag:$0x1] =	stream.indirect.gather [hbm4b:s4+s26], $0x80, s9, s26, $0xb8;
	[tilespmem:$0x1FB40] =	vst v63  }
0x4e: {  	_ =	swait.ge [sflag:s0], $0x3800  }
0x4f: {  	[sflag:s0] =	ssyncset.done $0x0  }
0x50: {  	s8 =	simm.s32 $0x27D0;
	[sflag:s0] =	ssyncadd.s32 $0xFFFFC800  }
0x51: {  	[spmem:s2] =	stream.indirect.scatter.add.f32 [tilespmem:s29], [sflag:$0x4], $0x80, s8, s26, $0xb8;
	[tilespmem:$0x1FB40] =	vst v63  }
0x52: {  	_ =	swait.ge [sflag:s1], $0x3800  }
0x53: {  	[sflag:s1] =	ssyncset.done $0x0  }
0x54: {  	s9 =	simm.s32 $0x150;
	[sflag:s1] =	ssyncadd.s32 $0xFFFFC800  }
0x55: {  	[tilespmem:s29], [sflag:$0x2] =	stream.indirect.gather [hbm4b:s4+s26], $0x80, s9, s26, $0xb8;
	[tilespmem:$0x1FB40] =	vst v63  }
0x56: {  	_ =	swait.ge [sflag:s30], $0x3800  }
0x57: {  	[sflag:s30] =	ssyncset.done $0x0  }
0x58: {  	s8 =	simm.s32 $0x2840;
	[sflag:s30] =	ssyncadd.s32 $0xFFFFC800  }
0x59: {  	[spmem:s2] =	stream.indirect.scatter.add.f32 [tilespmem:s28], [sflag:$0x3], $0x80, s8, s26, $0xb8;
	[tilespmem:$0x1FB40] =	vst v63  }
0x5a: {  	_ =	swait.ge [sflag:s31], $0x3800  }
0x5b: {  	[sflag:s31] =	ssyncset.done $0x0  }
0x5c: {  	s9 =	simm.s32 $0x1C0;
	[sflag:s31] =	ssyncadd.s32 $0xFFFFC800  }
0x5d: {  	[tilespmem:s28], [sflag:$0x1] =	stream.indirect.gather [hbm4b:s4+s26], $0x80, s9, s26, $0xb8;
	[tilespmem:$0x1FB40] =	vst v63  }
0x5e: {  	_ =	swait.ge [sflag:s0], $0x3800  }
0x5f: {  	[sflag:s0] =	ssyncset.done $0x0  }
0x60: {  	s6 =	simm.s32 $0x28B0;
	s8 =	simm.s32 $0xFFFF6D00;
	[sflag:s0] =	ssyncadd.s32 $0xFFFFC800  }
.LBB2_2:
0x61: {  	[spmem:s2] =	stream.indirect.scatter.add.f32 [tilespmem:s29], [sflag:$0x4], $0x80, s6, s26, $0xb8;
	[tilespmem:$0x1FB40] =	vst v63  }
0x62: {  	s6 =	smov.u32 s8;
	s8 =	sadd.s32 $0x380, s8;
	_ =	swait.ge [sflag:s1], $0x3800  }
0x63: {  	s6 =	sshra.s32 s6, $0x2;
	p2 =	sne.s32 s8, $0x0;
	[sflag:s1] =	ssyncset.done $0x0  }
0x64: {  	s9 =	sadd.s32 $0x26F0, s6;
	[sflag:s1] =	ssyncadd.s32 $0xFFFFC800  }
0x65: {  	[tilespmem:s29], [sflag:$0x2] =	stream.indirect.gather [hbm4b:s4+s26], $0x80, s9, s26, $0xb8;
	[tilespmem:$0x1FB40] =	vst v63  }
0x66: {  	_ =	swait.ge [sflag:s30], $0x3800  }
0x67: {  	[sflag:s30] =	ssyncset.done $0x0  }
0x68: {  	s9 =	sadd.s32 $0x4DE0, s6;
	[sflag:s30] =	ssyncadd.s32 $0xFFFFC800  }
0x69: {  	[spmem:s2] =	stream.indirect.scatter.add.f32 [tilespmem:s28], [sflag:$0x3], $0x80, s9, s26, $0xb8;
	[tilespmem:$0x1FB40] =	vst v63  }
0x6a: {  	_ =	swait.ge [sflag:s31], $0x3800  }
0x6b: {  	[sflag:s31] =	ssyncset.done $0x0  }
.Ltmp0:
0x6c: {  	s9 =	sadd.s32 $0x2760, s6;
	[sflag:s31] =	ssyncadd.s32 $0xFFFFC800;
	(pc) =	sbr.rel @p2 .LBB2_2-.Ltmp0, $4  }
0x6d: {  	[tilespmem:s28], [sflag:$0x1] =	stream.indirect.gather [hbm4b:s4+s26], $0x80, s9, s26, $0xb8;
	[tilespmem:$0x1FB40] =	vst v63  }
0x6e: {  	_ =	swait.ge [sflag:s0], $0x3800  }
0x6f: {  	[sflag:s0] =	ssyncset.done $0x0  }
0x70: {  	s6 =	sadd.s32 $0x4E50, s6;
	[sflag:s0] =	ssyncadd.s32 $0xFFFFC800  }
0x71: {  	[spmem:s2] =	stream.indirect.scatter.add.f32 [tilespmem:s29], [sflag:$0x4], $0x80, s6, s26, $0xb8;
	[tilespmem:$0x1FB40] =	vst v63  }
0x72: {  	_ =	swait.ge [sflag:s1], $0x3800  }
0x73: {  	[sflag:s1] =	ssyncset.done $0x0  }
0x74: {  	s9 =	simm.s32 $0x26F0;
	[sflag:s1] =	ssyncadd.s32 $0xFFFFC800  }
0x75: {  	[tilespmem:s29], [sflag:$0x2] =	stream.indirect.gather [hbm4b:s4+s26], $0x80, s9, s26, $0xb8;
	[tilespmem:$0x1FB40] =	vst v63  }
0x76: {  	_ =	swait.ge [sflag:s30], $0x3800  }
0x77: {  	s8 =	sshra.s32 s8, $0x2;
	[sflag:s30] =	ssyncset.done $0x0  }
0x78: {  	s6 =	sadd.s32 $0x4DE0, s8;
	[sflag:s30] =	ssyncadd.s32 $0xFFFFC800  }
0x79: {  	[spmem:s2] =	stream.indirect.scatter.add.f32 [tilespmem:s28], [sflag:$0x3], $0x80, s6, s26, $0xb8;
	[tilespmem:$0x1FB40] =	vst v63  }
0x7a: {  	_ =	swait.ge [sflag:s0], $0x3800  }
0x7b: {  	[sflag:s0] =	ssyncset.done $0x0  }
0x7c: {  	s9 =	simm.s32 $0x4E50;
	[sflag:s0] =	ssyncadd.s32 $0xFFFFC800  }
0x7d: {  	[spmem:s2] =	stream.indirect.scatter.add.f32 [tilespmem:s29], [sflag:$0x4], $0x80, s9, s26, $0xb8;
	[tilespmem:$0x1FB40] =	vst v63  }
0x7e: {  	_ =	swait.ge [sflag:s31], $0x3800  }
0x7f: {  	[sflag:s31] =	ssyncset.done $0x0  }
0x80: {  	[sflag:s31] =	ssyncadd.s32 $0xFFFFC800  }
0x81: {  	_ =	swait.ge [sflag:s1], $0x3800  }
0x82: {  	[sflag:s1] =	ssyncset.done $0x0  }
0x83: {  	[sflag:s1] =	ssyncadd.s32 $0xFFFFC800  }
0x84: {  	[bflag:$0x0] =	sbarrier.arrive $0xFFFF  }
0x85: {  	s8 =	rddreg [dreg:$0x7]  }
0x86: {  	s6 =	sor.u32 $0x1C06, s8  }
0x87: {  	[hbm:s11], [sflag:s6] =	dma.local [spmem:s22], $0xC80  }
0x88: {  	_ =	swait.ge [sflag:s19], $0xC80  }
0x89: {  	[sflag:s19] =	ssyncset.done $0x0  }
0x8a: {  	[sflag:s19] =	ssyncadd.s32 $0xFFFFF380  }
0x8b: {  	[hbm:s12], [sflag:s6] =	dma.local [spmem:s23], $0xC80  }
0x8c: {  	_ =	swait.ge [sflag:s19], $0xC80  }
0x8d: {  	[sflag:s19] =	ssyncset.done $0x0  }
0x8e: {  	[sflag:s19] =	ssyncadd.s32 $0xFFFFF380  }
0x8f: {  	[hbm:s13], [sflag:s6] =	dma.local [spmem:s24], $0xC80  }
0x90: {  	_ =	swait.ge [sflag:s19], $0xC80  }
0x91: {  	[sflag:s19] =	ssyncset.done $0x0  }
0x92: {  	[sflag:s19] =	ssyncadd.s32 $0xFFFFF380  }
0x93: {  	[hbm:s14], [sflag:s6] =	dma.local @!p0 [spmem:s25], $0xC80  }
0x94: {  	s6 =	simm.s32 @!p0 $0x6  }
0x95: {  	_ =	swait.ge @!p0 [sflag:s6], $0xC80  }
0x96: {  	s7 =	sadd.s32 $0x1, s7;
	s9 =	rddreg [dreg:$0x6]  }
0x97: {  	p2 =	sne.s32 s7, s9  }
.Ltmp1:
0x98: {  	_ = 	snop;
	(pc) =	sbr.rel @p2 .LBB2_1-.Ltmp1, $3  }
0x99: {  	_ =	sdelay $0x1  }
0x9a: {  	[sflag:s6] =	ssyncset.done @!p0 $0x0  }
0x9b: {  	[sflag:s6] =	ssyncadd.s32 @!p0 $0xFFFFF380  }
0x9c: {  	_ =	sfence.sel $0x180000  }
0x9d: {  	[bflag:$0x0] =	sbarrier.arrive $0xFFFF  }
0x9e: {  	_ =	strace $0x9000004A  }
0x9f: {  	s0 =	stileid.u32;
	[bflag:$0x2] =	sbarrier.arrive $0xFFFF  }
0xa0: {  	p0 =	sne.s32 s0, $0x0;
	s0 =	rddreg [dreg:$0x3]  }
0xa1: {  	s0 =	sadd.s32 @!p0 $0x100000, s0  }
0xa2: {  	[sflag:s0] =	ssyncadd.tile.s32 @!p0 $0x1;
	_ =	shalt  }
.Lfunc_end2:
_tile_overlayer_lowered:
.L_overlay_start_2:
0xa3: {  	(tag) =	ssettag $0x2  }
0xa4: {  	s0 =	rddreg [dreg:$0x0];
	s2 =	stileid.u32  }
0xa5: {  	s1 =	rddreg [dreg:$0x1];
	p0 =	sne.s32 s2, $0x0  }
0xa6: {  	s3 =	rddreg [dreg:$0x2];
	[bflag:$0x3] =	sbarrier.arrive $0xFFFF;
	s2 =	simm.s32 @!p0 $0x1C06  }
0xa7: {  	[timem:s3], [sflag:s2] =	dma.local @!p0 [hbm:s0], s1  }
0xa8: {  	s0 =	simm.s32 @!p0 $0x6  }
0xa9: {  	_ =	swait.ge @!p0 [sflag:s0], s1  }
0xaa: {  	s1 =	ssub.s32 @!p0 $0x0, s1;
	[sflag:s0] =	ssyncset.done @!p0 $0x0  }
0xab: {  	[sflag:s0] =	ssyncadd.s32 @!p0 s1  }
0xac: {  	[bflag:$0x3] =	sbarrier.arrive $0xFFFF  }
0xad: {  	_ =	shalt  }

// kernel: kernel.15.cloned.1.call-start
scs
__scs_entry_jumppad:
0x0: {  	(pc) =	sbr.rel $0x88, $3  }
0x1: {  	(tag) =	ssettag $0x0;
	lr =	simm.s32 $0x1  }
0x2: {  	[smem:$0x3F9B] =	sst lr;
	_ =	strace $0xD0000000  }
0x3: {  	_ = 	snop  }
0x4: {  	_ = 	snop  }
0x5: {  	_ = 	snop  }
0x6: {  	_ = 	snop  }
0x7: {  	_ = 	snop  }
__scs_overlays_trampoline_lowered:
0x8: {  	[smem:$0x3FAA] =	sst s0  }
0x9: {  	[smem:$0x3FAB] =	sst s1  }
0xa: {  	[smem:$0x3FAC] =	sst s2  }
0xb: {  	[smem:$0x3FAD] =	sst s3  }
0xc: {  	[smem:$0x3FAE] =	sst s4  }
0xd: {  	[smem:$0x3FAF] =	sst s5  }
0xe: {  	[smem:$0x3FB0] =	sst s6  }
0xf: {  	[smem:$0x3FB1] =	sst s7  }
0x10: {  	[smem:$0x3FB2] =	sst s8  }
0x11: {  	[smem:$0x3FB3] =	sst s9;
	s0 =	simm.s32 @!p0 $0x0  }
0x12: {  	s1 =	sld [smem:$0x3F99];
	s0 =	simm.s32 @p0 $0x1  }
0x13: {  	[smem:$0x3FB4] =	sst s0;
	s0 =	simm.s32 @!p1 $0x0  }
0x14: {  	s2 =	sld [smem:$0x3F98];
	s0 =	simm.s32 @p1 $0x1  }
0x15: {  	[smem:$0x3FB5] =	sst s0;
	s0 =	simm.s32 @!p2 $0x0  }
0x16: {  	s3 =	sld [smem:$0x3FDB];
	s0 =	simm.s32 @p2 $0x1  }
0x17: {  	s4 =	simm.s32 $0x1BF5;
	[smem:$0x3FB7] =	sst s0  }
0x18: {  	s0 =	sld [smem:$0x3F9A];
	_ =	swait.ge [sflag:s4], $0x0  }
0x19: {  	s7 =	sld [smem:$0x3F9B]  }
0x1a: {  	s8 =	sadd.s32 $0xFFFFE003, lr  }
0x1b: {  	s9 =	sadd.s32 $0xFFFFFEF7, lr;
	s5 =	simm.s32 $0xFFFFFFFF;
	p2 =	slt.u32 s8, $0xFFFFF086  }
0x1c: {  	p1 =	slt.u32 s9, $0xF7A;
	s5 =	simm.s32 @!p2 $0x0  }
0x1d: {  	s5 =	simm.s32 @p1 $0x1;
	p0 =	seq.s32 s7, s2  }
0x1e: {  	s7 =	smul.u32 @!p0 $0xF7A, s2;
	p2 =	seq.s32 @!p0 s5, $0x0  }
0x1f: {  	s9 =	smul.u32 $0xF7A, s1;
	s8 =	simm.s32 @!p0 $0x1BF5;
	p2 =	por !p2, p0  }
0x20: {  	[sflag:s8] =	ssyncset.s32 @!p0 $0xFFFFF086;
	s6 =	sadd.s32 @!p0 s3, s7;
	s7 =	simm.s32 @!p0 $0x108  }
0x21: {  	s3 =	sadd.s32 s3, s9;
	s6 =	sadd.s32 @!p0 $0x88, s6;
	s7 =	simm.s32 @p2 $0x1082  }
0x22: {  	[simem:s7], [sflag:s8] =	dma.local @!p0 [hbm:s6], $0xF7A  }
0x23: {  	s9 =	sor.u32 $0xD0000000, s2;
	s6 =	simm.s32 $0x108;
	_ =	swait.ge @!p0 [sflag:s8], $0x0  }
0x24: {  	s3 =	sadd.s32 $0x88, s3;
	s6 =	simm.s32 @!p1 $0x1082;
	[sflag:s4] =	ssyncset.s32 $0xFFFFF086  }
0x25: {  	[simem:s6], [sflag:s4] =	dma.local [hbm:s3], $0xF7A  }
0x26: {  	[smem:$0x3F9B] =	sst s1;
	(tag) =	ssettag s2;
	_ =	strace s9  }
0x27: {  	s1 =	sld [smem:$0x3FAB]  }
0x28: {  	s2 =	sld [smem:$0x3FAC]  }
0x29: {  	s4 =	sld [smem:$0x3FAE]  }
0x2a: {  	p0 =	seq.s32 s5, $0x0;
	s5 =	sld [smem:$0x3FAF]  }
0x2b: {  	s6 =	sld [smem:$0x3FB0]  }
0x2c: {  	s7 =	sld [smem:$0x3FB1]  }
0x2d: {  	s3 =	simm.s32 $0x108;
	s8 =	sld [smem:$0x3FB2]  }
0x2e: {  	s3 =	simm.s32 @!p0 $0x1082;
	s9 =	sld [smem:$0x3FB3]  }
0x2f: {  	lr =	sadd.s32 s0, s3;
	s0 =	sld [smem:$0x3FAA]  }
0x30: {  	s3 =	sld [smem:$0x3FAD]  }
0x31: {  	[smem:$0x3FB6] =	sst s10  }
0x32: {  	s10 =	sld [smem:$0x3FB4];
	_ =	sdelay $0x3  }
0x33: {  	p0 =	seq.s32 s10, $0x1;
	s10 =	sld [smem:$0x3FB6];
	_ =	sdelay $0x3  }
0x34: {  	[smem:$0x3FB6] =	sst s10  }
0x35: {  	s10 =	sld [smem:$0x3FB5];
	_ =	sdelay $0x3  }
0x36: {  	p1 =	seq.s32 s10, $0x1;
	s10 =	sld [smem:$0x3FB6];
	_ =	sdelay $0x3  }
0x37: {  	[smem:$0x3FB6] =	sst s10  }
0x38: {  	s10 =	sld [smem:$0x3FB7]  }
0x39: {  	_ = 	snop;
	(pc) =	sbr.ind lr, $3  }
0x3a: {  	_ = 	snop  }
0x3b: {  	_ = 	snop  }
0x3c: {  	p2 =	seq.s32 s10, $0x1;
	s10 =	sld [smem:$0x3FB6]  }
0x3d: {  	_ =	shalt  }
0x3e: {  	_ =	shalt  }
0x3f: {  	_ =	shalt  }
0x40: {  	_ =	shalt  }
0x41: {  	_ =	shalt  }
0x42: {  	_ =	shalt  }
0x43: {  	_ =	shalt  }
0x44: {  	_ =	shalt  }
0x45: {  	_ =	shalt  }
0x46: {  	_ =	shalt  }
0x47: {  	_ =	shalt  }
0x48: {  	_ =	shalt  }
0x49: {  	_ =	shalt  }
0x4a: {  	_ =	shalt  }
0x4b: {  	_ =	shalt  }
0x4c: {  	_ =	shalt  }
0x4d: {  	_ =	shalt  }
0x4e: {  	_ =	shalt  }
0x4f: {  	_ =	shalt  }
0x50: {  	_ =	shalt  }
0x51: {  	_ =	shalt  }
0x52: {  	_ =	shalt  }
0x53: {  	_ =	shalt  }
0x54: {  	_ =	shalt  }
0x55: {  	_ =	shalt  }
0x56: {  	_ =	shalt  }
0x57: {  	_ =	shalt  }
0x58: {  	_ =	shalt  }
0x59: {  	_ =	shalt  }
0x5a: {  	_ =	shalt  }
0x5b: {  	_ =	shalt  }
0x5c: {  	_ =	shalt  }
0x5d: {  	_ =	shalt  }
0x5e: {  	_ =	shalt  }
0x5f: {  	_ =	shalt  }
0x60: {  	_ =	shalt  }
0x61: {  	_ =	shalt  }
0x62: {  	_ =	shalt  }
0x63: {  	_ =	shalt  }
0x64: {  	_ =	shalt  }
0x65: {  	_ =	shalt  }
0x66: {  	_ =	shalt  }
0x67: {  	_ =	shalt  }
0x68: {  	_ =	shalt  }
0x69: {  	_ =	shalt  }
0x6a: {  	_ =	shalt  }
0x6b: {  	_ =	shalt  }
0x6c: {  	_ =	shalt  }
0x6d: {  	_ =	shalt  }
0x6e: {  	_ =	shalt  }
0x6f: {  	_ =	shalt  }
0x70: {  	_ =	shalt  }
0x71: {  	_ =	shalt  }
0x72: {  	_ =	shalt  }
0x73: {  	_ =	shalt  }
0x74: {  	_ =	shalt  }
0x75: {  	_ =	shalt  }
0x76: {  	_ =	shalt  }
0x77: {  	_ =	shalt  }
0x78: {  	_ =	shalt  }
0x79: {  	_ =	shalt  }
0x7a: {  	_ =	shalt  }
0x7b: {  	_ =	shalt  }
0x7c: {  	_ =	shalt  }
0x7d: {  	_ =	shalt  }
0x7e: {  	_ =	shalt  }
0x7f: {  	_ =	shalt  }
0x80: {  	_ =	shalt  }
0x81: {  	_ =	shalt  }
0x82: {  	_ =	shalt  }
0x83: {  	_ =	shalt  }
0x84: {  	_ =	shalt  }
0x85: {  	_ =	shalt  }
0x86: {  	_ =	shalt  }
0x87: {  	_ =	shalt  }
.Lfunc_end0:
.L_simem_size_0:
called_computation.2_lowered:
.L_overlay_start_0:
0x88: {  	s2 =	sld [smem:$0x3FD9]  }
0x89: {  	s3 =	sld [smem:$0x3FFE];
	_ =	sdelay $0x1  }
0x8a: {  	s1 =	srdreg.scid  }
0x8b: {  	s0 =	sand.u32 $0x1, s1  }
0x8c: {  	s17 =	sshll.u32 s0, $0xA;
	s2 =	sadd.s32 s3, s2  }
0x8d: {  	s2 =	sadd.s32 s2, s17  }
0x8e: {  	[smem:$0x3FC2] =	sst s2  }
0x8f: {  	_ = 	snop  }
0x90: {  	s2 =	sld [smem:$0x3FD0];
	(tm) =	ssettm $0x1  }
0x91: {  	s18 =	sld [smem:$0x3FFB];
	_ =	sdelay $0x3  }
0x92: {  	_ =	strace s18  }
0x93: {  	s3 =	sld [smem:$0x3FFC];
	_ =	sdelay $0x3  }
0x94: {  	_ =	strace s3  }
0x95: {  	s3 =	sld [smem:$0x3FFD];
	_ =	sdelay $0x3  }
0x96: {  	_ =	strace s3  }
0x97: {  	_ =	strace $0x8FFFFFFF  }
0x98: {  	s19 =	sld [smem:$0x3FDB];
	_ =	sdelay $0x1  }
0x99: {  	s4 =	simm.s32 $_scs_section_size  }
0x9a: {  	s5 =	simm.s32 $_size__tile_overlayer_lowered;
	s6 =	simm.s32 $_tile_overlayer_lowered  }
0x9b: {  	s22 =	simm.s32 $0x1BFF;
	s21 =	sshll.u32 s6, $0x1;
	s3 =	sadd.s32 s4, s19  }
0x9c: {  	s7 =	simm.s32 $0x0;
	s20 =	sshll.u32 s5, $0x1;
	s5 =	sadd.s32 s21, s3  }
0x9d: {  	[timem:s7], [sflag:s22] =	dma.local [hbm:s5], s20  }
0x9e: {  	_ =	swait.ge [sflag:s22], s20  }
0x9f: {  	s4 =	ssub.s32 $0x0, s20;
	[sflag:s22] =	ssyncset.done $0x0  }
0xa0: {  	[sflag:s22] =	ssyncadd.s32 s4;
	_ =	sdelay $0x1  }
0xa1: {  	s23 =	simm.s32 $0x1B8B  }
0xa2: {  	_ =	swait.ge [sflag:s23], $0x1  }
0xa3: {  	[sflag:s23] =	ssyncset.done $0x0  }
0xa4: {  	s25 =	simm.s32 $0x1B8E;
	s24 =	sld [smem:$0x3FFE];
	[sflag:s23] =	ssyncadd.s32 $0xFFFFFFFF  }
0xa5: {  	s26 =	simm.s32 $execute0_lowered;
	[smem:$0x3FD2] =	sst s25  }
0xa6: {  	s5 =	sshll.u32 s26, $0x1;
	_ =	strace $0x8000004C;
	[dreg:$0x1] =	wrdreg $0xFFFFFFFF  }
0xa7: {  	s28 =	simm.s32 $_size_execute0_lowered;
	s3 =	sadd.s32 s3, s5;
	[dreg:$0x0] =	wrdreg $0x0  }
0xa8: {  	s5 =	sshll.u32 s28, $0x1;
	[dreg:$0x2] =	wrdreg s3  }
0xa9: {  	[dreg:$0x3] =	wrdreg s5  }
0xaa: {  	[dreg:$0x4] =	wrdreg $0xC0  }
0xab: {  	_ =	task [dreg:s7], $0x5FFFF  }
0xac: {  	[dreg:$0x1] =	wrdreg $0xFFFFFFFF  }
0xad: {  	[dreg:$0x0] =	wrdreg $0x60  }
0xae: {  	[dreg:$0x2] =	wrdreg s24  }
0xaf: {  	[dreg:$0x3] =	wrdreg s2  }
0xb0: {  	[dreg:$0x4] =	wrdreg $0x90000  }
0xb1: {  	[dreg:$0x5] =	wrdreg $0x9  }
0xb2: {  	_ =	task.clear_ibuf [dreg:s7], $0x6FFFF;
	_ =	strace $0x9000004C  }
0xb3: {  	s29 =	simm.s32 $0x9;
	_ =	strace $0x8000004E  }
0xb4: {  	_ =	swait.ge [sflag:s29], $0x1  }
0xb5: {  	[sflag:s29] =	ssyncadd.s32 $0xFFFFFFFF  }
0xb6: {  	_ =	strace $0x9000004E  }
0xb7: {  	_ =	sfence  }
0xb8: {  	s30 =	sld [smem:$0x0];
	_ =	sdelay $0x2  }
0xb9: {  	s31 =	sshll.u32 s1, $0xD;
	s1 =	sshrl.u32 s1, $0x2  }
0xba: {  	s3 =	sand.u32 $0x4000, s31;
	s1 =	sadd.s32 s1, s30  }
0xbb: {  	s0 =	sor.u32 s3, s0;
	s1 =	sshll.u32 s1, $0x11  }
0xbc: {  	s0 =	sor.u32 s1, s0  }
0xbd: {  	s0 =	sadd.s32 $0x8F2B, s0  }
0xbe: {  	[sflag:s0] =	ssyncadd.remote.s32 $0x1  }
0xbf: {  	_ =	sfence.sel $0xFFFF  }
0xc0: {  	[dreg:$0x0] =	wrdreg $0xFFFFFFFF;
	(pc) =	sbr.abs _section_cstart, $3  }
0xc1: {  	[dreg:$0x1] =	wrdreg $0xFFFFFFFF  }
0xc2: {  	_ =	task.clear_ibuf [dreg:s7], $0x2FFFF;
	_ =	strace $0x9FFFFFFF  }
0xc3: {  	(tm) =	ssettm $0x7FFFFFFF  }
tec
execute0_lowered:
.L_overlay_start_1:
0x0: {  	(tag) =	ssettag $0x1  }
0x1: {  	s0 =	rddreg [dreg:$0x0]  }
0x2: {  	s1 =	rddreg [dreg:$0x1]  }
0x3: {  	s2 =	rddreg [dreg:$0x2];
	s20 =	stileid.u32  }
0x4: {  	s4 =	srdreg.scid;
	s21 =	smul.u32 $0xC800, s20  }
0x5: {  	s3 =	simm.s32 $0x0;
	s6 =	sand.u32 $0x1, s4;
	s17 =	smul.u32 $0x6400, s20  }
0x6: {  	s29 =	simm.s32 $0x2;
	s11 =	sor.u32 $0x10, s20;
	s12 =	smul.u32 $0x138800, s6  }
0x7: {  	s31 =	simm.s32 $0x4;
	s13 =	sor.u32 $0x20, s20;
	s10 =	smul.u32 $0xC800, s11  }
0x8: {  	s30 =	simm.s32 $0x10;
	s15 =	sor.u32 $0x30, s20;
	s14 =	smul.u32 $0xC800, s13  }
0x9: {  	[smem:$0x7FF] =	sst s3;
	s18 =	sshll.u32 s20, $0x1;
	s23 =	smul.u32 $0xC800, s15  }
0xa: {  	s4 =	sadd.s32 $0x50600, s0;
	s5 =	sor.u32 s6, s18;
	s18 =	smul.u32 $0x6400, s11  }
0xb: {  	p1 =	sgt.u32 s20, $0x1;
	_ =	strace $0x8000004D;
	s13 =	smul.u32 $0x6400, s13  }
0xc: {  	s7 =	ssub.s32 $0x2, s6;
	s26 =	smul.u32 $0x6400, s15;
	p0 =	sgt.u32 s15, $0x31  }
0xd: {  	s8 =	smul.u32 $0x2710, s5;
	s5 =	sadd.s32 $0x64000, s0;
	s9 =	sshrl.u32 s7, $0x1  }
0xe: {  	s0 =	sadd.s32 $0x64800, s0;
	s7 =	ssub.s32 s7, s9;
	s9 =	sshll.u32 s20, $0x6  }
0xf: {  	s16 =	sshrl.u32 s10, $0x2;
	s24 =	sshrl.u32 s14, $0x2;
	s25 =	sadd.s32 s12, s17  }
0x10: {  	s28 =	sadd.s32 s12, s18;
	s13 =	sadd.s32 s12, s13;
	s12 =	sadd.s32 s12, s26  }
0x11: {  	s20 =	simm.s32 $0x2800;
	s26 =	simm.s32 $0x3;
	s8 =	sshrl.u32 s8, $0x3  }
0x12: {  	s22 =	smax.u32 s7, $0x1;
	s10 =	sor.u32 $0x1C05, s9;
	s16 =	sadd.s32 s16, s2  }
0x13: {  	s7 =	sshrl.u32 s23, $0x2;
	s14 =	sshrl.u32 s25, $0x3;
	s13 =	sshrl.u32 s13, $0x3  }
0x14: {  	s17 =	sshrl.u32 s12, $0x3;
	s23 =	simm.s32 $0x5000;
	s25 =	simm.s32 $0x1  }
0x15: {  	s19 =	sadd.s32 s1, s8;
	s1 =	sshrl.u32 s21, $0x2;
	[dreg:$0x6] =	wrdreg s22  }
0x16: {  	s7 =	sadd.s32 s7, s2;
	s11 =	sadd.s32 s0, s14;
	s14 =	sshrl.u32 s28, $0x3  }
0x17: {  	v0 =	vlaneseq.u32;
	s13 =	sadd.s32 s0, s13;
	s16 =	sshrl.u32 s16, $0x3;
	s21 =	simm.s32 $0x5  }
0x18: {  	v1 =	vor.u32 $0x2710, v0;
	v2 =	vor.u32 $0x10, v0;
	v3 =	vor.u32 $0x2720, v0;
	s22 =	simm.s32 $0x80;
	[dreg:$0x4] =	wrdreg s19;
	s6 =	sadd.s32 $0x9C40, s19  }
0x19: {  	v4 =	vor.u32 $0x20, v0;
	v5 =	vor.u32 $0x2730, v0;
	v6 =	vor.u32 $0x30, v0;
	s1 =	sadd.s32 s1, s2;
	s19 =	sadd.s32 s24, s2;
	s12 =	sadd.s32 s0, s14  }
0x1a: {  	v7 =	vor.u32 $0x2740, v0;
	v8 =	vor.u32 $0x40, v0;
	v9 =	vor.u32 $0x2750, v0;
	s14 =	sadd.s32 s0, s17;
	s18 =	sshrl.u32 @!p0 s7, $0x3;
	s24 =	simm.s32 $0x7000  }
0x1b: {  	v10 =	vor.u32 $0x50, v0;
	v11 =	vor.u32 $0x2760, v0;
	v12 =	vor.u32 $0x60, v0;
	s0 =	simm.s32 $0x8;
	[dreg:$0x5] =	wrdreg s6;
	s15 =	sshrl.u32 s1, $0x3  }
0x1c: {  	v13 =	vor.u32 $0x2770, v0;
	v14 =	vor.u32 $0x70, v0;
	v15 =	vor.u32 $0x2780, v0;
	s17 =	sshrl.u32 s19, $0x3;
	s19 =	simm.s32 $0x6;
	s1 =	simm.s32 $0x0  }
.LBB2_1:
0x1d: {  	[spmem:s15], [sflag:s10] =	dma.local [hbm:s5], $0x640  }
0x1e: {  	[spmem:s16], [sflag:s10] =	dma.local [hbm:s5], $0x640  }
0x1f: {  	[spmem:s17], [sflag:s10] =	dma.local [hbm:s5], $0x640  }
0x20: {  	[spmem:s18], [sflag:s10] =	dma.local @!p0 [hbm:s5], $0x640  }
0x21: {  	s6 =	rddreg [dreg:$0x4]  }
0x22: {  	[tilespmem:s3], [sflag:$0x6] =	stream.linear.gather [hbm4b:s6+s3], $0x2710, $0x38;
	[tilespmem:$0x12E40] =	vst v63  }
0x23: {  	_ =	swait.ge [sflag:s19], $0x2710  }
0x24: {  	[sflag:s19] =	ssyncset.done $0x0  }
0x25: {  	s7 =	rddreg [dreg:$0x5];
	[sflag:s19] =	ssyncadd.s32 $0xFFFFD8F0  }
0x26: {  	[tilespmem:s20], [sflag:$0x6] =	stream.linear.gather [hbm4b:s7+s3], $0x2710, $0x38;
	[tilespmem:$0x12E40] =	vst v63  }
0x27: {  	_ =	swait.ge [sflag:s19], $0x2710  }
0x28: {  	[sflag:s19] =	ssyncset.done $0x0  }
0x29: {  	[sflag:s19] =	ssyncadd.s32 $0xFFFFD8F0  }
0x2a: {  	[tilespmem:$0x2710] =	vst v0  }
0x2b: {  	[tilespmem:$0x4F10] =	vst v1  }
0x2c: {  	[tilespmem:$0x2720] =	vst v2  }
0x2d: {  	[tilespmem:$0x4F20] =	vst v3  }
0x2e: {  	[tilespmem:$0x2730] =	vst v4  }
0x2f: {  	[tilespmem:$0x4F30] =	vst v5  }
0x30: {  	[tilespmem:$0x2740] =	vst v6  }
0x31: {  	[tilespmem:$0x4F40] =	vst v7  }
0x32: {  	[tilespmem:$0x2750] =	vst v8  }
0x33: {  	[tilespmem:$0x4F50] =	vst v9  }
0x34: {  	[tilespmem:$0x2760] =	vst v10  }
0x35: {  	[tilespmem:$0x4F60] =	vst v11  }
0x36: {  	[tilespmem:$0x2770] =	vst v12  }
0x37: {  	[tilespmem:$0x4F70] =	vst v13  }
0x38: {  	[tilespmem:$0x2780] =	vst v14  }
0x39: {  	[tilespmem:$0x4F80] =	vst v15  }
0x3a: {  	[tilespmem:$0x2790] =	vst v0  }
0x3b: {  	[tilespmem:$0x4F90] =	vst v1  }
0x3c: {  	[tilespmem:$0x27A0] =	vst v2  }
0x3d: {  	[tilespmem:$0x4FA0] =	vst v3  }
0x3e: {  	[tilespmem:$0x27B0] =	vst v4  }
0x3f: {  	[tilespmem:$0x4FB0] =	vst v5  }
0x40: {  	[tilespmem:$0x27C0] =	vst v6  }
0x41: {  	[tilespmem:$0x4FC0] =	vst v7  }
0x42: {  	[tilespmem:$0x27D0] =	vst v8  }
0x43: {  	[tilespmem:$0x4FD0] =	vst v9  }
0x44: {  	[tilespmem:$0x27E0] =	vst v10  }
0x45: {  	[tilespmem:$0x4FE0] =	vst v11  }
0x46: {  	[tilespmem:$0x27F0] =	vst v12  }
0x47: {  	[tilespmem:$0x4FF0] =	vst v13  }
0x48: {  	_ =	swait.ge [sflag:s21], $0x640  }
0x49: {  	[sflag:s21] =	ssyncset.done $0x0  }
0x4a: {  	[sflag:s21] =	ssyncadd.s32 $0xFFFFF9C0  }
0x4b: {  	_ =	swait.ge [sflag:s21], $0x640  }
0x4c: {  	[sflag:s21] =	ssyncset.done $0x0  }
0x4d: {  	[sflag:s21] =	ssyncadd.s32 $0xFFFFF9C0  }
0x4e: {  	_ =	swait.ge [sflag:s21], $0x640  }
0x4f: {  	[sflag:s21] =	ssyncset.done $0x0  }
0x50: {  	s7 =	simm.s32 @!p1 $0x5;
	[sflag:s21] =	ssyncadd.s32 $0xFFFFF9C0  }
0x51: {  	_ =	swait.ge @!p1 [sflag:s7], $0x640  }
0x52: {  	[sflag:s7] =	ssyncset.done @!p1 $0x0  }
0x53: {  	[sflag:s7] =	ssyncadd.s32 @!p1 $0xFFFFF9C0  }
0x54: {  	[bflag:$0x0] =	sbarrier.arrive $0xFFFF  }
0x55: {  	[tilespmem:s23], [sflag:$0x1] =	stream.indirect.gather [hbm4b:s4+s22], $0x40, s3, s22, $0xb8;
	[tilespmem:$0x12E40] =	vst v63  }
0x56: {  	_ = 	snop  }
0x57: {  	[tilespmem:s24], [sflag:$0x2] =	stream.indirect.gather [hbm4b:s4+s22], $0x40, s22, s22, $0xb8;
	[tilespmem:$0x12E40] =	vst v63  }
0x58: {  	_ =	swait.ge [sflag:s25], $0x2000  }
0x59: {  	[sflag:s25] =	ssyncset.done $0x0  }
0x5a: {  	[sflag:s25] =	ssyncadd.s32 $0xFFFFE000  }
0x5b: {  	[spmem:s2] =	stream.indirect.scatter.add.f32 [tilespmem:s23], [sflag:$0x3], $0x40, s20, s22, $0xb8;
	[tilespmem:$0x12E40] =	vst v63  }
0x5c: {  	_ =	swait.ge [sflag:s26], $0x2000  }
0x5d: {  	[sflag:s26] =	ssyncset.done $0x0  }
0x5e: {  	s8 =	simm.s32 $0x100;
	[sflag:s26] =	ssyncadd.s32 $0xFFFFE000  }
0x5f: {  	[tilespmem:s23], [sflag:$0x1] =	stream.indirect.gather [hbm4b:s4+s22], $0x40, s8, s22, $0xb8;
	[tilespmem:$0x12E40] =	vst v63  }
0x60: {  	_ =	swait.ge [sflag:s29], $0x2000  }
0x61: {  	[sflag:s29] =	ssyncset.done $0x0  }
0x62: {  	s7 =	simm.s32 $0x2880;
	[sflag:s29] =	ssyncadd.s32 $0xFFFFE000  }
0x63: {  	[spmem:s2] =	stream.indirect.scatter.add.f32 [tilespmem:s24], [sflag:$0x4], $0x40, s7, s22, $0xb8;
	[tilespmem:$0x12E40] =	vst v63  }
0x64: {  	_ =	swait.ge [sflag:s31], $0x2000  }
0x65: {  	[sflag:s31] =	ssyncset.done $0x0  }
0x66: {  	s8 =	simm.s32 $0x180;
	[sflag:s31] =	ssyncadd.s32 $0xFFFFE000  }
0x67: {  	[tilespmem:s24], [sflag:$0x2] =	stream.indirect.gather [hbm4b:s4+s22], $0x40, s8, s22, $0xb8;
	[tilespmem:$0x12E40] =	vst v63  }
0x68: {  	_ =	swait.ge [sflag:s25], $0x2000  }
0x69: {  	[sflag:s25] =	ssyncset.done $0x0  }
0x6a: {  	s6 =	simm.s32 $0x2900;
	[sflag:s25] =	ssyncadd.s32 $0xFFFFE000  }
0x6b: {  	[spmem:s2] =	stream.indirect.scatter.add.f32 [tilespmem:s23], [sflag:$0x3], $0x40, s6, s22, $0xb8;
	[tilespmem:$0x12E40] =	vst v63  }
0x6c: {  	_ =	swait.ge [sflag:s26], $0x2000  }
0x6d: {  	[sflag:s26] =	ssyncset.done $0x0  }
0x6e: {  	s8 =	simm.s32 $0x200;
	[sflag:s26] =	ssyncadd.s32 $0xFFFFE000  }
0x6f: {  	[tilespmem:s23], [sflag:$0x1] =	stream.indirect.gather [hbm4b:s4+s22], $0x40, s8, s22, $0xb8;
	[tilespmem:$0x12E40] =	vst v63  }
0x70: {  	_ =	swait.ge [sflag:s29], $0x2000  }
0x71: {  	[sflag:s29] =	ssyncset.done $0x0  }
0x72: {  	s28 =	simm.s32 $0xFFFF6C00;
	s7 =	simm.s32 $0x2980;
	[sflag:s29] =	ssyncadd.s32 $0xFFFFE000  }
.LBB2_2:
0x73: {  	[spmem:s2] =	stream.indirect.scatter.add.f32 [tilespmem:s24], [sflag:$0x4], $0x40, s7, s22, $0xb8;
	[tilespmem:$0x12E40] =	vst v63  }
0x74: {  	s7 =	smov.u32 s28  }
0x75: {  	p2 =	sne.s32 s28, $0xFFFFFC00;
	s28 =	sadd.s32 $0x400, s28;
	_ =	swait.ge [sflag:s31], $0x2000  }
0x76: {  	s7 =	sshra.s32 s7, $0x2;
	[sflag:s31] =	ssyncset.done $0x0  }
0x77: {  	s6 =	sadd.s32 $0x2780, s7;
	[sflag:s31] =	ssyncadd.s32 $0xFFFFE000  }
0x78: {  	[tilespmem:s24], [sflag:$0x2] =	stream.indirect.gather [hbm4b:s4+s22], $0x40, s6, s22, $0xb8;
	[tilespmem:$0x12E40] =	vst v63  }
0x79: {  	_ =	swait.ge [sflag:s25], $0x2000  }
0x7a: {  	[sflag:s25] =	ssyncset.done $0x0  }
0x7b: {  	s6 =	sadd.s32 $0x4F00, s7;
	[sflag:s25] =	ssyncadd.s32 $0xFFFFE000  }
0x7c: {  	[spmem:s2] =	stream.indirect.scatter.add.f32 [tilespmem:s23], [sflag:$0x3], $0x40, s6, s22, $0xb8;
	[tilespmem:$0x12E40] =	vst v63  }
0x7d: {  	_ =	swait.ge [sflag:s26], $0x2000  }
0x7e: {  	[sflag:s26] =	ssyncset.done $0x0  }
.Ltmp0:
0x7f: {  	s6 =	sadd.s32 $0x2800, s7;
	[sflag:s26] =	ssyncadd.s32 $0xFFFFE000;
	(pc) =	sbr.rel @p2 .LBB2_2-.Ltmp0, $4  }
0x80: {  	[tilespmem:s23], [sflag:$0x1] =	stream.indirect.gather [hbm4b:s4+s22], $0x40, s6, s22, $0xb8;
	[tilespmem:$0x12E40] =	vst v63  }
0x81: {  	_ =	swait.ge [sflag:s29], $0x2000  }
0x82: {  	[sflag:s29] =	ssyncset.done $0x0  }
0x83: {  	s7 =	sadd.s32 $0x4F80, s7;
	[sflag:s29] =	ssyncadd.s32 $0xFFFFE000  }
0x84: {  	[spmem:s2] =	stream.indirect.scatter.add.f32 [tilespmem:s24], [sflag:$0x4], $0x40, s7, s22, $0xb8;
	[tilespmem:$0x12E40] =	vst v63  }
0x85: {  	_ =	swait.ge [sflag:s31], $0x2000  }
0x86: {  	[sflag:s31] =	ssyncset.done $0x0  }
0x87: {  	s6 =	simm.s32 $0x2780;
	[sflag:s31] =	ssyncadd.s32 $0xFFFFE000  }
0x88: {  	[tilespmem:s24], [sflag:$0x2] =	stream.indirect.gather [hbm4b:s4+s22], $0x40, s6, s22, $0xb8;
	[tilespmem:$0x12E40] =	vst v63  }
0x89: {  	_ =	swait.ge [sflag:s25], $0x2000  }
0x8a: {  	[sflag:s25] =	ssyncset.done $0x0  }
0x8b: {  	s7 =	simm.s32 $0x4F00;
	[sflag:s25] =	ssyncadd.s32 $0xFFFFE000  }
0x8c: {  	[spmem:s2] =	stream.indirect.scatter.add.f32 [tilespmem:s23], [sflag:$0x3], $0x40, s7, s22, $0xb8;
	[tilespmem:$0x12E40] =	vst v63  }
0x8d: {  	_ =	swait.ge [sflag:s29], $0x2000  }
0x8e: {  	[sflag:s29] =	ssyncset.done $0x0  }
0x8f: {  	s8 =	simm.s32 $0x4F80;
	[sflag:s29] =	ssyncadd.s32 $0xFFFFE000  }
0x90: {  	[spmem:s2] =	stream.indirect.scatter.add.f32 [tilespmem:s24], [sflag:$0x4], $0x40, s8, s22, $0xb8;
	[tilespmem:$0x12E40] =	vst v63  }
0x91: {  	_ =	swait.ge [sflag:s26], $0x2000  }
0x92: {  	[sflag:s26] =	ssyncset.done $0x0  }
0x93: {  	[sflag:s26] =	ssyncadd.s32 $0xFFFFE000  }
0x94: {  	_ =	swait.ge [sflag:s31], $0x2000  }
0x95: {  	[sflag:s31] =	ssyncset.done $0x0  }
0x96: {  	[sflag:s31] =	ssyncadd.s32 $0xFFFFE000  }
0x97: {  	s6 =	sor.u32 $0x1C06, s9;
	[bflag:$0x0] =	sbarrier.arrive $0xFFFF  }
0x98: {  	[hbm:s11@s30], [sflag:s6] =	dma.strided [spmem:s15@s0], $0x640, s25, $0x8   }
0x99: {  	_ =	swait.ge [sflag:s19], $0x640  }
0x9a: {  	[sflag:s19] =	ssyncset.done $0x0  }
0x9b: {  	[sflag:s19] =	ssyncadd.s32 $0xFFFFF9C0  }
0x9c: {  	[hbm:s12@s30], [sflag:s6] =	dma.strided [spmem:s16@s0], $0x640, s25, $0x8   }
0x9d: {  	_ =	swait.ge [sflag:s19], $0x640  }
0x9e: {  	[sflag:s19] =	ssyncset.done $0x0  }
0x9f: {  	[sflag:s19] =	ssyncadd.s32 $0xFFFFF9C0  }
0xa0: {  	[hbm:s13@s30], [sflag:s6] =	dma.strided [spmem:s17@s0], $0x640, s25, $0x8   }
0xa1: {  	_ =	swait.ge [sflag:s19], $0x640  }
0xa2: {  	s28 =	simm.s32 @!p0 $0x10;
	[sflag:s19] =	ssyncset.done $0x0  }
0xa3: {  	s7 =	simm.s32 @!p0 $0x1;
	s8 =	simm.s32 @!p0 $0x8;
	[sflag:s19] =	ssyncadd.s32 $0xFFFFF9C0  }
0xa4: {  	[hbm:s14@s28], [sflag:s6] =	dma.strided @!p0 [spmem:s18@s8], $0x640, s7, $0x8   }
0xa5: {  	s6 =	simm.s32 @!p0 $0x6  }
0xa6: {  	_ =	swait.ge @!p0 [sflag:s6], $0x640  }
0xa7: {  	s1 =	sadd.s32 $0x1, s1;
	s28 =	rddreg [dreg:$0x6]  }
0xa8: {  	p2 =	sne.s32 s1, s28  }
.Ltmp1:
0xa9: {  	_ = 	snop;
	(pc) =	sbr.rel @p2 .LBB2_1-.Ltmp1, $3  }
0xaa: {  	_ =	sdelay $0x1  }
0xab: {  	[sflag:s6] =	ssyncset.done @!p0 $0x0  }
0xac: {  	[sflag:s6] =	ssyncadd.s32 @!p0 $0xFFFFF9C0  }
0xad: {  	_ =	sfence.sel $0x180000  }
0xae: {  	[bflag:$0x0] =	sbarrier.arrive $0xFFFF  }
0xaf: {  	_ =	strace $0x9000004D  }
0xb0: {  	s0 =	stileid.u32;
	[bflag:$0x2] =	sbarrier.arrive $0xFFFF  }
0xb1: {  	p0 =	sne.s32 s0, $0x0;
	s0 =	rddreg [dreg:$0x3]  }
0xb2: {  	s0 =	sadd.s32 @!p0 $0x100000, s0  }
0xb3: {  	[sflag:s0] =	ssyncadd.tile.s32 @!p0 $0x1;
	_ =	shalt  }
.Lfunc_end2:
_tile_overlayer_lowered:
.L_overlay_start_2:
0xb4: {  	(tag) =	ssettag $0x2  }
0xb5: {  	s0 =	rddreg [dreg:$0x0];
	s2 =	stileid.u32  }
0xb6: {  	s1 =	rddreg [dreg:$0x1];
	p0 =	sne.s32 s2, $0x0  }
0xb7: {  	s3 =	rddreg [dreg:$0x2];
	[bflag:$0x3] =	sbarrier.arrive $0xFFFF;
	s2 =	simm.s32 @!p0 $0x1C06  }
0xb8: {  	[timem:s3], [sflag:s2] =	dma.local @!p0 [hbm:s0], s1  }
0xb9: {  	s0 =	simm.s32 @!p0 $0x6  }
0xba: {  	_ =	swait.ge @!p0 [sflag:s0], s1  }
0xbb: {  	s1 =	ssub.s32 @!p0 $0x0, s1;
	[sflag:s0] =	ssyncset.done @!p0 $0x0  }
0xbc: {  	[sflag:s0] =	ssyncadd.s32 @!p0 s1  }
0xbd: {  	[bflag:$0x3] =	sbarrier.arrive $0xFFFF  }
0xbe: {  	_ =	shalt  }

// kernel: kernel.9.cloned.1.call-start
scs
__scs_entry_jumppad:
0x0: {  	(pc) =	sbr.rel $0x88, $3  }
0x1: {  	(tag) =	ssettag $0x0;
	lr =	simm.s32 $0x1  }
0x2: {  	[smem:$0x3F9B] =	sst lr;
	_ =	strace $0xD0000000  }
0x3: {  	_ = 	snop  }
0x4: {  	_ = 	snop  }
0x5: {  	_ = 	snop  }
0x6: {  	_ = 	snop  }
0x7: {  	_ = 	snop  }
__scs_overlays_trampoline_lowered:
0x8: {  	[smem:$0x3FAA] =	sst s0  }
0x9: {  	[smem:$0x3FAB] =	sst s1  }
0xa: {  	[smem:$0x3FAC] =	sst s2  }
0xb: {  	[smem:$0x3FAD] =	sst s3  }
0xc: {  	[smem:$0x3FAE] =	sst s4  }
0xd: {  	[smem:$0x3FAF] =	sst s5  }
0xe: {  	[smem:$0x3FB0] =	sst s6  }
0xf: {  	[smem:$0x3FB1] =	sst s7  }
0x10: {  	[smem:$0x3FB2] =	sst s8  }
0x11: {  	[smem:$0x3FB3] =	sst s9;
	s0 =	simm.s32 @!p0 $0x0  }
0x12: {  	s1 =	sld [smem:$0x3F99];
	s0 =	simm.s32 @p0 $0x1  }
0x13: {  	[smem:$0x3FB4] =	sst s0;
	s0 =	simm.s32 @!p1 $0x0  }
0x14: {  	s2 =	sld [smem:$0x3F98];
	s0 =	simm.s32 @p1 $0x1  }
0x15: {  	[smem:$0x3FB5] =	sst s0;
	s0 =	simm.s32 @!p2 $0x0  }
0x16: {  	s3 =	sld [smem:$0x3FDB];
	s0 =	simm.s32 @p2 $0x1  }
0x17: {  	s4 =	simm.s32 $0x1BF5;
	[smem:$0x3FB7] =	sst s0  }
0x18: {  	s0 =	sld [smem:$0x3F9A];
	_ =	swait.ge [sflag:s4], $0x0  }
0x19: {  	s7 =	sld [smem:$0x3F9B]  }
0x1a: {  	s8 =	sadd.s32 $0xFFFFE003, lr  }
0x1b: {  	s9 =	sadd.s32 $0xFFFFFEF7, lr;
	s5 =	simm.s32 $0xFFFFFFFF;
	p2 =	slt.u32 s8, $0xFFFFF086  }
0x1c: {  	p1 =	slt.u32 s9, $0xF7A;
	s5 =	simm.s32 @!p2 $0x0  }
0x1d: {  	s5 =	simm.s32 @p1 $0x1;
	p0 =	seq.s32 s7, s2  }
0x1e: {  	s7 =	smul.u32 @!p0 $0xF7A, s2;
	p2 =	seq.s32 @!p0 s5, $0x0  }
0x1f: {  	s9 =	smul.u32 $0xF7A, s1;
	s8 =	simm.s32 @!p0 $0x1BF5;
	p2 =	por !p2, p0  }
0x20: {  	[sflag:s8] =	ssyncset.s32 @!p0 $0xFFFFF086;
	s6 =	sadd.s32 @!p0 s3, s7;
	s7 =	simm.s32 @!p0 $0x108  }
0x21: {  	s3 =	sadd.s32 s3, s9;
	s6 =	sadd.s32 @!p0 $0x88, s6;
	s7 =	simm.s32 @p2 $0x1082  }
0x22: {  	[simem:s7], [sflag:s8] =	dma.local @!p0 [hbm:s6], $0xF7A  }
0x23: {  	s9 =	sor.u32 $0xD0000000, s2;
	s6 =	simm.s32 $0x108;
	_ =	swait.ge @!p0 [sflag:s8], $0x0  }
0x24: {  	s3 =	sadd.s32 $0x88, s3;
	s6 =	simm.s32 @!p1 $0x1082;
	[sflag:s4] =	ssyncset.s32 $0xFFFFF086  }
0x25: {  	[simem:s6], [sflag:s4] =	dma.local [hbm:s3], $0xF7A  }
0x26: {  	[smem:$0x3F9B] =	sst s1;
	(tag) =	ssettag s2;
	_ =	strace s9  }
0x27: {  	s1 =	sld [smem:$0x3FAB]  }
0x28: {  	s2 =	sld [smem:$0x3FAC]  }
0x29: {  	s4 =	sld [smem:$0x3FAE]  }
0x2a: {  	p0 =	seq.s32 s5, $0x0;
	s5 =	sld [smem:$0x3FAF]  }
0x2b: {  	s6 =	sld [smem:$0x3FB0]  }
0x2c: {  	s7 =	sld [smem:$0x3FB1]  }
0x2d: {  	s3 =	simm.s32 $0x108;
	s8 =	sld [smem:$0x3FB2]  }
0x2e: {  	s3 =	simm.s32 @!p0 $0x1082;
	s9 =	sld [smem:$0x3FB3]  }
0x2f: {  	lr =	sadd.s32 s0, s3;
	s0 =	sld [smem:$0x3FAA]  }
0x30: {  	s3 =	sld [smem:$0x3FAD]  }
0x31: {  	[smem:$0x3FB6] =	sst s10  }
0x32: {  	s10 =	sld [smem:$0x3FB4];
	_ =	sdelay $0x3  }
0x33: {  	p0 =	seq.s32 s10, $0x1;
	s10 =	sld [smem:$0x3FB6];
	_ =	sdelay $0x3  }
0x34: {  	[smem:$0x3FB6] =	sst s10  }
0x35: {  	s10 =	sld [smem:$0x3FB5];
	_ =	sdelay $0x3  }
0x36: {  	p1 =	seq.s32 s10, $0x1;
	s10 =	sld [smem:$0x3FB6];
	_ =	sdelay $0x3  }
0x37: {  	[smem:$0x3FB6] =	sst s10  }
0x38: {  	s10 =	sld [smem:$0x3FB7]  }
0x39: {  	_ = 	snop;
	(pc) =	sbr.ind lr, $3  }
0x3a: {  	_ = 	snop  }
0x3b: {  	_ = 	snop  }
0x3c: {  	p2 =	seq.s32 s10, $0x1;
	s10 =	sld [smem:$0x3FB6]  }
0x3d: {  	_ =	shalt  }
0x3e: {  	_ =	shalt  }
0x3f: {  	_ =	shalt  }
0x40: {  	_ =	shalt  }
0x41: {  	_ =	shalt  }
0x42: {  	_ =	shalt  }
0x43: {  	_ =	shalt  }
0x44: {  	_ =	shalt  }
0x45: {  	_ =	shalt  }
0x46: {  	_ =	shalt  }
0x47: {  	_ =	shalt  }
0x48: {  	_ =	shalt  }
0x49: {  	_ =	shalt  }
0x4a: {  	_ =	shalt  }
0x4b: {  	_ =	shalt  }
0x4c: {  	_ =	shalt  }
0x4d: {  	_ =	shalt  }
0x4e: {  	_ =	shalt  }
0x4f: {  	_ =	shalt  }
0x50: {  	_ =	shalt  }
0x51: {  	_ =	shalt  }
0x52: {  	_ =	shalt  }
0x53: {  	_ =	shalt  }
0x54: {  	_ =	shalt  }
0x55: {  	_ =	shalt  }
0x56: {  	_ =	shalt  }
0x57: {  	_ =	shalt  }
0x58: {  	_ =	shalt  }
0x59: {  	_ =	shalt  }
0x5a: {  	_ =	shalt  }
0x5b: {  	_ =	shalt  }
0x5c: {  	_ =	shalt  }
0x5d: {  	_ =	shalt  }
0x5e: {  	_ =	shalt  }
0x5f: {  	_ =	shalt  }
0x60: {  	_ =	shalt  }
0x61: {  	_ =	shalt  }
0x62: {  	_ =	shalt  }
0x63: {  	_ =	shalt  }
0x64: {  	_ =	shalt  }
0x65: {  	_ =	shalt  }
0x66: {  	_ =	shalt  }
0x67: {  	_ =	shalt  }
0x68: {  	_ =	shalt  }
0x69: {  	_ =	shalt  }
0x6a: {  	_ =	shalt  }
0x6b: {  	_ =	shalt  }
0x6c: {  	_ =	shalt  }
0x6d: {  	_ =	shalt  }
0x6e: {  	_ =	shalt  }
0x6f: {  	_ =	shalt  }
0x70: {  	_ =	shalt  }
0x71: {  	_ =	shalt  }
0x72: {  	_ =	shalt  }
0x73: {  	_ =	shalt  }
0x74: {  	_ =	shalt  }
0x75: {  	_ =	shalt  }
0x76: {  	_ =	shalt  }
0x77: {  	_ =	shalt  }
0x78: {  	_ =	shalt  }
0x79: {  	_ =	shalt  }
0x7a: {  	_ =	shalt  }
0x7b: {  	_ =	shalt  }
0x7c: {  	_ =	shalt  }
0x7d: {  	_ =	shalt  }
0x7e: {  	_ =	shalt  }
0x7f: {  	_ =	shalt  }
0x80: {  	_ =	shalt  }
0x81: {  	_ =	shalt  }
0x82: {  	_ =	shalt  }
0x83: {  	_ =	shalt  }
0x84: {  	_ =	shalt  }
0x85: {  	_ =	shalt  }
0x86: {  	_ =	shalt  }
0x87: {  	_ =	shalt  }
.Lfunc_end0:
.L_simem_size_0:
called_computation_lowered:
.L_overlay_start_0:
0x88: {  	s2 =	sld [smem:$0x3FD9]  }
0x89: {  	s3 =	sld [smem:$0x3FFE];
	_ =	sdelay $0x1  }
0x8a: {  	s1 =	srdreg.scid  }
0x8b: {  	s0 =	sand.u32 $0x1, s1  }
0x8c: {  	s17 =	sshll.u32 s0, $0xA;
	s2 =	sadd.s32 s3, s2  }
0x8d: {  	s2 =	sadd.s32 s2, s17  }
0x8e: {  	[smem:$0x3FC2] =	sst s2  }
0x8f: {  	_ = 	snop  }
0x90: {  	s2 =	sld [smem:$0x3FD0];
	(tm) =	ssettm $0x1  }
0x91: {  	s18 =	sld [smem:$0x3FFB];
	_ =	sdelay $0x3  }
0x92: {  	_ =	strace s18  }
0x93: {  	s3 =	sld [smem:$0x3FFC];
	_ =	sdelay $0x3  }
0x94: {  	_ =	strace s3  }
0x95: {  	s3 =	sld [smem:$0x3FFD];
	_ =	sdelay $0x3  }
0x96: {  	_ =	strace s3  }
0x97: {  	_ =	strace $0x8FFFFFFF  }
0x98: {  	s19 =	sld [smem:$0x3FDB];
	_ =	sdelay $0x1  }
0x99: {  	s4 =	simm.s32 $_scs_section_size  }
0x9a: {  	s5 =	simm.s32 $_size__tile_overlayer_lowered;
	s6 =	simm.s32 $_tile_overlayer_lowered  }
0x9b: {  	s22 =	simm.s32 $0x1BFF;
	s21 =	sshll.u32 s6, $0x1;
	s3 =	sadd.s32 s4, s19  }
0x9c: {  	s7 =	simm.s32 $0x0;
	s20 =	sshll.u32 s5, $0x1;
	s5 =	sadd.s32 s21, s3  }
0x9d: {  	[timem:s7], [sflag:s22] =	dma.local [hbm:s5], s20  }
0x9e: {  	_ =	swait.ge [sflag:s22], s20  }
0x9f: {  	s4 =	ssub.s32 $0x0, s20;
	[sflag:s22] =	ssyncset.done $0x0  }
0xa0: {  	[sflag:s22] =	ssyncadd.s32 s4;
	_ =	sdelay $0x1  }
0xa1: {  	s23 =	simm.s32 $0x1B8B  }
0xa2: {  	_ =	swait.ge [sflag:s23], $0x1  }
0xa3: {  	[sflag:s23] =	ssyncset.done $0x0  }
0xa4: {  	s25 =	simm.s32 $0x1B8E;
	s24 =	sld [smem:$0x3FFE];
	[sflag:s23] =	ssyncadd.s32 $0xFFFFFFFF  }
0xa5: {  	s26 =	simm.s32 $execute0_lowered;
	[smem:$0x3FD2] =	sst s25  }
0xa6: {  	s5 =	sshll.u32 s26, $0x1;
	_ =	strace $0x80000046;
	[dreg:$0x1] =	wrdreg $0xFFFFFFFF  }
0xa7: {  	s28 =	simm.s32 $_size_execute0_lowered;
	s3 =	sadd.s32 s3, s5;
	[dreg:$0x0] =	wrdreg $0x0  }
0xa8: {  	s5 =	sshll.u32 s28, $0x1;
	[dreg:$0x2] =	wrdreg s3  }
0xa9: {  	[dreg:$0x3] =	wrdreg s5  }
0xaa: {  	[dreg:$0x4] =	wrdreg $0xC0  }
0xab: {  	_ =	task [dreg:s7], $0x5FFFF  }
0xac: {  	[dreg:$0x1] =	wrdreg $0xFFFFFFFF  }
0xad: {  	[dreg:$0x0] =	wrdreg $0x60  }
0xae: {  	[dreg:$0x2] =	wrdreg s2  }
0xaf: {  	[dreg:$0x3] =	wrdreg s24  }
0xb0: {  	[dreg:$0x4] =	wrdreg $0x30000  }
0xb1: {  	[dreg:$0x5] =	wrdreg $0x9  }
0xb2: {  	_ =	task.clear_ibuf [dreg:s7], $0x6FFFF;
	_ =	strace $0x90000046  }
0xb3: {  	s29 =	simm.s32 $0x9;
	_ =	strace $0x80000048  }
0xb4: {  	_ =	swait.ge [sflag:s29], $0x1  }
0xb5: {  	[sflag:s29] =	ssyncadd.s32 $0xFFFFFFFF  }
0xb6: {  	_ =	strace $0x90000048  }
0xb7: {  	_ =	sfence  }
0xb8: {  	s30 =	sld [smem:$0x0];
	_ =	sdelay $0x2  }
0xb9: {  	s31 =	sshll.u32 s1, $0xD;
	s1 =	sshrl.u32 s1, $0x2  }
0xba: {  	s3 =	sand.u32 $0x4000, s31;
	s1 =	sadd.s32 s1, s30  }
0xbb: {  	s0 =	sor.u32 s3, s0;
	s1 =	sshll.u32 s1, $0x11  }
0xbc: {  	s0 =	sor.u32 s1, s0  }
0xbd: {  	s0 =	sadd.s32 $0x8F2B, s0  }
0xbe: {  	[sflag:s0] =	ssyncadd.remote.s32 $0x1  }
0xbf: {  	_ =	sfence.sel $0xFFFF  }
0xc0: {  	[dreg:$0x0] =	wrdreg $0xFFFFFFFF;
	(pc) =	sbr.abs _section_cstart, $3  }
0xc1: {  	[dreg:$0x1] =	wrdreg $0xFFFFFFFF  }
0xc2: {  	_ =	task.clear_ibuf [dreg:s7], $0x2FFFF;
	_ =	strace $0x9FFFFFFF  }
0xc3: {  	(tm) =	ssettm $0x7FFFFFFF  }
tec
execute0_lowered:
.L_overlay_start_1:
0x0: {  	(tag) =	ssettag $0x1  }
0x1: {  	s0 =	rddreg [dreg:$0x0]  }
0x2: {  	s1 =	rddreg [dreg:$0x1]  }
0x3: {  	s3 =	srdreg.scid;
	s21 =	stileid.u32  }
0x4: {  	s2 =	rddreg [dreg:$0x2];
	s28 =	simm.s32 $0x200;
	s9 =	smul.u32 $0x3200, s21  }
0x5: {  	s29 =	simm.s32 $0x280;
	s19 =	sor.u32 $0x10, s21;
	s22 =	smul.u32 $0xC80, s21  }
0x6: {  	s30 =	simm.s32 $0x1;
	s11 =	sor.u32 $0x20, s21;
	s10 =	smul.u32 $0x3200, s19  }
0x7: {  	s31 =	simm.s32 $0x0;
	s14 =	sor.u32 $0x30, s21;
	s12 =	smul.u32 $0x3200, s11  }
0x8: {  	s6 =	sand.u32 $0x1, s3;
	s4 =	sshll.u32 s21, $0x1;
	s15 =	smul.u32 $0x3200, s14  }
0x9: {  	s3 =	simm.s32 $0x0;
	p1 =	sgt.u32 s21, $0x1;
	s24 =	smul.u32 $0xC80, s19  }
0xa: {  	s4 =	sor.u32 s6, s4;
	[smem:$0x7FF] =	sst s3;
	s19 =	smul.u32 $0xC80, s11  }
0xb: {  	s7 =	ssub.s32 $0x2, s6;
	p0 =	sgt.u32 s14, $0x31;
	s5 =	smul.u32 $0x2710, s4  }
0xc: {  	_ =	strace $0x80000047;
	s4 =	sadd.s32 $0x2400, s1;
	s8 =	sshrl.u32 s7, $0x1  }
0xd: {  	s1 =	sadd.s32 $0x2600, s1;
	s18 =	sshrl.u32 s9, $0x2;
	s7 =	ssub.s32 s7, s8  }
0xe: {  	s13 =	sadd.s32 s18, s2;
	s10 =	sshrl.u32 s10, $0x2;
	s20 =	sshrl.u32 s12, $0x2  }
0xf: {  	s23 =	sshrl.u32 s15, $0x2;
	s5 =	sshrl.u32 s5, $0x3;
	s16 =	sadd.s32 s10, s2  }
0x10: {  	s17 =	sadd.s32 s20, s2;
	s18 =	sadd.s32 s23, s2;
	s20 =	smul.u32 $0xC80, s14  }
0x11: {  	s23 =	sadd.s32 s24, s2;
	s13 =	sshrl.u32 s13, $0x3;
	s0 =	sadd.s32 s0, s5  }
0x12: {  	s14 =	sshrl.u32 s16, $0x3;
	s15 =	sshrl.u32 s17, $0x3;
	s16 =	sshrl.u32 @!p0 s18, $0x3  }
0x13: {  	s17 =	simm.s32 $0x3;
	s18 =	simm.s32 $0x2;
	s5 =	sadd.s32 $0x9C40, s0  }
0x14: {  	s0 =	smul.u32 $0x27100, s6;
	s6 =	smax.u32 s7, $0x1;
	s7 =	sshll.u32 s21, $0x6  }
0x15: {  	s23 =	sshrl.u32 s23, $0x3;
	s21 =	simm.s32 $0x100;
	s8 =	sor.u32 $0x1C02, s7  }
0x16: {  	s25 =	sadd.s32 s0, s22;
	s26 =	sadd.s32 s0, s24;
	s22 =	sadd.s32 s22, s2  }
0x17: {  	s11 =	sadd.s32 s0, s19;
	s0 =	sadd.s32 s0, s20;
	s24 =	sadd.s32 s19, s2  }
0x18: {  	s19 =	simm.s32 $0x80;
	s9 =	sshrl.u32 s25, $0x3;
	s10 =	sshrl.u32 s26, $0x3  }
0x19: {  	v7 =	vlaneseq.u32;
	s11 =	sshrl.u32 s11, $0x3;
	s0 =	sshrl.u32 s0, $0x3;
	s22 =	sshrl.u32 s22, $0x3  }
0x1a: {  	v8 =	vimm.f32 $1.000000000e+00;
	v0 =	vor.u32 $0x2710, v7;
	v1 =	vor.u32 $0x2720, v7;
	s24 =	sshrl.u32 s24, $0x3;
	s26 =	simm.s32 $0x180;
	s9 =	sadd.s32 s1, s9  }
0x1b: {  	v2 =	vor.u32 $0x2730, v7;
	v3 =	vor.u32 $0x2740, v7;
	v4 =	vor.u32 $0x2750, v7;
	s10 =	sadd.s32 s1, s10;
	s12 =	sadd.s32 s1, s0;
	s0 =	sadd.s32 s20, s2  }
0x1c: {  	v5 =	vor.u32 $0x2760, v7;
	v6 =	vor.u32 $0x2770, v7;
	v7 =	vor.u32 $0x2780, v7;
	s11 =	sadd.s32 s1, s11;
	s20 =	simm.s32 $0x2800;
	s25 =	sshrl.u32 @!p0 s0, $0x3  }
.LBB2_1:
0x1d: {  	[spmem:s13], [sflag:s8] =	dma.local [hbm:s4], $0x190  }
0x1e: {  	[spmem:s14], [sflag:s8] =	dma.local [hbm:s4], $0x190  }
0x1f: {  	[spmem:s15], [sflag:s8] =	dma.local [hbm:s4], $0x190  }
0x20: {  	[spmem:s16], [sflag:s8] =	dma.local @!p0 [hbm:s4], $0x190  }
0x21: {  	[tilespmem:s3], [sflag:$0x3] =	stream.linear.gather [hbm4b:s5+s3], $0x2710, $0x38;
	[tilespmem:$0x5790] =	vst v63  }
0x22: {  	_ =	swait.ge [sflag:s17], $0x2710  }
0x23: {  	[sflag:s17] =	ssyncset.done $0x0  }
0x24: {  	[sflag:s17] =	ssyncadd.s32 $0xFFFFD8F0  }
0x25: {  	[tilespmem:$0x2710] =	vst v0  }
0x26: {  	[tilespmem:$0x2720] =	vst v1  }
0x27: {  	[tilespmem:$0x2730] =	vst v2  }
0x28: {  	[tilespmem:$0x2740] =	vst v3  }
0x29: {  	[tilespmem:$0x2750] =	vst v4  }
0x2a: {  	[tilespmem:$0x2760] =	vst v5  }
0x2b: {  	[tilespmem:$0x2770] =	vst v6  }
0x2c: {  	[tilespmem:$0x2780] =	vst v7  }
0x2d: {  	[tilespmem:$0x2790] =	vst v0  }
0x2e: {  	[tilespmem:$0x27A0] =	vst v1  }
0x2f: {  	[tilespmem:$0x27B0] =	vst v2  }
0x30: {  	[tilespmem:$0x27C0] =	vst v3  }
0x31: {  	[tilespmem:$0x27D0] =	vst v4  }
0x32: {  	[tilespmem:$0x27E0] =	vst v5  }
0x33: {  	s1 =	simm.s32 $0x40;
	s0 =	simm.s32 $0x0;
	[tilespmem:$0x27F0] =	vst v6  }
.LBB2_2:
0x34: {  	p2 =	sne.s32 s1, $0x1FC0;
	[tilespmem:s0+$0x2800] =	vst v8;
	s0 =	smov.u32 s1;
	s1 =	sadd.s32 $0x40, s1  }
.Ltmp0:
0x35: {  	(pc) =	sbr.rel @p2 .LBB2_2-.Ltmp0, $2  }
0x36: {  	_ =	sdelay $0x2  }
0x37: {  	s0 =	sshra.s32 s0, $0x2  }
0x38: {  	[tilespmem:s0+$0x2800] =	vst v8  }
0x39: {  	_ =	swait.ge [sflag:s18], $0x190  }
0x3a: {  	[sflag:s18] =	ssyncset.done $0x0  }
0x3b: {  	[sflag:s18] =	ssyncadd.s32 $0xFFFFFE70  }
0x3c: {  	_ =	swait.ge [sflag:s18], $0x190  }
0x3d: {  	[sflag:s18] =	ssyncset.done $0x0  }
0x3e: {  	[sflag:s18] =	ssyncadd.s32 $0xFFFFFE70  }
0x3f: {  	_ =	swait.ge [sflag:s18], $0x190  }
0x40: {  	[sflag:s18] =	ssyncset.done $0x0  }
0x41: {  	s0 =	simm.s32 @!p1 $0x2;
	[sflag:s18] =	ssyncadd.s32 $0xFFFFFE70  }
0x42: {  	_ =	swait.ge @!p1 [sflag:s0], $0x190  }
0x43: {  	[sflag:s0] =	ssyncset.done @!p1 $0x0  }
0x44: {  	[sflag:s0] =	ssyncadd.s32 @!p1 $0xFFFFFE70  }
0x45: {  	[bflag:$0x0] =	sbarrier.arrive $0xFFFF  }
0x46: {  	[spmem:s2] =	stream.indirect.scatter.add.f32 [tilespmem:s20], [sflag:$0x1], $0x10, s3, s19, $0xb8;
	[tilespmem:$0x5790] =	vst v63  }
0x47: {  	_ = 	snop  }
0x48: {  	[spmem:s2] =	stream.indirect.scatter.add.f32 [tilespmem:s20], [sflag:$0x1], $0x10, s19, s19, $0xb8;
	[tilespmem:$0x5790] =	vst v63  }
0x49: {  	_ = 	snop  }
0x4a: {  	[spmem:s2] =	stream.indirect.scatter.add.f32 [tilespmem:s20], [sflag:$0x1], $0x10, s21, s19, $0xb8;
	[tilespmem:$0x5790] =	vst v63  }
0x4b: {  	_ = 	snop  }
0x4c: {  	[spmem:s2] =	stream.indirect.scatter.add.f32 [tilespmem:s20], [sflag:$0x1], $0x10, s26, s19, $0xb8;
	[tilespmem:$0x5790] =	vst v63  }
0x4d: {  	_ = 	snop  }
0x4e: {  	[spmem:s2] =	stream.indirect.scatter.add.f32 [tilespmem:s20], [sflag:$0x1], $0x10, s28, s19, $0xb8;
	[tilespmem:$0x5790] =	vst v63  }
0x4f: {  	_ = 	snop  }
0x50: {  	[spmem:s2] =	stream.indirect.scatter.add.f32 [tilespmem:s20], [sflag:$0x1], $0x10, s29, s19, $0xb8;
	[tilespmem:$0x5790] =	vst v63  }
0x51: {  	s1 =	simm.s32 $0x300  }
0x52: {  	[spmem:s2] =	stream.indirect.scatter.add.f32 [tilespmem:s20], [sflag:$0x1], $0x10, s1, s19, $0xb8;
	[tilespmem:$0x5790] =	vst v63  }
0x53: {  	_ =	swait.ge [sflag:s30], $0x800  }
0x54: {  	s1 =	simm.s32 $0xE00;
	[sflag:s30] =	ssyncset.done $0x0  }
.LBB2_4:
0x55: {  	s0 =	sshra.s32 s1, $0x2;
	[sflag:s30] =	ssyncadd.s32 $0xFFFFF800;
	p2 =	sne.s32 s1, $0x9E00  }
0x56: {  	[spmem:s2] =	stream.indirect.scatter.add.f32 [tilespmem:s20], [sflag:$0x1], $0x10, s0, s19, $0xb8;
	[tilespmem:$0x5790] =	vst v63  }
.Ltmp1:
0x57: {  	_ = 	snop;
	(pc) =	sbr.rel @p2 .LBB2_4-.Ltmp1, $4  }
0x58: {  	_ = 	snop  }
0x59: {  	s1 =	sadd.s32 $0x200, s1  }
0x5a: {  	_ =	swait.ge [sflag:s30], $0x800  }
0x5b: {  	[sflag:s30] =	ssyncset.done $0x0  }
0x5c: {  	[sflag:s30] =	ssyncadd.s32 $0xFFFFF800  }
0x5d: {  	_ =	swait.ge [sflag:s30], $0x800  }
0x5e: {  	[sflag:s30] =	ssyncset.done $0x0  }
0x5f: {  	[sflag:s30] =	ssyncadd.s32 $0xFFFFF800  }
0x60: {  	_ =	swait.ge [sflag:s30], $0x800  }
0x61: {  	[sflag:s30] =	ssyncset.done $0x0  }
0x62: {  	[sflag:s30] =	ssyncadd.s32 $0xFFFFF800  }
0x63: {  	_ =	swait.ge [sflag:s30], $0x800  }
0x64: {  	[sflag:s30] =	ssyncset.done $0x0  }
0x65: {  	[sflag:s30] =	ssyncadd.s32 $0xFFFFF800  }
0x66: {  	_ =	swait.ge [sflag:s30], $0x800  }
0x67: {  	[sflag:s30] =	ssyncset.done $0x0  }
0x68: {  	[sflag:s30] =	ssyncadd.s32 $0xFFFFF800  }
0x69: {  	_ =	swait.ge [sflag:s30], $0x800  }
0x6a: {  	[sflag:s30] =	ssyncset.done $0x0  }
0x6b: {  	[sflag:s30] =	ssyncadd.s32 $0xFFFFF800  }
0x6c: {  	_ =	swait.ge [sflag:s30], $0x800  }
0x6d: {  	[sflag:s30] =	ssyncset.done $0x0  }
0x6e: {  	[sflag:s30] =	ssyncadd.s32 $0xFFFFF800  }
0x6f: {  	s0 =	sor.u32 $0x1C03, s7;
	[bflag:$0x0] =	sbarrier.arrive $0xFFFF  }
0x70: {  	[hbm:s9], [sflag:s0] =	dma.local [spmem:s22], $0x190  }
0x71: {  	_ =	swait.ge [sflag:s17], $0x190  }
0x72: {  	[sflag:s17] =	ssyncset.done $0x0  }
0x73: {  	[sflag:s17] =	ssyncadd.s32 $0xFFFFFE70  }
0x74: {  	[hbm:s10], [sflag:s0] =	dma.local [spmem:s23], $0x190  }
0x75: {  	_ =	swait.ge [sflag:s17], $0x190  }
0x76: {  	[sflag:s17] =	ssyncset.done $0x0  }
0x77: {  	[sflag:s17] =	ssyncadd.s32 $0xFFFFFE70  }
0x78: {  	[hbm:s11], [sflag:s0] =	dma.local [spmem:s24], $0x190  }
0x79: {  	_ =	swait.ge [sflag:s17], $0x190  }
0x7a: {  	s31 =	sadd.s32 $0x1, s31;
	[sflag:s17] =	ssyncset.done $0x0  }
0x7b: {  	p2 =	sne.s32 s31, s6;
	[sflag:s17] =	ssyncadd.s32 $0xFFFFFE70  }
0x7c: {  	[hbm:s12], [sflag:s0] =	dma.local @!p0 [spmem:s25], $0x190  }
.Ltmp2:
0x7d: {  	_ = 	snop;
	(pc) =	sbr.rel @p2 .LBB2_1-.Ltmp2, $4  }
0x7e: {  	s0 =	simm.s32 @!p0 $0x3  }
0x7f: {  	_ =	swait.ge @!p0 [sflag:s0], $0x190  }
0x80: {  	[sflag:s0] =	ssyncset.done @!p0 $0x0  }
0x81: {  	[sflag:s0] =	ssyncadd.s32 @!p0 $0xFFFFFE70  }
0x82: {  	_ =	sfence.sel $0x180000  }
0x83: {  	[bflag:$0x0] =	sbarrier.arrive $0xFFFF  }
0x84: {  	_ =	strace $0x90000047  }
0x85: {  	s0 =	stileid.u32;
	[bflag:$0x2] =	sbarrier.arrive $0xFFFF  }
0x86: {  	p0 =	sne.s32 s0, $0x0;
	s0 =	rddreg [dreg:$0x3]  }
0x87: {  	s0 =	sadd.s32 @!p0 $0x100000, s0  }
0x88: {  	[sflag:s0] =	ssyncadd.tile.s32 @!p0 $0x1;
	_ =	shalt  }
.Lfunc_end2:
_tile_overlayer_lowered:
.L_overlay_start_2:
0x89: {  	(tag) =	ssettag $0x2  }
0x8a: {  	s0 =	rddreg [dreg:$0x0];
	s2 =	stileid.u32  }
0x8b: {  	s1 =	rddreg [dreg:$0x1];
	p0 =	sne.s32 s2, $0x0  }
0x8c: {  	s3 =	rddreg [dreg:$0x2];
	[bflag:$0x3] =	sbarrier.arrive $0xFFFF;
	s2 =	simm.s32 @!p0 $0x1C03  }
0x8d: {  	[timem:s3], [sflag:s2] =	dma.local @!p0 [hbm:s0], s1  }
0x8e: {  	s0 =	simm.s32 @!p0 $0x3  }
0x8f: {  	_ =	swait.ge @!p0 [sflag:s0], s1  }
0x90: {  	s1 =	ssub.s32 @!p0 $0x0, s1;
	[sflag:s0] =	ssyncset.done @!p0 $0x0  }
0x91: {  	[sflag:s0] =	ssyncadd.s32 @!p0 s1  }
0x92: {  	[bflag:$0x3] =	sbarrier.arrive $0xFFFF  }
0x93: {  	_ =	shalt  }

</sc_bundles>
